<compile_context>
chip_gen: v7x
topology: tpu7x:2x2x1
jax: 0.10.2.dev20260603
libtpu: 0.0.44.dev20260713+nightly
codegen_flags: <defaults>
</compile_context>

<pallas_src>
import functools

import jax
import jax.numpy as jnp
import numpy as np
from jax import lax
from jax.experimental import pallas as pl
from jax.experimental.pallas import tpu as pltpu
from jax.experimental.pallas import tpu_sc as plsc

_N_LEVELS = 16
_F = 2
_LOG2_T = 19
_T = 1 << _LOG2_T
_N = 262144
_P2 = np.int32(np.uint32(2654435761).view(np.int32))
_P3 = np.int32(805459861)

_NC = 2
_NS = 16
_NW = _NC * _NS
_PW = _N // _NW
_C = 2048
_NCHUNK = _PW // _C
_G = _C // 16
_DENSE_LEVELS = 3


def _splat(v, dtype=jnp.int32):
    return jnp.full((16,), v, dtype=dtype)


def _body(x_hbm, tab0_hbm, tab1_hbm, out_hbm, x_v, idx_v, feat0_v, feat1_v, out_v, sem):
    cid = lax.axis_index("c")
    sid = lax.axis_index("s")
    wid = sid * _NC + cid
    iota = lax.iota(jnp.int32, 16)

    def load_pos(g, scale):
        px = x_v[pl.ds(g * 16, 16)]
        py = x_v[pl.ds(_C + g * 16, 16)]
        pz = x_v[pl.ds(2 * _C + g * 16, 16)]
        posx = px * scale + 0.5
        posy = py * scale + 0.5
        posz = pz * scale + 0.5
        ix = posx.astype(jnp.int32)
        iy = posy.astype(jnp.int32)
        iz = posz.astype(jnp.int32)
        wx = posx - ix.astype(jnp.float32)
        wy = posy - iy.astype(jnp.float32)
        wz = posz - iz.astype(jnp.float32)
        return ix, iy, iz, wx, wy, wz

    def store_idx(c, g, idx):
        idx_v[pl.ds(c * _C + g * 16, 16)] = idx

    def idx_pass(g, scale, lvl_base, dense, r1):
        ix, iy, iz, _, _, _ = load_pos(g, scale)
        if dense:
            ay0 = iy * r1
            ay1 = ay0 + r1
            r1sq = r1 * r1
            az0 = iz * r1sq
            az1 = az0 + r1sq
            ax0, ax1 = ix, ix + 1
            for c in range(8):
                ax = ax1 if (c >> 2) & 1 else ax0
                ay = ay1 if (c >> 1) & 1 else ay0
                az = az1 if c & 1 else az0
                store_idx(c, g, ax + ay + az + lvl_base)
        else:
            by0 = iy * _P2
            by1 = by0 + _P2
            bz0 = iz * _P3
            bz1 = bz0 + _P3
            ax0, ax1 = ix, ix + 1
            for c in range(8):
                ax = ax1 if (c >> 2) & 1 else ax0
                by = by1 if (c >> 1) & 1 else by0
                bz = bz1 if c & 1 else bz0
                h = (ax ^ by ^ bz) & (_T - 1)
                store_idx(c, g, h + lvl_base)

    def acc_pass(g, scale):
        _, _, _, wx, wy, wz = load_pos(g, scale)
        ux, uy, uz = 1.0 - wx, 1.0 - wy, 1.0 - wz
        w00 = ux * uy
        w01 = ux * wy
        w10 = wx * uy
        w11 = wx * wy
        wxy = (w00, w01, w10, w11)
        acc0 = jnp.zeros((16,), jnp.float32)
        acc1 = jnp.zeros((16,), jnp.float32)
        for c in range(8):
            wc = wxy[c >> 1] * (wz if c & 1 else uz)
            f0 = feat0_v[pl.ds(c * _C + g * 16, 16)]
            f1 = feat1_v[pl.ds(c * _C + g * 16, 16)]
            acc0 = acc0 + wc * f0
            acc1 = acc1 + wc * f1
        out_v[pl.ds(g * 16, 16)] = acc0
        out_v[pl.ds(_C + g * 16, 16)] = acc1

    def do_level(l, scale, cbase, dense, r1):
        def idx_g(g, carry):
            idx_pass(g, scale, l * _T, dense, r1)
            return carry

        lax.fori_loop(0, _G, idx_g, 0)
        cp0 = pltpu.async_copy(tab0_hbm.at[idx_v], feat0_v, sem)
        cp1 = pltpu.async_copy(tab1_hbm.at[idx_v], feat1_v, sem)
        cp0.wait()
        cp1.wait()

        def acc_g(g, carry):
            acc_pass(g, scale)
            return carry

        lax.fori_loop(0, _G, acc_g, 0)
        lf = l * (2 * _N)
        pltpu.sync_copy(out_v.at[pl.ds(0, _C)], out_hbm.at[pl.ds(lf + cbase, _C)])
        pltpu.sync_copy(out_v.at[pl.ds(_C, _C)], out_hbm.at[pl.ds(lf + _N + cbase, _C)])

    def chunk_body(ci, carry):
        cbase = wid * _PW + ci * _C
        for d in range(3):
            pltpu.sync_copy(x_hbm.at[pl.ds(d * _N + cbase, _C)],
                            x_v.at[pl.ds(d * _C, _C)])
        for l in range(_DENSE_LEVELS):
            res = 16 << l
            do_level(l, float(res - 1), cbase, True, res + 1)

        def hash_level(l, c2):
            s_i = lax.shift_left(jnp.int32(1), l + 4)
            scale = s_i.astype(jnp.float32) - 1.0
            do_level(l, scale, cbase, False, 0)
            return c2

        lax.fori_loop(_DENSE_LEVELS, _N_LEVELS, hash_level, 0)
        return carry

    lax.fori_loop(0, _NCHUNK, chunk_body, 0)


_mesh = plsc.VectorSubcoreMesh(
    core_axis_name="c", subcore_axis_name="s", num_cores=_NC, num_subcores=_NS
)

_embed = pl.kernel(
    _body,
    out_type=jax.ShapeDtypeStruct((_N_LEVELS * _F * _N,), jnp.float32),
    mesh=_mesh,
    scratch_types=[
        pltpu.VMEM((3 * _C,), jnp.float32),
        pltpu.VMEM((8 * _C,), jnp.int32),
        pltpu.VMEM((8 * _C,), jnp.float32),
        pltpu.VMEM((8 * _C,), jnp.float32),
        pltpu.VMEM((_F * _C,), jnp.float32),
        pltpu.SemaphoreType.DMA,
    ],
)


def kernel(x, table):
    x_t = x.T.reshape(3 * _N)
    tab = table.reshape(_N_LEVELS * _T, _F)
    out = _embed(x_t, tab[:, 0], tab[:, 1]).reshape(_N_LEVELS, _F, _N)
    return out.transpose(2, 0, 1).reshape(_N, _N_LEVELS * _F)

# --- scband reference (transcript-rebuilt; emitter-appended) ---
"""Pipeline reference for scband-hash-embedder-tcnn-36129264894173 (READ-ONLY COPY).

The authoritative reference and input builder live on the scoring server;
editing this copy changes nothing except your own understanding.
"""

import jax, jax.numpy as jnp
import numpy as np

N_LEVELS = 16
F = 2
LOG2_T = 19
T = 1 << LOG2_T
BASE = 16
SCALE = 2.0
PRIMES = (1, 2654435761, 805459861)
N_PTS = 262144

_OFFS = np.stack(np.meshgrid([0, 1], [0, 1], [0, 1], indexing='ij'), axis=-1).reshape(8, 3).astype(np.float32)


def setup_inputs(seed: int = 0) -> dict:
    key = jax.random.key(seed)
    k1, k2 = jax.random.split(key)
    x = jax.random.uniform(k1, (N_PTS, 3), dtype=jnp.float32)
    table = jax.random.uniform(k2, (N_LEVELS, T, F), dtype=jnp.float32, minval=-1e-4, maxval=1e-4)
    return {"x": x, "table": table}


def _corner_index(pg_i, res):
    # pg_i: int32[N, 8, 3] grid corner coordinates for one level
    if (res + 1) ** 3 <= T:
        # dense (tiled) indexing for coarse levels
        idx = pg_i[..., 0] + pg_i[..., 1] * (res + 1) + pg_i[..., 2] * (res + 1) * (res + 1)
        return idx.astype(jnp.int32)
    u = pg_i.astype(jnp.uint32)
    h = (u[..., 0] * jnp.uint32(PRIMES[0])) ^ (u[..., 1] * jnp.uint32(PRIMES[1])) ^ (u[..., 2] * jnp.uint32(PRIMES[2]))
    return (h & jnp.uint32(T - 1)).astype(jnp.int32)


def reference(x, table):
    offs = jnp.asarray(_OFFS)  # [8, 3]
    outs = []
    for l in range(N_LEVELS):
        scale = BASE * (SCALE ** l) - 1.0
        res = int(np.ceil(scale)) + 1
        pos = x * scale + 0.5
        p0 = jnp.floor(pos)
        w = pos - p0  # [N, 3]
        pg = p0[:, None, :] + offs[None, :, :]  # [N, 8, 3]
        pg_i = pg.astype(jnp.int32)
        idx = _corner_index(pg_i, res)  # [N, 8]
        feats = jnp.take(table[l], idx, axis=0)  # [N, 8, F] gather from hash table
        wc = jnp.where(offs[None, :, :] > 0, w[:, None, :], 1.0 - w[:, None, :])  # [N, 8, 3]
        wprod = jnp.prod(wc, axis=-1)  # [N, 8] trilinear weights
        outs.append(jnp.sum(feats * wprod[..., None], axis=1))  # [N, F]
    return jnp.concatenate(outs, axis=-1)  # [N, 32]

if __name__ == "__main__":
    import jax
    _d = setup_inputs()
    print(jax.jit(kernel)(*tuple(_d.values())))

</pallas_src>

<mosaic_0001>
#map = affine_map<(d0, d1) -> (0)>
module attributes {stable_mosaic.version = 14 : i64} {
  func.func @_body(%arg0: i32, %arg1: i32, %arg2: memref<786432xf32, #tpu.memory_space<hbm>>, %arg3: memref<8388608xf32, #tpu.memory_space<hbm>>, %arg4: memref<8388608xf32, #tpu.memory_space<hbm>>, %arg5: memref<8388608xf32, #tpu.memory_space<hbm>>, %arg6: memref<6144xf32, #tpu.memory_space<vmem>>, %arg7: memref<16384xi32, #tpu.memory_space<vmem>>, %arg8: memref<16384xf32, #tpu.memory_space<vmem>>, %arg9: memref<16384xf32, #tpu.memory_space<vmem>>, %arg10: memref<4096xf32, #tpu.memory_space<vmem>>, %arg11: memref<!tpu.dma_semaphore, #tpu.memory_space<semaphore_mem>>) attributes {dimension_semantics = [#tpu.dimension_semantics<core_parallel>, #tpu.dimension_semantics<subcore_parallel>], iteration_bounds = array<i64: 2, 16>, scalar_prefetch = 0 : i64, scratch_operands = 6 : i64, tpu.core_type = #tpu.core_type<sc_vector_subcore>, window_params = [{transform_indices = #map}, {transform_indices = #map}, {transform_indices = #map}, {transform_indices = #map}]} {
    %mul3A = arith.constant 2 : i32
    %mul3A_0 = arith.muli %arg1, %mul3A : i32
    %add3A = arith.addi %mul3A_0, %arg0 : i32
    %iota3A = tpu.iota {dimensions = array<i32: 0>} : vector<16xi32>
    %scan3A = arith.constant 0 : i32
    %scan3A_1 = arith.constant 0 : i32
    %scan3A_2 = arith.constant 4 : i32
    %scan3A_3 = arith.addi %scan3A_1, %scan3A_2 : i32
    %scan3A_4 = arith.constant 1 : i32
    scf.for %scan3A_6 = %scan3A_1 to %scan3A_3 step %scan3A_4  : i32 {
      %mul3A_7 = arith.constant 8192 : i32
      %mul3A_8 = arith.muli %add3A, %mul3A_7 : i32
      %mul3A_9 = arith.constant 2048 : i32
      %mul3A_10 = arith.muli %scan3A_6, %mul3A_9 : i32
      %add3A_11 = arith.addi %mul3A_8, %mul3A_10 : i32
      %add3A_12 = arith.constant 0 : i32
      %add3A_13 = arith.addi %add3A_12, %add3A_11 : i32
      "tpu.region"() ({
        %run_scoped3A = tpu.sem_alloc : memref<!tpu.dma_semaphore, #tpu.memory_space<semaphore_mem>>
        %dma_start3A_94 = arith.constant 0 : i32
        %dma_start3A_95 = tpu.memref_slice %arg6[%dma_start3A_94] : memref<6144xf32, #tpu.memory_space<vmem>> -> memref<2048xf32, #tpu.memory_space<vmem>>
        %dma_start3A_96 = tpu.memref_slice %arg2[%add3A_13] : memref<786432xf32, #tpu.memory_space<hbm>> -> memref<2048xf32, #tpu.memory_space<hbm>>
        %dma_start3A_97 = arith.constant 0 : i32
        %dma_start3A_98 = tpu.memref_slice %arg6[%dma_start3A_97] : memref<6144xf32, #tpu.memory_space<vmem>> -> memref<2048xf32, #tpu.memory_space<vmem>>
        %dma_start3A_99 = tpu.memref_slice %arg2[%add3A_13] : memref<786432xf32, #tpu.memory_space<hbm>> -> memref<2048xf32, #tpu.memory_space<hbm>>
        tpu.enqueue_dma source(%dma_start3A_99 : memref<2048xf32, #tpu.memory_space<hbm>>) target(%dma_start3A_98 : memref<2048xf32, #tpu.memory_space<vmem>>) target_semaphore(%run_scoped3A : memref<!tpu.dma_semaphore, #tpu.memory_space<semaphore_mem>>)
        %dma_wait3A_100 = arith.constant 0 : i32
        %dma_wait3A_101 = tpu.memref_slice %arg6[%dma_wait3A_100] : memref<6144xf32, #tpu.memory_space<vmem>> -> memref<2048xf32, #tpu.memory_space<vmem>>
        %dma_wait3A_102 = tpu.memref_slice %arg2[%add3A_13] : memref<786432xf32, #tpu.memory_space<hbm>> -> memref<2048xf32, #tpu.memory_space<hbm>>
        %dma_wait3A_103 = arith.constant 0 : i32
        %dma_wait3A_104 = tpu.memref_slice %arg6[%dma_wait3A_103] : memref<6144xf32, #tpu.memory_space<vmem>> -> memref<2048xf32, #tpu.memory_space<vmem>>
        %dma_wait3A_105 = tpu.memref_slice %arg2[%add3A_13] : memref<786432xf32, #tpu.memory_space<hbm>> -> memref<2048xf32, #tpu.memory_space<hbm>>
        tpu.wait_dma2 semaphore(%run_scoped3A : memref<!tpu.dma_semaphore, #tpu.memory_space<semaphore_mem>>) src(%dma_wait3A_105 : memref<2048xf32, #tpu.memory_space<hbm>>) dst(%dma_wait3A_104 : memref<2048xf32, #tpu.memory_space<vmem>>)
        tpu.yield
      }) : () -> ()
      %add3A_14 = arith.constant 262144 : i32
      %add3A_15 = arith.addi %add3A_14, %add3A_11 : i32
      "tpu.region"() ({
        %run_scoped3A = tpu.sem_alloc : memref<!tpu.dma_semaphore, #tpu.memory_space<semaphore_mem>>
        %dma_start3A_94 = arith.constant 2048 : i32
        %dma_start3A_95 = tpu.memref_slice %arg6[%dma_start3A_94] : memref<6144xf32, #tpu.memory_space<vmem>> -> memref<2048xf32, #tpu.memory_space<vmem>>
        %dma_start3A_96 = tpu.memref_slice %arg2[%add3A_15] : memref<786432xf32, #tpu.memory_space<hbm>> -> memref<2048xf32, #tpu.memory_space<hbm>>
        %dma_start3A_97 = arith.constant 2048 : i32
        %dma_start3A_98 = tpu.memref_slice %arg6[%dma_start3A_97] : memref<6144xf32, #tpu.memory_space<vmem>> -> memref<2048xf32, #tpu.memory_space<vmem>>
        %dma_start3A_99 = tpu.memref_slice %arg2[%add3A_15] : memref<786432xf32, #tpu.memory_space<hbm>> -> memref<2048xf32, #tpu.memory_space<hbm>>
        tpu.enqueue_dma source(%dma_start3A_99 : memref<2048xf32, #tpu.memory_space<hbm>>) target(%dma_start3A_98 : memref<2048xf32, #tpu.memory_space<vmem>>) target_semaphore(%run_scoped3A : memref<!tpu.dma_semaphore, #tpu.memory_space<semaphore_mem>>)
        %dma_wait3A_100 = arith.constant 2048 : i32
        %dma_wait3A_101 = tpu.memref_slice %arg6[%dma_wait3A_100] : memref<6144xf32, #tpu.memory_space<vmem>> -> memref<2048xf32, #tpu.memory_space<vmem>>
        %dma_wait3A_102 = tpu.memref_slice %arg2[%add3A_15] : memref<786432xf32, #tpu.memory_space<hbm>> -> memref<2048xf32, #tpu.memory_space<hbm>>
        %dma_wait3A_103 = arith.constant 2048 : i32
        %dma_wait3A_104 = tpu.memref_slice %arg6[%dma_wait3A_103] : memref<6144xf32, #tpu.memory_space<vmem>> -> memref<2048xf32, #tpu.memory_space<vmem>>
        %dma_wait3A_105 = tpu.memref_slice %arg2[%add3A_15] : memref<786432xf32, #tpu.memory_space<hbm>> -> memref<2048xf32, #tpu.memory_space<hbm>>
        tpu.wait_dma2 semaphore(%run_scoped3A : memref<!tpu.dma_semaphore, #tpu.memory_space<semaphore_mem>>) src(%dma_wait3A_105 : memref<2048xf32, #tpu.memory_space<hbm>>) dst(%dma_wait3A_104 : memref<2048xf32, #tpu.memory_space<vmem>>)
        tpu.yield
      }) : () -> ()
      %add3A_16 = arith.constant 524288 : i32
      %add3A_17 = arith.addi %add3A_16, %add3A_11 : i32
      "tpu.region"() ({
        %run_scoped3A = tpu.sem_alloc : memref<!tpu.dma_semaphore, #tpu.memory_space<semaphore_mem>>
        %dma_start3A_94 = arith.constant 4096 : i32
        %dma_start3A_95 = tpu.memref_slice %arg6[%dma_start3A_94] : memref<6144xf32, #tpu.memory_space<vmem>> -> memref<2048xf32, #tpu.memory_space<vmem>>
        %dma_start3A_96 = tpu.memref_slice %arg2[%add3A_17] : memref<786432xf32, #tpu.memory_space<hbm>> -> memref<2048xf32, #tpu.memory_space<hbm>>
        %dma_start3A_97 = arith.constant 4096 : i32
        %dma_start3A_98 = tpu.memref_slice %arg6[%dma_start3A_97] : memref<6144xf32, #tpu.memory_space<vmem>> -> memref<2048xf32, #tpu.memory_space<vmem>>
        %dma_start3A_99 = tpu.memref_slice %arg2[%add3A_17] : memref<786432xf32, #tpu.memory_space<hbm>> -> memref<2048xf32, #tpu.memory_space<hbm>>
        tpu.enqueue_dma source(%dma_start3A_99 : memref<2048xf32, #tpu.memory_space<hbm>>) target(%dma_start3A_98 : memref<2048xf32, #tpu.memory_space<vmem>>) target_semaphore(%run_scoped3A : memref<!tpu.dma_semaphore, #tpu.memory_space<semaphore_mem>>)
        %dma_wait3A_100 = arith.constant 4096 : i32
        %dma_wait3A_101 = tpu.memref_slice %arg6[%dma_wait3A_100] : memref<6144xf32, #tpu.memory_space<vmem>> -> memref<2048xf32, #tpu.memory_space<vmem>>
        %dma_wait3A_102 = tpu.memref_slice %arg2[%add3A_17] : memref<786432xf32, #tpu.memory_space<hbm>> -> memref<2048xf32, #tpu.memory_space<hbm>>
        %dma_wait3A_103 = arith.constant 4096 : i32
        %dma_wait3A_104 = tpu.memref_slice %arg6[%dma_wait3A_103] : memref<6144xf32, #tpu.memory_space<vmem>> -> memref<2048xf32, #tpu.memory_space<vmem>>
        %dma_wait3A_105 = tpu.memref_slice %arg2[%add3A_17] : memref<786432xf32, #tpu.memory_space<hbm>> -> memref<2048xf32, #tpu.memory_space<hbm>>
        tpu.wait_dma2 semaphore(%run_scoped3A : memref<!tpu.dma_semaphore, #tpu.memory_space<semaphore_mem>>) src(%dma_wait3A_105 : memref<2048xf32, #tpu.memory_space<hbm>>) dst(%dma_wait3A_104 : memref<2048xf32, #tpu.memory_space<vmem>>)
        tpu.yield
      }) : () -> ()
      %scan3A_18 = arith.constant 0 : i32
      %scan3A_19 = arith.constant 0 : i32
      %scan3A_20 = arith.constant 128 : i32
      %scan3A_21 = arith.addi %scan3A_19, %scan3A_20 : i32
      %scan3A_22 = arith.constant 1 : i32
      scf.for %scan3A_94 = %scan3A_19 to %scan3A_21 step %scan3A_22  : i32 {
        %mul3A_95 = arith.constant 16 : i32
        %mul3A_96 = arith.muli %scan3A_94, %mul3A_95 : i32
        %get3A = arith.index_cast %mul3A_96 : i32 to index
        %get3A_97 = tpu.vector_load %arg6[%get3A] {strides = array<i32>} : memref<6144xf32, #tpu.memory_space<vmem>>, vector<16xf32>,
        %get3A_98 = vector.shape_cast %get3A_97 : vector<16xf32> to vector<16xf32>
        %mul3A_99 = arith.constant 16 : i32
        %mul3A_100 = arith.muli %scan3A_94, %mul3A_99 : i32
        %add3A_101 = arith.constant 2048 : i32
        %add3A_102 = arith.addi %add3A_101, %mul3A_100 : i32
        %get3A_103 = arith.index_cast %add3A_102 : i32 to index
        %get3A_104 = tpu.vector_load %arg6[%get3A_103] {strides = array<i32>} : memref<6144xf32, #tpu.memory_space<vmem>>, vector<16xf32>,
        %get3A_105 = vector.shape_cast %get3A_104 : vector<16xf32> to vector<16xf32>
        %mul3A_106 = arith.constant 16 : i32
        %mul3A_107 = arith.muli %scan3A_94, %mul3A_106 : i32
        %add3A_108 = arith.constant 4096 : i32
        %add3A_109 = arith.addi %add3A_108, %mul3A_107 : i32
        %get3A_110 = arith.index_cast %add3A_109 : i32 to index
        %get3A_111 = tpu.vector_load %arg6[%get3A_110] {strides = array<i32>} : memref<6144xf32, #tpu.memory_space<vmem>>, vector<16xf32>,
        %get3A_112 = vector.shape_cast %get3A_111 : vector<16xf32> to vector<16xf32>
        %mul3A_113 = arith.constant 1.500000e+01 : f32
        %mul3A_114 = vector.broadcast %mul3A_113 : f32 to vector<16xf32>
        %mul3A_115 = arith.mulf %get3A_98, %mul3A_114 : vector<16xf32>
        %add3A_116 = arith.constant 5.000000e-01 : f32
        %add3A_117 = vector.broadcast %add3A_116 : f32 to vector<16xf32>
        %add3A_118 = arith.addf %mul3A_115, %add3A_117 : vector<16xf32>
        %mul3A_119 = arith.constant 1.500000e+01 : f32
        %mul3A_120 = vector.broadcast %mul3A_119 : f32 to vector<16xf32>
        %mul3A_121 = arith.mulf %get3A_105, %mul3A_120 : vector<16xf32>
        %add3A_122 = arith.constant 5.000000e-01 : f32
        %add3A_123 = vector.broadcast %add3A_122 : f32 to vector<16xf32>
        %add3A_124 = arith.addf %mul3A_121, %add3A_123 : vector<16xf32>
        %mul3A_125 = arith.constant 1.500000e+01 : f32
        %mul3A_126 = vector.broadcast %mul3A_125 : f32 to vector<16xf32>
        %mul3A_127 = arith.mulf %get3A_112, %mul3A_126 : vector<16xf32>
        %add3A_128 = arith.constant 5.000000e-01 : f32
        %add3A_129 = vector.broadcast %add3A_128 : f32 to vector<16xf32>
        %add3A_130 = arith.addf %mul3A_127, %add3A_129 : vector<16xf32>
        %convert_element_type3A = arith.fptosi %add3A_118 : vector<16xf32> to vector<16xi32>
        %convert_element_type3A_131 = arith.fptosi %add3A_124 : vector<16xf32> to vector<16xi32>
        %convert_element_type3A_132 = arith.fptosi %add3A_130 : vector<16xf32> to vector<16xi32>
        %convert_element_type3A_133 = arith.sitofp %convert_element_type3A : vector<16xi32> to vector<16xf32>
        %sub3A = arith.subf %add3A_118, %convert_element_type3A_133 : vector<16xf32>
        %convert_element_type3A_134 = arith.sitofp %convert_element_type3A_131 : vector<16xi32> to vector<16xf32>
        %sub3A_135 = arith.subf %add3A_124, %convert_element_type3A_134 : vector<16xf32>
        %convert_element_type3A_136 = arith.sitofp %convert_element_type3A_132 : vector<16xi32> to vector<16xf32>
        %sub3A_137 = arith.subf %add3A_130, %convert_element_type3A_136 : vector<16xf32>
        %mul3A_138 = arith.constant 17 : i32
        %mul3A_139 = vector.broadcast %mul3A_138 : i32 to vector<16xi32>
        %mul3A_140 = arith.muli %convert_element_type3A_131, %mul3A_139 : vector<16xi32>
        %add3A_141 = arith.constant 17 : i32
        %add3A_142 = vector.broadcast %add3A_141 : i32 to vector<16xi32>
        %add3A_143 = arith.addi %mul3A_140, %add3A_142 : vector<16xi32>
        %mul3A_144 = arith.constant 289 : i32
        %mul3A_145 = vector.broadcast %mul3A_144 : i32 to vector<16xi32>
        %mul3A_146 = arith.muli %convert_element_type3A_132, %mul3A_145 : vector<16xi32>
        %add3A_147 = arith.constant 289 : i32
        %add3A_148 = vector.broadcast %add3A_147 : i32 to vector<16xi32>
        %add3A_149 = arith.addi %mul3A_146, %add3A_148 : vector<16xi32>
        %add3A_150 = arith.constant 1 : i32
        %add3A_151 = vector.broadcast %add3A_150 : i32 to vector<16xi32>
        %add3A_152 = arith.addi %convert_element_type3A, %add3A_151 : vector<16xi32>
        %add3A_153 = arith.addi %convert_element_type3A, %mul3A_140 : vector<16xi32>
        %add3A_154 = arith.addi %add3A_153, %mul3A_146 : vector<16xi32>
        %add3A_155 = arith.constant 0 : i32
        %add3A_156 = vector.broadcast %add3A_155 : i32 to vector<16xi32>
        %add3A_157 = arith.addi %add3A_154, %add3A_156 : vector<16xi32>
        %mul3A_158 = arith.constant 16 : i32
        %mul3A_159 = arith.muli %scan3A_94, %mul3A_158 : i32
        %add3A_160 = arith.constant 0 : i32
        %add3A_161 = arith.addi %add3A_160, %mul3A_159 : i32
        %swap3A = arith.index_cast %add3A_161 : i32 to index
        %swap3A_162 = tpu.vector_load %arg7[%swap3A] {strides = array<i32>} : memref<16384xi32, #tpu.memory_space<vmem>>, vector<16xi32>,
        %swap3A_163 = vector.shape_cast %swap3A_162 : vector<16xi32> to vector<16xi32>
        %swap3A_164 = vector.shape_cast %add3A_157 : vector<16xi32> to vector<16xi32>
        tpu.vector_store %arg7[%swap3A], %swap3A_164 {strides = array<i32>} : memref<16384xi32, #tpu.memory_space<vmem>>, vector<16xi32>,
        %add3A_165 = arith.addi %convert_element_type3A, %mul3A_140 : vector<16xi32>
        %add3A_166 = arith.addi %add3A_165, %add3A_149 : vector<16xi32>
        %add3A_167 = arith.constant 0 : i32
        %add3A_168 = vector.broadcast %add3A_167 : i32 to vector<16xi32>
        %add3A_169 = arith.addi %add3A_166, %add3A_168 : vector<16xi32>
        %mul3A_170 = arith.constant 16 : i32
        %mul3A_171 = arith.muli %scan3A_94, %mul3A_170 : i32
        %add3A_172 = arith.constant 2048 : i32
        %add3A_173 = arith.addi %add3A_172, %mul3A_171 : i32
        %swap3A_174 = arith.index_cast %add3A_173 : i32 to index
        %swap3A_175 = tpu.vector_load %arg7[%swap3A_174] {strides = array<i32>} : memref<16384xi32, #tpu.memory_space<vmem>>, vector<16xi32>,
        %swap3A_176 = vector.shape_cast %swap3A_175 : vector<16xi32> to vector<16xi32>
        %swap3A_177 = vector.shape_cast %add3A_169 : vector<16xi32> to vector<16xi32>
        tpu.vector_store %arg7[%swap3A_174], %swap3A_177 {strides = array<i32>} : memref<16384xi32, #tpu.memory_space<vmem>>, vector<16xi32>,
        %add3A_178 = arith.addi %convert_element_type3A, %add3A_143 : vector<16xi32>
        %add3A_179 = arith.addi %add3A_178, %mul3A_146 : vector<16xi32>
        %add3A_180 = arith.constant 0 : i32
        %add3A_181 = vector.broadcast %add3A_180 : i32 to vector<16xi32>
        %add3A_182 = arith.addi %add3A_179, %add3A_181 : vector<16xi32>
        %mul3A_183 = arith.constant 16 : i32
        %mul3A_184 = arith.muli %scan3A_94, %mul3A_183 : i32
        %add3A_185 = arith.constant 4096 : i32
        %add3A_186 = arith.addi %add3A_185, %mul3A_184 : i32
        %swap3A_187 = arith.index_cast %add3A_186 : i32 to index
        %swap3A_188 = tpu.vector_load %arg7[%swap3A_187] {strides = array<i32>} : memref<16384xi32, #tpu.memory_space<vmem>>, vector<16xi32>,
        %swap3A_189 = vector.shape_cast %swap3A_188 : vector<16xi32> to vector<16xi32>
        %swap3A_190 = vector.shape_cast %add3A_182 : vector<16xi32> to vector<16xi32>
        tpu.vector_store %arg7[%swap3A_187], %swap3A_190 {strides = array<i32>} : memref<16384xi32, #tpu.memory_space<vmem>>, vector<16xi32>,
        %add3A_191 = arith.addi %convert_element_type3A, %add3A_143 : vector<16xi32>
        %add3A_192 = arith.addi %add3A_191, %add3A_149 : vector<16xi32>
        %add3A_193 = arith.constant 0 : i32
        %add3A_194 = vector.broadcast %add3A_193 : i32 to vector<16xi32>
        %add3A_195 = arith.addi %add3A_192, %add3A_194 : vector<16xi32>
        %mul3A_196 = arith.constant 16 : i32
        %mul3A_197 = arith.muli %scan3A_94, %mul3A_196 : i32
        %add3A_198 = arith.constant 6144 : i32
        %add3A_199 = arith.addi %add3A_198, %mul3A_197 : i32
        %swap3A_200 = arith.index_cast %add3A_199 : i32 to index
        %swap3A_201 = tpu.vector_load %arg7[%swap3A_200] {strides = array<i32>} : memref<16384xi32, #tpu.memory_space<vmem>>, vector<16xi32>,
        %swap3A_202 = vector.shape_cast %swap3A_201 : vector<16xi32> to vector<16xi32>
        %swap3A_203 = vector.shape_cast %add3A_195 : vector<16xi32> to vector<16xi32>
        tpu.vector_store %arg7[%swap3A_200], %swap3A_203 {strides = array<i32>} : memref<16384xi32, #tpu.memory_space<vmem>>, vector<16xi32>,
        %add3A_204 = arith.addi %add3A_152, %mul3A_140 : vector<16xi32>
        %add3A_205 = arith.addi %add3A_204, %mul3A_146 : vector<16xi32>
        %add3A_206 = arith.constant 0 : i32
        %add3A_207 = vector.broadcast %add3A_206 : i32 to vector<16xi32>
        %add3A_208 = arith.addi %add3A_205, %add3A_207 : vector<16xi32>
        %mul3A_209 = arith.constant 16 : i32
        %mul3A_210 = arith.muli %scan3A_94, %mul3A_209 : i32
        %add3A_211 = arith.constant 8192 : i32
        %add3A_212 = arith.addi %add3A_211, %mul3A_210 : i32
        %swap3A_213 = arith.index_cast %add3A_212 : i32 to index
        %swap3A_214 = tpu.vector_load %arg7[%swap3A_213] {strides = array<i32>} : memref<16384xi32, #tpu.memory_space<vmem>>, vector<16xi32>,
        %swap3A_215 = vector.shape_cast %swap3A_214 : vector<16xi32> to vector<16xi32>
        %swap3A_216 = vector.shape_cast %add3A_208 : vector<16xi32> to vector<16xi32>
        tpu.vector_store %arg7[%swap3A_213], %swap3A_216 {strides = array<i32>} : memref<16384xi32, #tpu.memory_space<vmem>>, vector<16xi32>,
        %add3A_217 = arith.addi %add3A_152, %mul3A_140 : vector<16xi32>
        %add3A_218 = arith.addi %add3A_217, %add3A_149 : vector<16xi32>
        %add3A_219 = arith.constant 0 : i32
        %add3A_220 = vector.broadcast %add3A_219 : i32 to vector<16xi32>
        %add3A_221 = arith.addi %add3A_218, %add3A_220 : vector<16xi32>
        %mul3A_222 = arith.constant 16 : i32
        %mul3A_223 = arith.muli %scan3A_94, %mul3A_222 : i32
        %add3A_224 = arith.constant 10240 : i32
        %add3A_225 = arith.addi %add3A_224, %mul3A_223 : i32
        %swap3A_226 = arith.index_cast %add3A_225 : i32 to index
        %swap3A_227 = tpu.vector_load %arg7[%swap3A_226] {strides = array<i32>} : memref<16384xi32, #tpu.memory_space<vmem>>, vector<16xi32>,
        %swap3A_228 = vector.shape_cast %swap3A_227 : vector<16xi32> to vector<16xi32>
        %swap3A_229 = vector.shape_cast %add3A_221 : vector<16xi32> to vector<16xi32>
        tpu.vector_store %arg7[%swap3A_226], %swap3A_229 {strides = array<i32>} : memref<16384xi32, #tpu.memory_space<vmem>>, vector<16xi32>,
        %add3A_230 = arith.addi %add3A_152, %add3A_143 : vector<16xi32>
        %add3A_231 = arith.addi %add3A_230, %mul3A_146 : vector<16xi32>
        %add3A_232 = arith.constant 0 : i32
        %add3A_233 = vector.broadcast %add3A_232 : i32 to vector<16xi32>
        %add3A_234 = arith.addi %add3A_231, %add3A_233 : vector<16xi32>
        %mul3A_235 = arith.constant 16 : i32
        %mul3A_236 = arith.muli %scan3A_94, %mul3A_235 : i32
        %add3A_237 = arith.constant 12288 : i32
        %add3A_238 = arith.addi %add3A_237, %mul3A_236 : i32
        %swap3A_239 = arith.index_cast %add3A_238 : i32 to index
        %swap3A_240 = tpu.vector_load %arg7[%swap3A_239] {strides = array<i32>} : memref<16384xi32, #tpu.memory_space<vmem>>, vector<16xi32>,
        %swap3A_241 = vector.shape_cast %swap3A_240 : vector<16xi32> to vector<16xi32>
        %swap3A_242 = vector.shape_cast %add3A_234 : vector<16xi32> to vector<16xi32>
        tpu.vector_store %arg7[%swap3A_239], %swap3A_242 {strides = array<i32>} : memref<16384xi32, #tpu.memory_space<vmem>>, vector<16xi32>,
        %add3A_243 = arith.addi %add3A_152, %add3A_143 : vector<16xi32>
        %add3A_244 = arith.addi %add3A_243, %add3A_149 : vector<16xi32>
        %add3A_245 = arith.constant 0 : i32
        %add3A_246 = vector.broadcast %add3A_245 : i32 to vector<16xi32>
        %add3A_247 = arith.addi %add3A_244, %add3A_246 : vector<16xi32>
        %mul3A_248 = arith.constant 16 : i32
        %mul3A_249 = arith.muli %scan3A_94, %mul3A_248 : i32
        %add3A_250 = arith.constant 14336 : i32
        %add3A_251 = arith.addi %add3A_250, %mul3A_249 : i32
        %swap3A_252 = arith.index_cast %add3A_251 : i32 to index
        %swap3A_253 = tpu.vector_load %arg7[%swap3A_252] {strides = array<i32>} : memref<16384xi32, #tpu.memory_space<vmem>>, vector<16xi32>,
        %swap3A_254 = vector.shape_cast %swap3A_253 : vector<16xi32> to vector<16xi32>
        %swap3A_255 = vector.shape_cast %add3A_247 : vector<16xi32> to vector<16xi32>
        tpu.vector_store %arg7[%swap3A_252], %swap3A_255 {strides = array<i32>} : memref<16384xi32, #tpu.memory_space<vmem>>, vector<16xi32>,
      }
      %scan3A_23 = arith.constant 128 : i32
      %dma_start3A = arith.constant 0 : i32
      %dma_start3A_24 = tpu.memref_slice %arg3[%dma_start3A] : memref<8388608xf32, #tpu.memory_space<hbm>> -> memref<8388608xf32, #tpu.memory_space<hbm>>
      tpu.enqueue_indirect_dma source(%dma_start3A_24 : memref<8388608xf32, #tpu.memory_space<hbm>>) target(%arg8 : memref<16384xf32, #tpu.memory_space<vmem>>) offsets(%arg7 : memref<16384xi32, #tpu.memory_space<vmem>>) semaphore(%arg11 : memref<!tpu.dma_semaphore, #tpu.memory_space<semaphore_mem>>)
      %dma_start3A_25 = arith.constant 0 : i32
      %dma_start3A_26 = tpu.memref_slice %arg4[%dma_start3A_25] : memref<8388608xf32, #tpu.memory_space<hbm>> -> memref<8388608xf32, #tpu.memory_space<hbm>>
      tpu.enqueue_indirect_dma source(%dma_start3A_26 : memref<8388608xf32, #tpu.memory_space<hbm>>) target(%arg9 : memref<16384xf32, #tpu.memory_space<vmem>>) offsets(%arg7 : memref<16384xi32, #tpu.memory_space<vmem>>) semaphore(%arg11 : memref<!tpu.dma_semaphore, #tpu.memory_space<semaphore_mem>>)
      %dma_wait3A = arith.constant 0 : i32
      %dma_wait3A_27 = tpu.memref_slice %arg3[%dma_wait3A] : memref<8388608xf32, #tpu.memory_space<hbm>> -> memref<8388608xf32, #tpu.memory_space<hbm>>
      tpu.wait_indirect_dma semaphore(%arg11 : memref<!tpu.dma_semaphore, #tpu.memory_space<semaphore_mem>>) src(%dma_wait3A_27 : memref<8388608xf32, #tpu.memory_space<hbm>>) dst(%arg8 : memref<16384xf32, #tpu.memory_space<vmem>>)
      %dma_wait3A_28 = arith.constant 0 : i32
      %dma_wait3A_29 = tpu.memref_slice %arg4[%dma_wait3A_28] : memref<8388608xf32, #tpu.memory_space<hbm>> -> memref<8388608xf32, #tpu.memory_space<hbm>>
      tpu.wait_indirect_dma semaphore(%arg11 : memref<!tpu.dma_semaphore, #tpu.memory_space<semaphore_mem>>) src(%dma_wait3A_29 : memref<8388608xf32, #tpu.memory_space<hbm>>) dst(%arg9 : memref<16384xf32, #tpu.memory_space<vmem>>)
      %scan3A_30 = arith.constant 0 : i32
      %scan3A_31 = arith.constant 0 : i32
      %scan3A_32 = arith.constant 128 : i32
      %scan3A_33 = arith.addi %scan3A_31, %scan3A_32 : i32
      %scan3A_34 = arith.constant 1 : i32
      scf.for %scan3A_94 = %scan3A_31 to %scan3A_33 step %scan3A_34  : i32 {
        %mul3A_95 = arith.constant 16 : i32
        %mul3A_96 = arith.muli %scan3A_94, %mul3A_95 : i32
        %get3A = arith.index_cast %mul3A_96 : i32 to index
        %get3A_97 = tpu.vector_load %arg6[%get3A] {strides = array<i32>} : memref<6144xf32, #tpu.memory_space<vmem>>, vector<16xf32>,
        %get3A_98 = vector.shape_cast %get3A_97 : vector<16xf32> to vector<16xf32>
        %mul3A_99 = arith.constant 16 : i32
        %mul3A_100 = arith.muli %scan3A_94, %mul3A_99 : i32
        %add3A_101 = arith.constant 2048 : i32
        %add3A_102 = arith.addi %add3A_101, %mul3A_100 : i32
        %get3A_103 = arith.index_cast %add3A_102 : i32 to index
        %get3A_104 = tpu.vector_load %arg6[%get3A_103] {strides = array<i32>} : memref<6144xf32, #tpu.memory_space<vmem>>, vector<16xf32>,
        %get3A_105 = vector.shape_cast %get3A_104 : vector<16xf32> to vector<16xf32>
        %mul3A_106 = arith.constant 16 : i32
        %mul3A_107 = arith.muli %scan3A_94, %mul3A_106 : i32
        %add3A_108 = arith.constant 4096 : i32
        %add3A_109 = arith.addi %add3A_108, %mul3A_107 : i32
        %get3A_110 = arith.index_cast %add3A_109 : i32 to index
        %get3A_111 = tpu.vector_load %arg6[%get3A_110] {strides = array<i32>} : memref<6144xf32, #tpu.memory_space<vmem>>, vector<16xf32>,
        %get3A_112 = vector.shape_cast %get3A_111 : vector<16xf32> to vector<16xf32>
        %mul3A_113 = arith.constant 1.500000e+01 : f32
        %mul3A_114 = vector.broadcast %mul3A_113 : f32 to vector<16xf32>
        %mul3A_115 = arith.mulf %get3A_98, %mul3A_114 : vector<16xf32>
        %add3A_116 = arith.constant 5.000000e-01 : f32
        %add3A_117 = vector.broadcast %add3A_116 : f32 to vector<16xf32>
        %add3A_118 = arith.addf %mul3A_115, %add3A_117 : vector<16xf32>
        %mul3A_119 = arith.constant 1.500000e+01 : f32
        %mul3A_120 = vector.broadcast %mul3A_119 : f32 to vector<16xf32>
        %mul3A_121 = arith.mulf %get3A_105, %mul3A_120 : vector<16xf32>
        %add3A_122 = arith.constant 5.000000e-01 : f32
        %add3A_123 = vector.broadcast %add3A_122 : f32 to vector<16xf32>
        %add3A_124 = arith.addf %mul3A_121, %add3A_123 : vector<16xf32>
        %mul3A_125 = arith.constant 1.500000e+01 : f32
        %mul3A_126 = vector.broadcast %mul3A_125 : f32 to vector<16xf32>
        %mul3A_127 = arith.mulf %get3A_112, %mul3A_126 : vector<16xf32>
        %add3A_128 = arith.constant 5.000000e-01 : f32
        %add3A_129 = vector.broadcast %add3A_128 : f32 to vector<16xf32>
        %add3A_130 = arith.addf %mul3A_127, %add3A_129 : vector<16xf32>
        %convert_element_type3A = arith.fptosi %add3A_118 : vector<16xf32> to vector<16xi32>
        %convert_element_type3A_131 = arith.fptosi %add3A_124 : vector<16xf32> to vector<16xi32>
        %convert_element_type3A_132 = arith.fptosi %add3A_130 : vector<16xf32> to vector<16xi32>
        %convert_element_type3A_133 = arith.sitofp %convert_element_type3A : vector<16xi32> to vector<16xf32>
        %sub3A = arith.subf %add3A_118, %convert_element_type3A_133 : vector<16xf32>
        %convert_element_type3A_134 = arith.sitofp %convert_element_type3A_131 : vector<16xi32> to vector<16xf32>
        %sub3A_135 = arith.subf %add3A_124, %convert_element_type3A_134 : vector<16xf32>
        %convert_element_type3A_136 = arith.sitofp %convert_element_type3A_132 : vector<16xi32> to vector<16xf32>
        %sub3A_137 = arith.subf %add3A_130, %convert_element_type3A_136 : vector<16xf32>
        %sub3A_138 = arith.constant 1.000000e+00 : f32
        %sub3A_139 = vector.broadcast %sub3A_138 : f32 to vector<16xf32>
        %sub3A_140 = arith.subf %sub3A_139, %sub3A : vector<16xf32>
        %sub3A_141 = arith.constant 1.000000e+00 : f32
        %sub3A_142 = vector.broadcast %sub3A_141 : f32 to vector<16xf32>
        %sub3A_143 = arith.subf %sub3A_142, %sub3A_135 : vector<16xf32>
        %sub3A_144 = arith.constant 1.000000e+00 : f32
        %sub3A_145 = vector.broadcast %sub3A_144 : f32 to vector<16xf32>
        %sub3A_146 = arith.subf %sub3A_145, %sub3A_137 : vector<16xf32>
        %mul3A_147 = arith.mulf %sub3A_140, %sub3A_143 : vector<16xf32>
        %mul3A_148 = arith.mulf %sub3A_140, %sub3A_135 : vector<16xf32>
        %mul3A_149 = arith.mulf %sub3A, %sub3A_143 : vector<16xf32>
        %mul3A_150 = arith.mulf %sub3A, %sub3A_135 : vector<16xf32>
        %broadcast_in_dim3A = arith.constant 0.000000e+00 : f32
        %broadcast_in_dim3A_151 = vector.broadcast %broadcast_in_dim3A : f32 to vector<16xf32>
        %broadcast_in_dim3A_152 = arith.constant 0.000000e+00 : f32
        %broadcast_in_dim3A_153 = vector.broadcast %broadcast_in_dim3A_152 : f32 to vector<16xf32>
        %mul3A_154 = arith.mulf %mul3A_147, %sub3A_146 : vector<16xf32>
        %mul3A_155 = arith.constant 16 : i32
        %mul3A_156 = arith.muli %scan3A_94, %mul3A_155 : i32
        %add3A_157 = arith.constant 0 : i32
        %add3A_158 = arith.addi %add3A_157, %mul3A_156 : i32
        %get3A_159 = arith.index_cast %add3A_158 : i32 to index
        %get3A_160 = tpu.vector_load %arg8[%get3A_159] {strides = array<i32>} : memref<16384xf32, #tpu.memory_space<vmem>>, vector<16xf32>,
        %get3A_161 = vector.shape_cast %get3A_160 : vector<16xf32> to vector<16xf32>
        %mul3A_162 = arith.constant 16 : i32
        %mul3A_163 = arith.muli %scan3A_94, %mul3A_162 : i32
        %add3A_164 = arith.constant 0 : i32
        %add3A_165 = arith.addi %add3A_164, %mul3A_163 : i32
        %get3A_166 = arith.index_cast %add3A_165 : i32 to index
        %get3A_167 = tpu.vector_load %arg9[%get3A_166] {strides = array<i32>} : memref<16384xf32, #tpu.memory_space<vmem>>, vector<16xf32>,
        %get3A_168 = vector.shape_cast %get3A_167 : vector<16xf32> to vector<16xf32>
        %mul3A_169 = arith.mulf %mul3A_154, %get3A_161 : vector<16xf32>
        %add3A_170 = arith.addf %broadcast_in_dim3A_151, %mul3A_169 : vector<16xf32>
        %mul3A_171 = arith.mulf %mul3A_154, %get3A_168 : vector<16xf32>
        %add3A_172 = arith.addf %broadcast_in_dim3A_153, %mul3A_171 : vector<16xf32>
        %mul3A_173 = arith.mulf %mul3A_147, %sub3A_137 : vector<16xf32>
        %mul3A_174 = arith.constant 16 : i32
        %mul3A_175 = arith.muli %scan3A_94, %mul3A_174 : i32
        %add3A_176 = arith.constant 2048 : i32
        %add3A_177 = arith.addi %add3A_176, %mul3A_175 : i32
        %get3A_178 = arith.index_cast %add3A_177 : i32 to index
        %get3A_179 = tpu.vector_load %arg8[%get3A_178] {strides = array<i32>} : memref<16384xf32, #tpu.memory_space<vmem>>, vector<16xf32>,
        %get3A_180 = vector.shape_cast %get3A_179 : vector<16xf32> to vector<16xf32>
        %mul3A_181 = arith.constant 16 : i32
        %mul3A_182 = arith.muli %scan3A_94, %mul3A_181 : i32
        %add3A_183 = arith.constant 2048 : i32
        %add3A_184 = arith.addi %add3A_183, %mul3A_182 : i32
        %get3A_185 = arith.index_cast %add3A_184 : i32 to index
        %get3A_186 = tpu.vector_load %arg9[%get3A_185] {strides = array<i32>} : memref<16384xf32, #tpu.memory_space<vmem>>, vector<16xf32>,
        %get3A_187 = vector.shape_cast %get3A_186 : vector<16xf32> to vector<16xf32>
        %mul3A_188 = arith.mulf %mul3A_173, %get3A_180 : vector<16xf32>
        %add3A_189 = arith.addf %add3A_170, %mul3A_188 : vector<16xf32>
        %mul3A_190 = arith.mulf %mul3A_173, %get3A_187 : vector<16xf32>
        %add3A_191 = arith.addf %add3A_172, %mul3A_190 : vector<16xf32>
        %mul3A_192 = arith.mulf %mul3A_148, %sub3A_146 : vector<16xf32>
        %mul3A_193 = arith.constant 16 : i32
        %mul3A_194 = arith.muli %scan3A_94, %mul3A_193 : i32
        %add3A_195 = arith.constant 4096 : i32
        %add3A_196 = arith.addi %add3A_195, %mul3A_194 : i32
        %get3A_197 = arith.index_cast %add3A_196 : i32 to index
        %get3A_198 = tpu.vector_load %arg8[%get3A_197] {strides = array<i32>} : memref<16384xf32, #tpu.memory_space<vmem>>, vector<16xf32>,
        %get3A_199 = vector.shape_cast %get3A_198 : vector<16xf32> to vector<16xf32>
        %mul3A_200 = arith.constant 16 : i32
        %mul3A_201 = arith.muli %scan3A_94, %mul3A_200 : i32
        %add3A_202 = arith.constant 4096 : i32
        %add3A_203 = arith.addi %add3A_202, %mul3A_201 : i32
        %get3A_204 = arith.index_cast %add3A_203 : i32 to index
        %get3A_205 = tpu.vector_load %arg9[%get3A_204] {strides = array<i32>} : memref<16384xf32, #tpu.memory_space<vmem>>, vector<16xf32>,
        %get3A_206 = vector.shape_cast %get3A_205 : vector<16xf32> to vector<16xf32>
        %mul3A_207 = arith.mulf %mul3A_192, %get3A_199 : vector<16xf32>
        %add3A_208 = arith.addf %add3A_189, %mul3A_207 : vector<16xf32>
        %mul3A_209 = arith.mulf %mul3A_192, %get3A_206 : vector<16xf32>
        %add3A_210 = arith.addf %add3A_191, %mul3A_209 : vector<16xf32>
        %mul3A_211 = arith.mulf %mul3A_148, %sub3A_137 : vector<16xf32>
        %mul3A_212 = arith.constant 16 : i32
        %mul3A_213 = arith.muli %scan3A_94, %mul3A_212 : i32
        %add3A_214 = arith.constant 6144 : i32
        %add3A_215 = arith.addi %add3A_214, %mul3A_213 : i32
        %get3A_216 = arith.index_cast %add3A_215 : i32 to index
        %get3A_217 = tpu.vector_load %arg8[%get3A_216] {strides = array<i32>} : memref<16384xf32, #tpu.memory_space<vmem>>, vector<16xf32>,
        %get3A_218 = vector.shape_cast %get3A_217 : vector<16xf32> to vector<16xf32>
        %mul3A_219 = arith.constant 16 : i32
        %mul3A_220 = arith.muli %scan3A_94, %mul3A_219 : i32
        %add3A_221 = arith.constant 6144 : i32
        %add3A_222 = arith.addi %add3A_221, %mul3A_220 : i32
        %get3A_223 = arith.index_cast %add3A_222 : i32 to index
        %get3A_224 = tpu.vector_load %arg9[%get3A_223] {strides = array<i32>} : memref<16384xf32, #tpu.memory_space<vmem>>, vector<16xf32>,
        %get3A_225 = vector.shape_cast %get3A_224 : vector<16xf32> to vector<16xf32>
        %mul3A_226 = arith.mulf %mul3A_211, %get3A_218 : vector<16xf32>
        %add3A_227 = arith.addf %add3A_208, %mul3A_226 : vector<16xf32>
        %mul3A_228 = arith.mulf %mul3A_211, %get3A_225 : vector<16xf32>
        %add3A_229 = arith.addf %add3A_210, %mul3A_228 : vector<16xf32>
        %mul3A_230 = arith.mulf %mul3A_149, %sub3A_146 : vector<16xf32>
        %mul3A_231 = arith.constant 16 : i32
        %mul3A_232 = arith.muli %scan3A_94, %mul3A_231 : i32
        %add3A_233 = arith.constant 8192 : i32
        %add3A_234 = arith.addi %add3A_233, %mul3A_232 : i32
        %get3A_235 = arith.index_cast %add3A_234 : i32 to index
        %get3A_236 = tpu.vector_load %arg8[%get3A_235] {strides = array<i32>} : memref<16384xf32, #tpu.memory_space<vmem>>, vector<16xf32>,
        %get3A_237 = vector.shape_cast %get3A_236 : vector<16xf32> to vector<16xf32>
        %mul3A_238 = arith.constant 16 : i32
        %mul3A_239 = arith.muli %scan3A_94, %mul3A_238 : i32
        %add3A_240 = arith.constant 8192 : i32
        %add3A_241 = arith.addi %add3A_240, %mul3A_239 : i32
        %get3A_242 = arith.index_cast %add3A_241 : i32 to index
        %get3A_243 = tpu.vector_load %arg9[%get3A_242] {strides = array<i32>} : memref<16384xf32, #tpu.memory_space<vmem>>, vector<16xf32>,
        %get3A_244 = vector.shape_cast %get3A_243 : vector<16xf32> to vector<16xf32>
        %mul3A_245 = arith.mulf %mul3A_230, %get3A_237 : vector<16xf32>
        %add3A_246 = arith.addf %add3A_227, %mul3A_245 : vector<16xf32>
        %mul3A_247 = arith.mulf %mul3A_230, %get3A_244 : vector<16xf32>
        %add3A_248 = arith.addf %add3A_229, %mul3A_247 : vector<16xf32>
        %mul3A_249 = arith.mulf %mul3A_149, %sub3A_137 : vector<16xf32>
        %mul3A_250 = arith.constant 16 : i32
        %mul3A_251 = arith.muli %scan3A_94, %mul3A_250 : i32
        %add3A_252 = arith.constant 10240 : i32
        %add3A_253 = arith.addi %add3A_252, %mul3A_251 : i32
        %get3A_254 = arith.index_cast %add3A_253 : i32 to index
        %get3A_255 = tpu.vector_load %arg8[%get3A_254] {strides = array<i32>} : memref<16384xf32, #tpu.memory_space<vmem>>, vector<16xf32>,
        %get3A_256 = vector.shape_cast %get3A_255 : vector<16xf32> to vector<16xf32>
        %mul3A_257 = arith.constant 16 : i32
        %mul3A_258 = arith.muli %scan3A_94, %mul3A_257 : i32
        %add3A_259 = arith.constant 10240 : i32
        %add3A_260 = arith.addi %add3A_259, %mul3A_258 : i32
        %get3A_261 = arith.index_cast %add3A_260 : i32 to index
        %get3A_262 = tpu.vector_load %arg9[%get3A_261] {strides = array<i32>} : memref<16384xf32, #tpu.memory_space<vmem>>, vector<16xf32>,
        %get3A_263 = vector.shape_cast %get3A_262 : vector<16xf32> to vector<16xf32>
        %mul3A_264 = arith.mulf %mul3A_249, %get3A_256 : vector<16xf32>
        %add3A_265 = arith.addf %add3A_246, %mul3A_264 : vector<16xf32>
        %mul3A_266 = arith.mulf %mul3A_249, %get3A_263 : vector<16xf32>
        %add3A_267 = arith.addf %add3A_248, %mul3A_266 : vector<16xf32>
        %mul3A_268 = arith.mulf %mul3A_150, %sub3A_146 : vector<16xf32>
        %mul3A_269 = arith.constant 16 : i32
        %mul3A_270 = arith.muli %scan3A_94, %mul3A_269 : i32
        %add3A_271 = arith.constant 12288 : i32
        %add3A_272 = arith.addi %add3A_271, %mul3A_270 : i32
        %get3A_273 = arith.index_cast %add3A_272 : i32 to index
        %get3A_274 = tpu.vector_load %arg8[%get3A_273] {strides = array<i32>} : memref<16384xf32, #tpu.memory_space<vmem>>, vector<16xf32>,
        %get3A_275 = vector.shape_cast %get3A_274 : vector<16xf32> to vector<16xf32>
        %mul3A_276 = arith.constant 16 : i32
        %mul3A_277 = arith.muli %scan3A_94, %mul3A_276 : i32
        %add3A_278 = arith.constant 12288 : i32
        %add3A_279 = arith.addi %add3A_278, %mul3A_277 : i32
        %get3A_280 = arith.index_cast %add3A_279 : i32 to index
        %get3A_281 = tpu.vector_load %arg9[%get3A_280] {strides = array<i32>} : memref<16384xf32, #tpu.memory_space<vmem>>, vector<16xf32>,
        %get3A_282 = vector.shape_cast %get3A_281 : vector<16xf32> to vector<16xf32>
        %mul3A_283 = arith.mulf %mul3A_268, %get3A_275 : vector<16xf32>
        %add3A_284 = arith.addf %add3A_265, %mul3A_283 : vector<16xf32>
        %mul3A_285 = arith.mulf %mul3A_268, %get3A_282 : vector<16xf32>
        %add3A_286 = arith.addf %add3A_267, %mul3A_285 : vector<16xf32>
        %mul3A_287 = arith.mulf %mul3A_150, %sub3A_137 : vector<16xf32>
        %mul3A_288 = arith.constant 16 : i32
        %mul3A_289 = arith.muli %scan3A_94, %mul3A_288 : i32
        %add3A_290 = arith.constant 14336 : i32
        %add3A_291 = arith.addi %add3A_290, %mul3A_289 : i32
        %get3A_292 = arith.index_cast %add3A_291 : i32 to index
        %get3A_293 = tpu.vector_load %arg8[%get3A_292] {strides = array<i32>} : memref<16384xf32, #tpu.memory_space<vmem>>, vector<16xf32>,
        %get3A_294 = vector.shape_cast %get3A_293 : vector<16xf32> to vector<16xf32>
        %mul3A_295 = arith.constant 16 : i32
        %mul3A_296 = arith.muli %scan3A_94, %mul3A_295 : i32
        %add3A_297 = arith.constant 14336 : i32
        %add3A_298 = arith.addi %add3A_297, %mul3A_296 : i32
        %get3A_299 = arith.index_cast %add3A_298 : i32 to index
        %get3A_300 = tpu.vector_load %arg9[%get3A_299] {strides = array<i32>} : memref<16384xf32, #tpu.memory_space<vmem>>, vector<16xf32>,
        %get3A_301 = vector.shape_cast %get3A_300 : vector<16xf32> to vector<16xf32>
        %mul3A_302 = arith.mulf %mul3A_287, %get3A_294 : vector<16xf32>
        %add3A_303 = arith.addf %add3A_284, %mul3A_302 : vector<16xf32>
        %mul3A_304 = arith.mulf %mul3A_287, %get3A_301 : vector<16xf32>
        %add3A_305 = arith.addf %add3A_286, %mul3A_304 : vector<16xf32>
        %mul3A_306 = arith.constant 16 : i32
        %mul3A_307 = arith.muli %scan3A_94, %mul3A_306 : i32
        %swap3A = arith.index_cast %mul3A_307 : i32 to index
        %swap3A_308 = tpu.vector_load %arg10[%swap3A] {strides = array<i32>} : memref<4096xf32, #tpu.memory_space<vmem>>, vector<16xf32>,
        %swap3A_309 = vector.shape_cast %swap3A_308 : vector<16xf32> to vector<16xf32>
        %swap3A_310 = vector.shape_cast %add3A_303 : vector<16xf32> to vector<16xf32>
        tpu.vector_store %arg10[%swap3A], %swap3A_310 {strides = array<i32>} : memref<4096xf32, #tpu.memory_space<vmem>>, vector<16xf32>,
        %mul3A_311 = arith.constant 16 : i32
        %mul3A_312 = arith.muli %scan3A_94, %mul3A_311 : i32
        %add3A_313 = arith.constant 2048 : i32
        %add3A_314 = arith.addi %add3A_313, %mul3A_312 : i32
        %swap3A_315 = arith.index_cast %add3A_314 : i32 to index
        %swap3A_316 = tpu.vector_load %arg10[%swap3A_315] {strides = array<i32>} : memref<4096xf32, #tpu.memory_space<vmem>>, vector<16xf32>,
        %swap3A_317 = vector.shape_cast %swap3A_316 : vector<16xf32> to vector<16xf32>
        %swap3A_318 = vector.shape_cast %add3A_305 : vector<16xf32> to vector<16xf32>
        tpu.vector_store %arg10[%swap3A_315], %swap3A_318 {strides = array<i32>} : memref<4096xf32, #tpu.memory_space<vmem>>, vector<16xf32>,
      }
      %scan3A_35 = arith.constant 128 : i32
      %add3A_36 = arith.constant 0 : i32
      %add3A_37 = arith.addi %add3A_36, %add3A_11 : i32
      "tpu.region"() ({
        %run_scoped3A = tpu.sem_alloc : memref<!tpu.dma_semaphore, #tpu.memory_space<semaphore_mem>>
        %dma_start3A_94 = arith.constant 0 : i32
        %dma_start3A_95 = tpu.memref_slice %arg10[%dma_start3A_94] : memref<4096xf32, #tpu.memory_space<vmem>> -> memref<2048xf32, #tpu.memory_space<vmem>>
        %dma_start3A_96 = tpu.memref_slice %arg5[%add3A_37] : memref<8388608xf32, #tpu.memory_space<hbm>> -> memref<2048xf32, #tpu.memory_space<hbm>>
        %dma_start3A_97 = tpu.memref_slice %arg5[%add3A_37] : memref<8388608xf32, #tpu.memory_space<hbm>> -> memref<2048xf32, #tpu.memory_space<hbm>>
        %dma_start3A_98 = arith.constant 0 : i32
        %dma_start3A_99 = tpu.memref_slice %arg10[%dma_start3A_98] : memref<4096xf32, #tpu.memory_space<vmem>> -> memref<2048xf32, #tpu.memory_space<vmem>>
        tpu.enqueue_dma source(%dma_start3A_99 : memref<2048xf32, #tpu.memory_space<vmem>>) target(%dma_start3A_97 : memref<2048xf32, #tpu.memory_space<hbm>>) target_semaphore(%run_scoped3A : memref<!tpu.dma_semaphore, #tpu.memory_space<semaphore_mem>>)
        %dma_wait3A_100 = arith.constant 0 : i32
        %dma_wait3A_101 = tpu.memref_slice %arg10[%dma_wait3A_100] : memref<4096xf32, #tpu.memory_space<vmem>> -> memref<2048xf32, #tpu.memory_space<vmem>>
        %dma_wait3A_102 = tpu.memref_slice %arg5[%add3A_37] : memref<8388608xf32, #tpu.memory_space<hbm>> -> memref<2048xf32, #tpu.memory_space<hbm>>
        %dma_wait3A_103 = tpu.memref_slice %arg5[%add3A_37] : memref<8388608xf32, #tpu.memory_space<hbm>> -> memref<2048xf32, #tpu.memory_space<hbm>>
        %dma_wait3A_104 = arith.constant 0 : i32
        %dma_wait3A_105 = tpu.memref_slice %arg10[%dma_wait3A_104] : memref<4096xf32, #tpu.memory_space<vmem>> -> memref<2048xf32, #tpu.memory_space<vmem>>
        tpu.wait_dma2 semaphore(%run_scoped3A : memref<!tpu.dma_semaphore, #tpu.memory_space<semaphore_mem>>) src(%dma_wait3A_105 : memref<2048xf32, #tpu.memory_space<vmem>>) dst(%dma_wait3A_103 : memref<2048xf32, #tpu.memory_space<hbm>>)
        tpu.yield
      }) : () -> ()
      %add3A_38 = arith.constant 262144 : i32
      %add3A_39 = arith.addi %add3A_38, %add3A_11 : i32
      "tpu.region"() ({
        %run_scoped3A = tpu.sem_alloc : memref<!tpu.dma_semaphore, #tpu.memory_space<semaphore_mem>>
        %dma_start3A_94 = arith.constant 2048 : i32
        %dma_start3A_95 = tpu.memref_slice %arg10[%dma_start3A_94] : memref<4096xf32, #tpu.memory_space<vmem>> -> memref<2048xf32, #tpu.memory_space<vmem>>
        %dma_start3A_96 = tpu.memref_slice %arg5[%add3A_39] : memref<8388608xf32, #tpu.memory_space<hbm>> -> memref<2048xf32, #tpu.memory_space<hbm>>
        %dma_start3A_97 = tpu.memref_slice %arg5[%add3A_39] : memref<8388608xf32, #tpu.memory_space<hbm>> -> memref<2048xf32, #tpu.memory_space<hbm>>
        %dma_start3A_98 = arith.constant 2048 : i32
        %dma_start3A_99 = tpu.memref_slice %arg10[%dma_start3A_98] : memref<4096xf32, #tpu.memory_space<vmem>> -> memref<2048xf32, #tpu.memory_space<vmem>>
        tpu.enqueue_dma source(%dma_start3A_99 : memref<2048xf32, #tpu.memory_space<vmem>>) target(%dma_start3A_97 : memref<2048xf32, #tpu.memory_space<hbm>>) target_semaphore(%run_scoped3A : memref<!tpu.dma_semaphore, #tpu.memory_space<semaphore_mem>>)
        %dma_wait3A_100 = arith.constant 2048 : i32
        %dma_wait3A_101 = tpu.memref_slice %arg10[%dma_wait3A_100] : memref<4096xf32, #tpu.memory_space<vmem>> -> memref<2048xf32, #tpu.memory_space<vmem>>
        %dma_wait3A_102 = tpu.memref_slice %arg5[%add3A_39] : memref<8388608xf32, #tpu.memory_space<hbm>> -> memref<2048xf32, #tpu.memory_space<hbm>>
        %dma_wait3A_103 = tpu.memref_slice %arg5[%add3A_39] : memref<8388608xf32, #tpu.memory_space<hbm>> -> memref<2048xf32, #tpu.memory_space<hbm>>
        %dma_wait3A_104 = arith.constant 2048 : i32
        %dma_wait3A_105 = tpu.memref_slice %arg10[%dma_wait3A_104] : memref<4096xf32, #tpu.memory_space<vmem>> -> memref<2048xf32, #tpu.memory_space<vmem>>
        tpu.wait_dma2 semaphore(%run_scoped3A : memref<!tpu.dma_semaphore, #tpu.memory_space<semaphore_mem>>) src(%dma_wait3A_105 : memref<2048xf32, #tpu.memory_space<vmem>>) dst(%dma_wait3A_103 : memref<2048xf32, #tpu.memory_space<hbm>>)
        tpu.yield
      }) : () -> ()
      %scan3A_40 = arith.constant 0 : i32
      %scan3A_41 = arith.constant 0 : i32
      %scan3A_42 = arith.constant 128 : i32
      %scan3A_43 = arith.addi %scan3A_41, %scan3A_42 : i32
      %scan3A_44 = arith.constant 1 : i32
      scf.for %scan3A_94 = %scan3A_41 to %scan3A_43 step %scan3A_44  : i32 {
        %mul3A_95 = arith.constant 16 : i32
        %mul3A_96 = arith.muli %scan3A_94, %mul3A_95 : i32
        %get3A = arith.index_cast %mul3A_96 : i32 to index
        %get3A_97 = tpu.vector_load %arg6[%get3A] {strides = array<i32>} : memref<6144xf32, #tpu.memory_space<vmem>>, vector<16xf32>,
        %get3A_98 = vector.shape_cast %get3A_97 : vector<16xf32> to vector<16xf32>
        %mul3A_99 = arith.constant 16 : i32
        %mul3A_100 = arith.muli %scan3A_94, %mul3A_99 : i32
        %add3A_101 = arith.constant 2048 : i32
        %add3A_102 = arith.addi %add3A_101, %mul3A_100 : i32
        %get3A_103 = arith.index_cast %add3A_102 : i32 to index
        %get3A_104 = tpu.vector_load %arg6[%get3A_103] {strides = array<i32>} : memref<6144xf32, #tpu.memory_space<vmem>>, vector<16xf32>,
        %get3A_105 = vector.shape_cast %get3A_104 : vector<16xf32> to vector<16xf32>
        %mul3A_106 = arith.constant 16 : i32
        %mul3A_107 = arith.muli %scan3A_94, %mul3A_106 : i32
        %add3A_108 = arith.constant 4096 : i32
        %add3A_109 = arith.addi %add3A_108, %mul3A_107 : i32
        %get3A_110 = arith.index_cast %add3A_109 : i32 to index
        %get3A_111 = tpu.vector_load %arg6[%get3A_110] {strides = array<i32>} : memref<6144xf32, #tpu.memory_space<vmem>>, vector<16xf32>,
        %get3A_112 = vector.shape_cast %get3A_111 : vector<16xf32> to vector<16xf32>
        %mul3A_113 = arith.constant 3.100000e+01 : f32
        %mul3A_114 = vector.broadcast %mul3A_113 : f32 to vector<16xf32>
        %mul3A_115 = arith.mulf %get3A_98, %mul3A_114 : vector<16xf32>
        %add3A_116 = arith.constant 5.000000e-01 : f32
        %add3A_117 = vector.broadcast %add3A_116 : f32 to vector<16xf32>
        %add3A_118 = arith.addf %mul3A_115, %add3A_117 : vector<16xf32>
        %mul3A_119 = arith.constant 3.100000e+01 : f32
        %mul3A_120 = vector.broadcast %mul3A_119 : f32 to vector<16xf32>
        %mul3A_121 = arith.mulf %get3A_105, %mul3A_120 : vector<16xf32>
        %add3A_122 = arith.constant 5.000000e-01 : f32
        %add3A_123 = vector.broadcast %add3A_122 : f32 to vector<16xf32>
        %add3A_124 = arith.addf %mul3A_121, %add3A_123 : vector<16xf32>
        %mul3A_125 = arith.constant 3.100000e+01 : f32
        %mul3A_126 = vector.broadcast %mul3A_125 : f32 to vector<16xf32>
        %mul3A_127 = arith.mulf %get3A_112, %mul3A_126 : vector<16xf32>
        %add3A_128 = arith.constant 5.000000e-01 : f32
        %add3A_129 = vector.broadcast %add3A_128 : f32 to vector<16xf32>
        %add3A_130 = arith.addf %mul3A_127, %add3A_129 : vector<16xf32>
        %convert_element_type3A = arith.fptosi %add3A_118 : vector<16xf32> to vector<16xi32>
        %convert_element_type3A_131 = arith.fptosi %add3A_124 : vector<16xf32> to vector<16xi32>
        %convert_element_type3A_132 = arith.fptosi %add3A_130 : vector<16xf32> to vector<16xi32>
        %convert_element_type3A_133 = arith.sitofp %convert_element_type3A : vector<16xi32> to vector<16xf32>
        %sub3A = arith.subf %add3A_118, %convert_element_type3A_133 : vector<16xf32>
        %convert_element_type3A_134 = arith.sitofp %convert_element_type3A_131 : vector<16xi32> to vector<16xf32>
        %sub3A_135 = arith.subf %add3A_124, %convert_element_type3A_134 : vector<16xf32>
        %convert_element_type3A_136 = arith.sitofp %convert_element_type3A_132 : vector<16xi32> to vector<16xf32>
        %sub3A_137 = arith.subf %add3A_130, %convert_element_type3A_136 : vector<16xf32>
        %mul3A_138 = arith.constant 33 : i32
        %mul3A_139 = vector.broadcast %mul3A_138 : i32 to vector<16xi32>
        %mul3A_140 = arith.muli %convert_element_type3A_131, %mul3A_139 : vector<16xi32>
        %add3A_141 = arith.constant 33 : i32
        %add3A_142 = vector.broadcast %add3A_141 : i32 to vector<16xi32>
        %add3A_143 = arith.addi %mul3A_140, %add3A_142 : vector<16xi32>
        %mul3A_144 = arith.constant 1089 : i32
        %mul3A_145 = vector.broadcast %mul3A_144 : i32 to vector<16xi32>
        %mul3A_146 = arith.muli %convert_element_type3A_132, %mul3A_145 : vector<16xi32>
        %add3A_147 = arith.constant 1089 : i32
        %add3A_148 = vector.broadcast %add3A_147 : i32 to vector<16xi32>
        %add3A_149 = arith.addi %mul3A_146, %add3A_148 : vector<16xi32>
        %add3A_150 = arith.constant 1 : i32
        %add3A_151 = vector.broadcast %add3A_150 : i32 to vector<16xi32>
        %add3A_152 = arith.addi %convert_element_type3A, %add3A_151 : vector<16xi32>
        %add3A_153 = arith.addi %convert_element_type3A, %mul3A_140 : vector<16xi32>
        %add3A_154 = arith.addi %add3A_153, %mul3A_146 : vector<16xi32>
        %add3A_155 = arith.constant 524288 : i32
        %add3A_156 = vector.broadcast %add3A_155 : i32 to vector<16xi32>
        %add3A_157 = arith.addi %add3A_154, %add3A_156 : vector<16xi32>
        %mul3A_158 = arith.constant 16 : i32
        %mul3A_159 = arith.muli %scan3A_94, %mul3A_158 : i32
        %add3A_160 = arith.constant 0 : i32
        %add3A_161 = arith.addi %add3A_160, %mul3A_159 : i32
        %swap3A = arith.index_cast %add3A_161 : i32 to index
        %swap3A_162 = tpu.vector_load %arg7[%swap3A] {strides = array<i32>} : memref<16384xi32, #tpu.memory_space<vmem>>, vector<16xi32>,
        %swap3A_163 = vector.shape_cast %swap3A_162 : vector<16xi32> to vector<16xi32>
        %swap3A_164 = vector.shape_cast %add3A_157 : vector<16xi32> to vector<16xi32>
        tpu.vector_store %arg7[%swap3A], %swap3A_164 {strides = array<i32>} : memref<16384xi32, #tpu.memory_space<vmem>>, vector<16xi32>,
        %add3A_165 = arith.addi %convert_element_type3A, %mul3A_140 : vector<16xi32>
        %add3A_166 = arith.addi %add3A_165, %add3A_149 : vector<16xi32>
        %add3A_167 = arith.constant 524288 : i32
        %add3A_168 = vector.broadcast %add3A_167 : i32 to vector<16xi32>
        %add3A_169 = arith.addi %add3A_166, %add3A_168 : vector<16xi32>
        %mul3A_170 = arith.constant 16 : i32
        %mul3A_171 = arith.muli %scan3A_94, %mul3A_170 : i32
        %add3A_172 = arith.constant 2048 : i32
        %add3A_173 = arith.addi %add3A_172, %mul3A_171 : i32
        %swap3A_174 = arith.index_cast %add3A_173 : i32 to index
        %swap3A_175 = tpu.vector_load %arg7[%swap3A_174] {strides = array<i32>} : memref<16384xi32, #tpu.memory_space<vmem>>, vector<16xi32>,
        %swap3A_176 = vector.shape_cast %swap3A_175 : vector<16xi32> to vector<16xi32>
        %swap3A_177 = vector.shape_cast %add3A_169 : vector<16xi32> to vector<16xi32>
        tpu.vector_store %arg7[%swap3A_174], %swap3A_177 {strides = array<i32>} : memref<16384xi32, #tpu.memory_space<vmem>>, vector<16xi32>,
        %add3A_178 = arith.addi %convert_element_type3A, %add3A_143 : vector<16xi32>
        %add3A_179 = arith.addi %add3A_178, %mul3A_146 : vector<16xi32>
        %add3A_180 = arith.constant 524288 : i32
        %add3A_181 = vector.broadcast %add3A_180 : i32 to vector<16xi32>
        %add3A_182 = arith.addi %add3A_179, %add3A_181 : vector<16xi32>
        %mul3A_183 = arith.constant 16 : i32
        %mul3A_184 = arith.muli %scan3A_94, %mul3A_183 : i32
        %add3A_185 = arith.constant 4096 : i32
        %add3A_186 = arith.addi %add3A_185, %mul3A_184 : i32
        %swap3A_187 = arith.index_cast %add3A_186 : i32 to index
        %swap3A_188 = tpu.vector_load %arg7[%swap3A_187] {strides = array<i32>} : memref<16384xi32, #tpu.memory_space<vmem>>, vector<16xi32>,
        %swap3A_189 = vector.shape_cast %swap3A_188 : vector<16xi32> to vector<16xi32>
        %swap3A_190 = vector.shape_cast %add3A_182 : vector<16xi32> to vector<16xi32>
        tpu.vector_store %arg7[%swap3A_187], %swap3A_190 {strides = array<i32>} : memref<16384xi32, #tpu.memory_space<vmem>>, vector<16xi32>,
        %add3A_191 = arith.addi %convert_element_type3A, %add3A_143 : vector<16xi32>
        %add3A_192 = arith.addi %add3A_191, %add3A_149 : vector<16xi32>
        %add3A_193 = arith.constant 524288 : i32
        %add3A_194 = vector.broadcast %add3A_193 : i32 to vector<16xi32>
        %add3A_195 = arith.addi %add3A_192, %add3A_194 : vector<16xi32>
        %mul3A_196 = arith.constant 16 : i32
        %mul3A_197 = arith.muli %scan3A_94, %mul3A_196 : i32
        %add3A_198 = arith.constant 6144 : i32
        %add3A_199 = arith.addi %add3A_198, %mul3A_197 : i32
        %swap3A_200 = arith.index_cast %add3A_199 : i32 to index
        %swap3A_201 = tpu.vector_load %arg7[%swap3A_200] {strides = array<i32>} : memref<16384xi32, #tpu.memory_space<vmem>>, vector<16xi32>,
        %swap3A_202 = vector.shape_cast %swap3A_201 : vector<16xi32> to vector<16xi32>
        %swap3A_203 = vector.shape_cast %add3A_195 : vector<16xi32> to vector<16xi32>
        tpu.vector_store %arg7[%swap3A_200], %swap3A_203 {strides = array<i32>} : memref<16384xi32, #tpu.memory_space<vmem>>, vector<16xi32>,
        %add3A_204 = arith.addi %add3A_152, %mul3A_140 : vector<16xi32>
        %add3A_205 = arith.addi %add3A_204, %mul3A_146 : vector<16xi32>
        %add3A_206 = arith.constant 524288 : i32
        %add3A_207 = vector.broadcast %add3A_206 : i32 to vector<16xi32>
        %add3A_208 = arith.addi %add3A_205, %add3A_207 : vector<16xi32>
        %mul3A_209 = arith.constant 16 : i32
        %mul3A_210 = arith.muli %scan3A_94, %mul3A_209 : i32
        %add3A_211 = arith.constant 8192 : i32
        %add3A_212 = arith.addi %add3A_211, %mul3A_210 : i32
        %swap3A_213 = arith.index_cast %add3A_212 : i32 to index
        %swap3A_214 = tpu.vector_load %arg7[%swap3A_213] {strides = array<i32>} : memref<16384xi32, #tpu.memory_space<vmem>>, vector<16xi32>,
        %swap3A_215 = vector.shape_cast %swap3A_214 : vector<16xi32> to vector<16xi32>
        %swap3A_216 = vector.shape_cast %add3A_208 : vector<16xi32> to vector<16xi32>
        tpu.vector_store %arg7[%swap3A_213], %swap3A_216 {strides = array<i32>} : memref<16384xi32, #tpu.memory_space<vmem>>, vector<16xi32>,
        %add3A_217 = arith.addi %add3A_152, %mul3A_140 : vector<16xi32>
        %add3A_218 = arith.addi %add3A_217, %add3A_149 : vector<16xi32>
        %add3A_219 = arith.constant 524288 : i32
        %add3A_220 = vector.broadcast %add3A_219 : i32 to vector<16xi32>
        %add3A_221 = arith.addi %add3A_218, %add3A_220 : vector<16xi32>
        %mul3A_222 = arith.constant 16 : i32
        %mul3A_223 = arith.muli %scan3A_94, %mul3A_222 : i32
        %add3A_224 = arith.constant 10240 : i32
        %add3A_225 = arith.addi %add3A_224, %mul3A_223 : i32
        %swap3A_226 = arith.index_cast %add3A_225 : i32 to index
        %swap3A_227 = tpu.vector_load %arg7[%swap3A_226] {strides = array<i32>} : memref<16384xi32, #tpu.memory_space<vmem>>, vector<16xi32>,
        %swap3A_228 = vector.shape_cast %swap3A_227 : vector<16xi32> to vector<16xi32>
        %swap3A_229 = vector.shape_cast %add3A_221 : vector<16xi32> to vector<16xi32>
        tpu.vector_store %arg7[%swap3A_226], %swap3A_229 {strides = array<i32>} : memref<16384xi32, #tpu.memory_space<vmem>>, vector<16xi32>,
        %add3A_230 = arith.addi %add3A_152, %add3A_143 : vector<16xi32>
        %add3A_231 = arith.addi %add3A_230, %mul3A_146 : vector<16xi32>
        %add3A_232 = arith.constant 524288 : i32
        %add3A_233 = vector.broadcast %add3A_232 : i32 to vector<16xi32>
        %add3A_234 = arith.addi %add3A_231, %add3A_233 : vector<16xi32>
        %mul3A_235 = arith.constant 16 : i32
        %mul3A_236 = arith.muli %scan3A_94, %mul3A_235 : i32
        %add3A_237 = arith.constant 12288 : i32
        %add3A_238 = arith.addi %add3A_237, %mul3A_236 : i32
        %swap3A_239 = arith.index_cast %add3A_238 : i32 to index
        %swap3A_240 = tpu.vector_load %arg7[%swap3A_239] {strides = array<i32>} : memref<16384xi32, #tpu.memory_space<vmem>>, vector<16xi32>,
        %swap3A_241 = vector.shape_cast %swap3A_240 : vector<16xi32> to vector<16xi32>
        %swap3A_242 = vector.shape_cast %add3A_234 : vector<16xi32> to vector<16xi32>
        tpu.vector_store %arg7[%swap3A_239], %swap3A_242 {strides = array<i32>} : memref<16384xi32, #tpu.memory_space<vmem>>, vector<16xi32>,
        %add3A_243 = arith.addi %add3A_152, %add3A_143 : vector<16xi32>
        %add3A_244 = arith.addi %add3A_243, %add3A_149 : vector<16xi32>
        %add3A_245 = arith.constant 524288 : i32
        %add3A_246 = vector.broadcast %add3A_245 : i32 to vector<16xi32>
        %add3A_247 = arith.addi %add3A_244, %add3A_246 : vector<16xi32>
        %mul3A_248 = arith.constant 16 : i32
        %mul3A_249 = arith.muli %scan3A_94, %mul3A_248 : i32
        %add3A_250 = arith.constant 14336 : i32
        %add3A_251 = arith.addi %add3A_250, %mul3A_249 : i32
        %swap3A_252 = arith.index_cast %add3A_251 : i32 to index
        %swap3A_253 = tpu.vector_load %arg7[%swap3A_252] {strides = array<i32>} : memref<16384xi32, #tpu.memory_space<vmem>>, vector<16xi32>,
        %swap3A_254 = vector.shape_cast %swap3A_253 : vector<16xi32> to vector<16xi32>
        %swap3A_255 = vector.shape_cast %add3A_247 : vector<16xi32> to vector<16xi32>
        tpu.vector_store %arg7[%swap3A_252], %swap3A_255 {strides = array<i32>} : memref<16384xi32, #tpu.memory_space<vmem>>, vector<16xi32>,
      }
      %scan3A_45 = arith.constant 128 : i32
      %dma_start3A_46 = arith.constant 0 : i32
      %dma_start3A_47 = tpu.memref_slice %arg3[%dma_start3A_46] : memref<8388608xf32, #tpu.memory_space<hbm>> -> memref<8388608xf32, #tpu.memory_space<hbm>>
      tpu.enqueue_indirect_dma source(%dma_start3A_47 : memref<8388608xf32, #tpu.memory_space<hbm>>) target(%arg8 : memref<16384xf32, #tpu.memory_space<vmem>>) offsets(%arg7 : memref<16384xi32, #tpu.memory_space<vmem>>) semaphore(%arg11 : memref<!tpu.dma_semaphore, #tpu.memory_space<semaphore_mem>>)
      %dma_start3A_48 = arith.constant 0 : i32
      %dma_start3A_49 = tpu.memref_slice %arg4[%dma_start3A_48] : memref<8388608xf32, #tpu.memory_space<hbm>> -> memref<8388608xf32, #tpu.memory_space<hbm>>
      tpu.enqueue_indirect_dma source(%dma_start3A_49 : memref<8388608xf32, #tpu.memory_space<hbm>>) target(%arg9 : memref<16384xf32, #tpu.memory_space<vmem>>) offsets(%arg7 : memref<16384xi32, #tpu.memory_space<vmem>>) semaphore(%arg11 : memref<!tpu.dma_semaphore, #tpu.memory_space<semaphore_mem>>)
      %dma_wait3A_50 = arith.constant 0 : i32
      %dma_wait3A_51 = tpu.memref_slice %arg3[%dma_wait3A_50] : memref<8388608xf32, #tpu.memory_space<hbm>> -> memref<8388608xf32, #tpu.memory_space<hbm>>
      tpu.wait_indirect_dma semaphore(%arg11 : memref<!tpu.dma_semaphore, #tpu.memory_space<semaphore_mem>>) src(%dma_wait3A_51 : memref<8388608xf32, #tpu.memory_space<hbm>>) dst(%arg8 : memref<16384xf32, #tpu.memory_space<vmem>>)
      %dma_wait3A_52 = arith.constant 0 : i32
      %dma_wait3A_53 = tpu.memref_slice %arg4[%dma_wait3A_52] : memref<8388608xf32, #tpu.memory_space<hbm>> -> memref<8388608xf32, #tpu.memory_space<hbm>>
      tpu.wait_indirect_dma semaphore(%arg11 : memref<!tpu.dma_semaphore, #tpu.memory_space<semaphore_mem>>) src(%dma_wait3A_53 : memref<8388608xf32, #tpu.memory_space<hbm>>) dst(%arg9 : memref<16384xf32, #tpu.memory_space<vmem>>)
      %scan3A_54 = arith.constant 0 : i32
      %scan3A_55 = arith.constant 0 : i32
      %scan3A_56 = arith.constant 128 : i32
      %scan3A_57 = arith.addi %scan3A_55, %scan3A_56 : i32
      %scan3A_58 = arith.constant 1 : i32
      scf.for %scan3A_94 = %scan3A_55 to %scan3A_57 step %scan3A_58  : i32 {
        %mul3A_95 = arith.constant 16 : i32
        %mul3A_96 = arith.muli %scan3A_94, %mul3A_95 : i32
        %get3A = arith.index_cast %mul3A_96 : i32 to index
        %get3A_97 = tpu.vector_load %arg6[%get3A] {strides = array<i32>} : memref<6144xf32, #tpu.memory_space<vmem>>, vector<16xf32>,
        %get3A_98 = vector.shape_cast %get3A_97 : vector<16xf32> to vector<16xf32>
        %mul3A_99 = arith.constant 16 : i32
        %mul3A_100 = arith.muli %scan3A_94, %mul3A_99 : i32
        %add3A_101 = arith.constant 2048 : i32
        %add3A_102 = arith.addi %add3A_101, %mul3A_100 : i32
        %get3A_103 = arith.index_cast %add3A_102 : i32 to index
        %get3A_104 = tpu.vector_load %arg6[%get3A_103] {strides = array<i32>} : memref<6144xf32, #tpu.memory_space<vmem>>, vector<16xf32>,
        %get3A_105 = vector.shape_cast %get3A_104 : vector<16xf32> to vector<16xf32>
        %mul3A_106 = arith.constant 16 : i32
        %mul3A_107 = arith.muli %scan3A_94, %mul3A_106 : i32
        %add3A_108 = arith.constant 4096 : i32
        %add3A_109 = arith.addi %add3A_108, %mul3A_107 : i32
        %get3A_110 = arith.index_cast %add3A_109 : i32 to index
        %get3A_111 = tpu.vector_load %arg6[%get3A_110] {strides = array<i32>} : memref<6144xf32, #tpu.memory_space<vmem>>, vector<16xf32>,
        %get3A_112 = vector.shape_cast %get3A_111 : vector<16xf32> to vector<16xf32>
        %mul3A_113 = arith.constant 3.100000e+01 : f32
        %mul3A_114 = vector.broadcast %mul3A_113 : f32 to vector<16xf32>
        %mul3A_115 = arith.mulf %get3A_98, %mul3A_114 : vector<16xf32>
        %add3A_116 = arith.constant 5.000000e-01 : f32
        %add3A_117 = vector.broadcast %add3A_116 : f32 to vector<16xf32>
        %add3A_118 = arith.addf %mul3A_115, %add3A_117 : vector<16xf32>
        %mul3A_119 = arith.constant 3.100000e+01 : f32
        %mul3A_120 = vector.broadcast %mul3A_119 : f32 to vector<16xf32>
        %mul3A_121 = arith.mulf %get3A_105, %mul3A_120 : vector<16xf32>
        %add3A_122 = arith.constant 5.000000e-01 : f32
        %add3A_123 = vector.broadcast %add3A_122 : f32 to vector<16xf32>
        %add3A_124 = arith.addf %mul3A_121, %add3A_123 : vector<16xf32>
        %mul3A_125 = arith.constant 3.100000e+01 : f32
        %mul3A_126 = vector.broadcast %mul3A_125 : f32 to vector<16xf32>
        %mul3A_127 = arith.mulf %get3A_112, %mul3A_126 : vector<16xf32>
        %add3A_128 = arith.constant 5.000000e-01 : f32
        %add3A_129 = vector.broadcast %add3A_128 : f32 to vector<16xf32>
        %add3A_130 = arith.addf %mul3A_127, %add3A_129 : vector<16xf32>
        %convert_element_type3A = arith.fptosi %add3A_118 : vector<16xf32> to vector<16xi32>
        %convert_element_type3A_131 = arith.fptosi %add3A_124 : vector<16xf32> to vector<16xi32>
        %convert_element_type3A_132 = arith.fptosi %add3A_130 : vector<16xf32> to vector<16xi32>
        %convert_element_type3A_133 = arith.sitofp %convert_element_type3A : vector<16xi32> to vector<16xf32>
        %sub3A = arith.subf %add3A_118, %convert_element_type3A_133 : vector<16xf32>
        %convert_element_type3A_134 = arith.sitofp %convert_element_type3A_131 : vector<16xi32> to vector<16xf32>
        %sub3A_135 = arith.subf %add3A_124, %convert_element_type3A_134 : vector<16xf32>
        %convert_element_type3A_136 = arith.sitofp %convert_element_type3A_132 : vector<16xi32> to vector<16xf32>
        %sub3A_137 = arith.subf %add3A_130, %convert_element_type3A_136 : vector<16xf32>
        %sub3A_138 = arith.constant 1.000000e+00 : f32
        %sub3A_139 = vector.broadcast %sub3A_138 : f32 to vector<16xf32>
        %sub3A_140 = arith.subf %sub3A_139, %sub3A : vector<16xf32>
        %sub3A_141 = arith.constant 1.000000e+00 : f32
        %sub3A_142 = vector.broadcast %sub3A_141 : f32 to vector<16xf32>
        %sub3A_143 = arith.subf %sub3A_142, %sub3A_135 : vector<16xf32>
        %sub3A_144 = arith.constant 1.000000e+00 : f32
        %sub3A_145 = vector.broadcast %sub3A_144 : f32 to vector<16xf32>
        %sub3A_146 = arith.subf %sub3A_145, %sub3A_137 : vector<16xf32>
        %mul3A_147 = arith.mulf %sub3A_140, %sub3A_143 : vector<16xf32>
        %mul3A_148 = arith.mulf %sub3A_140, %sub3A_135 : vector<16xf32>
        %mul3A_149 = arith.mulf %sub3A, %sub3A_143 : vector<16xf32>
        %mul3A_150 = arith.mulf %sub3A, %sub3A_135 : vector<16xf32>
        %broadcast_in_dim3A = arith.constant 0.000000e+00 : f32
        %broadcast_in_dim3A_151 = vector.broadcast %broadcast_in_dim3A : f32 to vector<16xf32>
        %broadcast_in_dim3A_152 = arith.constant 0.000000e+00 : f32
        %broadcast_in_dim3A_153 = vector.broadcast %broadcast_in_dim3A_152 : f32 to vector<16xf32>
        %mul3A_154 = arith.mulf %mul3A_147, %sub3A_146 : vector<16xf32>
        %mul3A_155 = arith.constant 16 : i32
        %mul3A_156 = arith.muli %scan3A_94, %mul3A_155 : i32
        %add3A_157 = arith.constant 0 : i32
        %add3A_158 = arith.addi %add3A_157, %mul3A_156 : i32
        %get3A_159 = arith.index_cast %add3A_158 : i32 to index
        %get3A_160 = tpu.vector_load %arg8[%get3A_159] {strides = array<i32>} : memref<16384xf32, #tpu.memory_space<vmem>>, vector<16xf32>,
        %get3A_161 = vector.shape_cast %get3A_160 : vector<16xf32> to vector<16xf32>
        %mul3A_162 = arith.constant 16 : i32
        %mul3A_163 = arith.muli %scan3A_94, %mul3A_162 : i32
        %add3A_164 = arith.constant 0 : i32
        %add3A_165 = arith.addi %add3A_164, %mul3A_163 : i32
        %get3A_166 = arith.index_cast %add3A_165 : i32 to index
        %get3A_167 = tpu.vector_load %arg9[%get3A_166] {strides = array<i32>} : memref<16384xf32, #tpu.memory_space<vmem>>, vector<16xf32>,
        %get3A_168 = vector.shape_cast %get3A_167 : vector<16xf32> to vector<16xf32>
        %mul3A_169 = arith.mulf %mul3A_154, %get3A_161 : vector<16xf32>
        %add3A_170 = arith.addf %broadcast_in_dim3A_151, %mul3A_169 : vector<16xf32>
        %mul3A_171 = arith.mulf %mul3A_154, %get3A_168 : vector<16xf32>
        %add3A_172 = arith.addf %broadcast_in_dim3A_153, %mul3A_171 : vector<16xf32>
        %mul3A_173 = arith.mulf %mul3A_147, %sub3A_137 : vector<16xf32>
        %mul3A_174 = arith.constant 16 : i32
        %mul3A_175 = arith.muli %scan3A_94, %mul3A_174 : i32
        %add3A_176 = arith.constant 2048 : i32
        %add3A_177 = arith.addi %add3A_176, %mul3A_175 : i32
        %get3A_178 = arith.index_cast %add3A_177 : i32 to index
        %get3A_179 = tpu.vector_load %arg8[%get3A_178] {strides = array<i32>} : memref<16384xf32, #tpu.memory_space<vmem>>, vector<16xf32>,
        %get3A_180 = vector.shape_cast %get3A_179 : vector<16xf32> to vector<16xf32>
        %mul3A_181 = arith.constant 16 : i32
        %mul3A_182 = arith.muli %scan3A_94, %mul3A_181 : i32
        %add3A_183 = arith.constant 2048 : i32
        %add3A_184 = arith.addi %add3A_183, %mul3A_182 : i32
        %get3A_185 = arith.index_cast %add3A_184 : i32 to index
        %get3A_186 = tpu.vector_load %arg9[%get3A_185] {strides = array<i32>} : memref<16384xf32, #tpu.memory_space<vmem>>, vector<16xf32>,
        %get3A_187 = vector.shape_cast %get3A_186 : vector<16xf32> to vector<16xf32>
        %mul3A_188 = arith.mulf %mul3A_173, %get3A_180 : vector<16xf32>
        %add3A_189 = arith.addf %add3A_170, %mul3A_188 : vector<16xf32>
        %mul3A_190 = arith.mulf %mul3A_173, %get3A_187 : vector<16xf32>
        %add3A_191 = arith.addf %add3A_172, %mul3A_190 : vector<16xf32>
        %mul3A_192 = arith.mulf %mul3A_148, %sub3A_146 : vector<16xf32>
        %mul3A_193 = arith.constant 16 : i32
        %mul3A_194 = arith.muli %scan3A_94, %mul3A_193 : i32
        %add3A_195 = arith.constant 4096 : i32
        %add3A_196 = arith.addi %add3A_195, %mul3A_194 : i32
        %get3A_197 = arith.index_cast %add3A_196 : i32 to index
        %get3A_198 = tpu.vector_load %arg8[%get3A_197] {strides = array<i32>} : memref<16384xf32, #tpu.memory_space<vmem>>, vector<16xf32>,
        %get3A_199 = vector.shape_cast %get3A_198 : vector<16xf32> to vector<16xf32>
        %mul3A_200 = arith.constant 16 : i32
        %mul3A_201 = arith.muli %scan3A_94, %mul3A_200 : i32
        %add3A_202 = arith.constant 4096 : i32
        %add3A_203 = arith.addi %add3A_202, %mul3A_201 : i32
        %get3A_204 = arith.index_cast %add3A_203 : i32 to index
        %get3A_205 = tpu.vector_load %arg9[%get3A_204] {strides = array<i32>} : memref<16384xf32, #tpu.memory_space<vmem>>, vector<16xf32>,
        %get3A_206 = vector.shape_cast %get3A_205 : vector<16xf32> to vector<16xf32>
        %mul3A_207 = arith.mulf %mul3A_192, %get3A_199 : vector<16xf32>
        %add3A_208 = arith.addf %add3A_189, %mul3A_207 : vector<16xf32>
        %mul3A_209 = arith.mulf %mul3A_192, %get3A_206 : vector<16xf32>
        %add3A_210 = arith.addf %add3A_191, %mul3A_209 : vector<16xf32>
        %mul3A_211 = arith.mulf %mul3A_148, %sub3A_137 : vector<16xf32>
        %mul3A_212 = arith.constant 16 : i32
        %mul3A_213 = arith.muli %scan3A_94, %mul3A_212 : i32
        %add3A_214 = arith.constant 6144 : i32
        %add3A_215 = arith.addi %add3A_214, %mul3A_213 : i32
        %get3A_216 = arith.index_cast %add3A_215 : i32 to index
        %get3A_217 = tpu.vector_load %arg8[%get3A_216] {strides = array<i32>} : memref<16384xf32, #tpu.memory_space<vmem>>, vector<16xf32>,
        %get3A_218 = vector.shape_cast %get3A_217 : vector<16xf32> to vector<16xf32>
        %mul3A_219 = arith.constant 16 : i32
        %mul3A_220 = arith.muli %scan3A_94, %mul3A_219 : i32
        %add3A_221 = arith.constant 6144 : i32
        %add3A_222 = arith.addi %add3A_221, %mul3A_220 : i32
        %get3A_223 = arith.index_cast %add3A_222 : i32 to index
        %get3A_224 = tpu.vector_load %arg9[%get3A_223] {strides = array<i32>} : memref<16384xf32, #tpu.memory_space<vmem>>, vector<16xf32>,
        %get3A_225 = vector.shape_cast %get3A_224 : vector<16xf32> to vector<16xf32>
        %mul3A_226 = arith.mulf %mul3A_211, %get3A_218 : vector<16xf32>
        %add3A_227 = arith.addf %add3A_208, %mul3A_226 : vector<16xf32>
        %mul3A_228 = arith.mulf %mul3A_211, %get3A_225 : vector<16xf32>
        %add3A_229 = arith.addf %add3A_210, %mul3A_228 : vector<16xf32>
        %mul3A_230 = arith.mulf %mul3A_149, %sub3A_146 : vector<16xf32>
        %mul3A_231 = arith.constant 16 : i32
        %mul3A_232 = arith.muli %scan3A_94, %mul3A_231 : i32
        %add3A_233 = arith.constant 8192 : i32
        %add3A_234 = arith.addi %add3A_233, %mul3A_232 : i32
        %get3A_235 = arith.index_cast %add3A_234 : i32 to index
        %get3A_236 = tpu.vector_load %arg8[%get3A_235] {strides = array<i32>} : memref<16384xf32, #tpu.memory_space<vmem>>, vector<16xf32>,
        %get3A_237 = vector.shape_cast %get3A_236 : vector<16xf32> to vector<16xf32>
        %mul3A_238 = arith.constant 16 : i32
        %mul3A_239 = arith.muli %scan3A_94, %mul3A_238 : i32
        %add3A_240 = arith.constant 8192 : i32
        %add3A_241 = arith.addi %add3A_240, %mul3A_239 : i32
        %get3A_242 = arith.index_cast %add3A_241 : i32 to index
        %get3A_243 = tpu.vector_load %arg9[%get3A_242] {strides = array<i32>} : memref<16384xf32, #tpu.memory_space<vmem>>, vector<16xf32>,
        %get3A_244 = vector.shape_cast %get3A_243 : vector<16xf32> to vector<16xf32>
        %mul3A_245 = arith.mulf %mul3A_230, %get3A_237 : vector<16xf32>
        %add3A_246 = arith.addf %add3A_227, %mul3A_245 : vector<16xf32>
        %mul3A_247 = arith.mulf %mul3A_230, %get3A_244 : vector<16xf32>
        %add3A_248 = arith.addf %add3A_229, %mul3A_247 : vector<16xf32>
        %mul3A_249 = arith.mulf %mul3A_149, %sub3A_137 : vector<16xf32>
        %mul3A_250 = arith.constant 16 : i32
        %mul3A_251 = arith.muli %scan3A_94, %mul3A_250 : i32
        %add3A_252 = arith.constant 10240 : i32
        %add3A_253 = arith.addi %add3A_252, %mul3A_251 : i32
        %get3A_254 = arith.index_cast %add3A_253 : i32 to index
        %get3A_255 = tpu.vector_load %arg8[%get3A_254] {strides = array<i32>} : memref<16384xf32, #tpu.memory_space<vmem>>, vector<16xf32>,
        %get3A_256 = vector.shape_cast %get3A_255 : vector<16xf32> to vector<16xf32>
        %mul3A_257 = arith.constant 16 : i32
        %mul3A_258 = arith.muli %scan3A_94, %mul3A_257 : i32
        %add3A_259 = arith.constant 10240 : i32
        %add3A_260 = arith.addi %add3A_259, %mul3A_258 : i32
        %get3A_261 = arith.index_cast %add3A_260 : i32 to index
        %get3A_262 = tpu.vector_load %arg9[%get3A_261] {strides = array<i32>} : memref<16384xf32, #tpu.memory_space<vmem>>, vector<16xf32>,
        %get3A_263 = vector.shape_cast %get3A_262 : vector<16xf32> to vector<16xf32>
        %mul3A_264 = arith.mulf %mul3A_249, %get3A_256 : vector<16xf32>
        %add3A_265 = arith.addf %add3A_246, %mul3A_264 : vector<16xf32>
        %mul3A_266 = arith.mulf %mul3A_249, %get3A_263 : vector<16xf32>
        %add3A_267 = arith.addf %add3A_248, %mul3A_266 : vector<16xf32>
        %mul3A_268 = arith.mulf %mul3A_150, %sub3A_146 : vector<16xf32>
        %mul3A_269 = arith.constant 16 : i32
        %mul3A_270 = arith.muli %scan3A_94, %mul3A_269 : i32
        %add3A_271 = arith.constant 12288 : i32
        %add3A_272 = arith.addi %add3A_271, %mul3A_270 : i32
        %get3A_273 = arith.index_cast %add3A_272 : i32 to index
        %get3A_274 = tpu.vector_load %arg8[%get3A_273] {strides = array<i32>} : memref<16384xf32, #tpu.memory_space<vmem>>, vector<16xf32>,
        %get3A_275 = vector.shape_cast %get3A_274 : vector<16xf32> to vector<16xf32>
        %mul3A_276 = arith.constant 16 : i32
        %mul3A_277 = arith.muli %scan3A_94, %mul3A_276 : i32
        %add3A_278 = arith.constant 12288 : i32
        %add3A_279 = arith.addi %add3A_278, %mul3A_277 : i32
        %get3A_280 = arith.index_cast %add3A_279 : i32 to index
        %get3A_281 = tpu.vector_load %arg9[%get3A_280] {strides = array<i32>} : memref<16384xf32, #tpu.memory_space<vmem>>, vector<16xf32>,
        %get3A_282 = vector.shape_cast %get3A_281 : vector<16xf32> to vector<16xf32>
        %mul3A_283 = arith.mulf %mul3A_268, %get3A_275 : vector<16xf32>
        %add3A_284 = arith.addf %add3A_265, %mul3A_283 : vector<16xf32>
        %mul3A_285 = arith.mulf %mul3A_268, %get3A_282 : vector<16xf32>
        %add3A_286 = arith.addf %add3A_267, %mul3A_285 : vector<16xf32>
        %mul3A_287 = arith.mulf %mul3A_150, %sub3A_137 : vector<16xf32>
        %mul3A_288 = arith.constant 16 : i32
        %mul3A_289 = arith.muli %scan3A_94, %mul3A_288 : i32
        %add3A_290 = arith.constant 14336 : i32
        %add3A_291 = arith.addi %add3A_290, %mul3A_289 : i32
        %get3A_292 = arith.index_cast %add3A_291 : i32 to index
        %get3A_293 = tpu.vector_load %arg8[%get3A_292] {strides = array<i32>} : memref<16384xf32, #tpu.memory_space<vmem>>, vector<16xf32>,
        %get3A_294 = vector.shape_cast %get3A_293 : vector<16xf32> to vector<16xf32>
        %mul3A_295 = arith.constant 16 : i32
        %mul3A_296 = arith.muli %scan3A_94, %mul3A_295 : i32
        %add3A_297 = arith.constant 14336 : i32
        %add3A_298 = arith.addi %add3A_297, %mul3A_296 : i32
        %get3A_299 = arith.index_cast %add3A_298 : i32 to index
        %get3A_300 = tpu.vector_load %arg9[%get3A_299] {strides = array<i32>} : memref<16384xf32, #tpu.memory_space<vmem>>, vector<16xf32>,
        %get3A_301 = vector.shape_cast %get3A_300 : vector<16xf32> to vector<16xf32>
        %mul3A_302 = arith.mulf %mul3A_287, %get3A_294 : vector<16xf32>
        %add3A_303 = arith.addf %add3A_284, %mul3A_302 : vector<16xf32>
        %mul3A_304 = arith.mulf %mul3A_287, %get3A_301 : vector<16xf32>
        %add3A_305 = arith.addf %add3A_286, %mul3A_304 : vector<16xf32>
        %mul3A_306 = arith.constant 16 : i32
        %mul3A_307 = arith.muli %scan3A_94, %mul3A_306 : i32
        %swap3A = arith.index_cast %mul3A_307 : i32 to index
        %swap3A_308 = tpu.vector_load %arg10[%swap3A] {strides = array<i32>} : memref<4096xf32, #tpu.memory_space<vmem>>, vector<16xf32>,
        %swap3A_309 = vector.shape_cast %swap3A_308 : vector<16xf32> to vector<16xf32>
        %swap3A_310 = vector.shape_cast %add3A_303 : vector<16xf32> to vector<16xf32>
        tpu.vector_store %arg10[%swap3A], %swap3A_310 {strides = array<i32>} : memref<4096xf32, #tpu.memory_space<vmem>>, vector<16xf32>,
        %mul3A_311 = arith.constant 16 : i32
        %mul3A_312 = arith.muli %scan3A_94, %mul3A_311 : i32
        %add3A_313 = arith.constant 2048 : i32
        %add3A_314 = arith.addi %add3A_313, %mul3A_312 : i32
        %swap3A_315 = arith.index_cast %add3A_314 : i32 to index
        %swap3A_316 = tpu.vector_load %arg10[%swap3A_315] {strides = array<i32>} : memref<4096xf32, #tpu.memory_space<vmem>>, vector<16xf32>,
        %swap3A_317 = vector.shape_cast %swap3A_316 : vector<16xf32> to vector<16xf32>
        %swap3A_318 = vector.shape_cast %add3A_305 : vector<16xf32> to vector<16xf32>
        tpu.vector_store %arg10[%swap3A_315], %swap3A_318 {strides = array<i32>} : memref<4096xf32, #tpu.memory_space<vmem>>, vector<16xf32>,
      }
      %scan3A_59 = arith.constant 128 : i32
      %add3A_60 = arith.constant 524288 : i32
      %add3A_61 = arith.addi %add3A_60, %add3A_11 : i32
      "tpu.region"() ({
        %run_scoped3A = tpu.sem_alloc : memref<!tpu.dma_semaphore, #tpu.memory_space<semaphore_mem>>
        %dma_start3A_94 = arith.constant 0 : i32
        %dma_start3A_95 = tpu.memref_slice %arg10[%dma_start3A_94] : memref<4096xf32, #tpu.memory_space<vmem>> -> memref<2048xf32, #tpu.memory_space<vmem>>
        %dma_start3A_96 = tpu.memref_slice %arg5[%add3A_61] : memref<8388608xf32, #tpu.memory_space<hbm>> -> memref<2048xf32, #tpu.memory_space<hbm>>
        %dma_start3A_97 = tpu.memref_slice %arg5[%add3A_61] : memref<8388608xf32, #tpu.memory_space<hbm>> -> memref<2048xf32, #tpu.memory_space<hbm>>
        %dma_start3A_98 = arith.constant 0 : i32
        %dma_start3A_99 = tpu.memref_slice %arg10[%dma_start3A_98] : memref<4096xf32, #tpu.memory_space<vmem>> -> memref<2048xf32, #tpu.memory_space<vmem>>
        tpu.enqueue_dma source(%dma_start3A_99 : memref<2048xf32, #tpu.memory_space<vmem>>) target(%dma_start3A_97 : memref<2048xf32, #tpu.memory_space<hbm>>) target_semaphore(%run_scoped3A : memref<!tpu.dma_semaphore, #tpu.memory_space<semaphore_mem>>)
        %dma_wait3A_100 = arith.constant 0 : i32
        %dma_wait3A_101 = tpu.memref_slice %arg10[%dma_wait3A_100] : memref<4096xf32, #tpu.memory_space<vmem>> -> memref<2048xf32, #tpu.memory_space<vmem>>
        %dma_wait3A_102 = tpu.memref_slice %arg5[%add3A_61] : memref<8388608xf32, #tpu.memory_space<hbm>> -> memref<2048xf32, #tpu.memory_space<hbm>>
        %dma_wait3A_103 = tpu.memref_slice %arg5[%add3A_61] : memref<8388608xf32, #tpu.memory_space<hbm>> -> memref<2048xf32, #tpu.memory_space<hbm>>
        %dma_wait3A_104 = arith.constant 0 : i32
        %dma_wait3A_105 = tpu.memref_slice %arg10[%dma_wait3A_104] : memref<4096xf32, #tpu.memory_space<vmem>> -> memref<2048xf32, #tpu.memory_space<vmem>>
        tpu.wait_dma2 semaphore(%run_scoped3A : memref<!tpu.dma_semaphore, #tpu.memory_space<semaphore_mem>>) src(%dma_wait3A_105 : memref<2048xf32, #tpu.memory_space<vmem>>) dst(%dma_wait3A_103 : memref<2048xf32, #tpu.memory_space<hbm>>)
        tpu.yield
      }) : () -> ()
      %add3A_62 = arith.constant 786432 : i32
      %add3A_63 = arith.addi %add3A_62, %add3A_11 : i32
      "tpu.region"() ({
        %run_scoped3A = tpu.sem_alloc : memref<!tpu.dma_semaphore, #tpu.memory_space<semaphore_mem>>
        %dma_start3A_94 = arith.constant 2048 : i32
        %dma_start3A_95 = tpu.memref_slice %arg10[%dma_start3A_94] : memref<4096xf32, #tpu.memory_space<vmem>> -> memref<2048xf32, #tpu.memory_space<vmem>>
        %dma_start3A_96 = tpu.memref_slice %arg5[%add3A_63] : memref<8388608xf32, #tpu.memory_space<hbm>> -> memref<2048xf32, #tpu.memory_space<hbm>>
        %dma_start3A_97 = tpu.memref_slice %arg5[%add3A_63] : memref<8388608xf32, #tpu.memory_space<hbm>> -> memref<2048xf32, #tpu.memory_space<hbm>>
        %dma_start3A_98 = arith.constant 2048 : i32
        %dma_start3A_99 = tpu.memref_slice %arg10[%dma_start3A_98] : memref<4096xf32, #tpu.memory_space<vmem>> -> memref<2048xf32, #tpu.memory_space<vmem>>
        tpu.enqueue_dma source(%dma_start3A_99 : memref<2048xf32, #tpu.memory_space<vmem>>) target(%dma_start3A_97 : memref<2048xf32, #tpu.memory_space<hbm>>) target_semaphore(%run_scoped3A : memref<!tpu.dma_semaphore, #tpu.memory_space<semaphore_mem>>)
        %dma_wait3A_100 = arith.constant 2048 : i32
        %dma_wait3A_101 = tpu.memref_slice %arg10[%dma_wait3A_100] : memref<4096xf32, #tpu.memory_space<vmem>> -> memref<2048xf32, #tpu.memory_space<vmem>>
        %dma_wait3A_102 = tpu.memref_slice %arg5[%add3A_63] : memref<8388608xf32, #tpu.memory_space<hbm>> -> memref<2048xf32, #tpu.memory_space<hbm>>
        %dma_wait3A_103 = tpu.memref_slice %arg5[%add3A_63] : memref<8388608xf32, #tpu.memory_space<hbm>> -> memref<2048xf32, #tpu.memory_space<hbm>>
        %dma_wait3A_104 = arith.constant 2048 : i32
        %dma_wait3A_105 = tpu.memref_slice %arg10[%dma_wait3A_104] : memref<4096xf32, #tpu.memory_space<vmem>> -> memref<2048xf32, #tpu.memory_space<vmem>>
        tpu.wait_dma2 semaphore(%run_scoped3A : memref<!tpu.dma_semaphore, #tpu.memory_space<semaphore_mem>>) src(%dma_wait3A_105 : memref<2048xf32, #tpu.memory_space<vmem>>) dst(%dma_wait3A_103 : memref<2048xf32, #tpu.memory_space<hbm>>)
        tpu.yield
      }) : () -> ()
      %scan3A_64 = arith.constant 0 : i32
      %scan3A_65 = arith.constant 0 : i32
      %scan3A_66 = arith.constant 128 : i32
      %scan3A_67 = arith.addi %scan3A_65, %scan3A_66 : i32
      %scan3A_68 = arith.constant 1 : i32
      scf.for %scan3A_94 = %scan3A_65 to %scan3A_67 step %scan3A_68  : i32 {
        %mul3A_95 = arith.constant 16 : i32
        %mul3A_96 = arith.muli %scan3A_94, %mul3A_95 : i32
        %get3A = arith.index_cast %mul3A_96 : i32 to index
        %get3A_97 = tpu.vector_load %arg6[%get3A] {strides = array<i32>} : memref<6144xf32, #tpu.memory_space<vmem>>, vector<16xf32>,
        %get3A_98 = vector.shape_cast %get3A_97 : vector<16xf32> to vector<16xf32>
        %mul3A_99 = arith.constant 16 : i32
        %mul3A_100 = arith.muli %scan3A_94, %mul3A_99 : i32
        %add3A_101 = arith.constant 2048 : i32
        %add3A_102 = arith.addi %add3A_101, %mul3A_100 : i32
        %get3A_103 = arith.index_cast %add3A_102 : i32 to index
        %get3A_104 = tpu.vector_load %arg6[%get3A_103] {strides = array<i32>} : memref<6144xf32, #tpu.memory_space<vmem>>, vector<16xf32>,
        %get3A_105 = vector.shape_cast %get3A_104 : vector<16xf32> to vector<16xf32>
        %mul3A_106 = arith.constant 16 : i32
        %mul3A_107 = arith.muli %scan3A_94, %mul3A_106 : i32
        %add3A_108 = arith.constant 4096 : i32
        %add3A_109 = arith.addi %add3A_108, %mul3A_107 : i32
        %get3A_110 = arith.index_cast %add3A_109 : i32 to index
        %get3A_111 = tpu.vector_load %arg6[%get3A_110] {strides = array<i32>} : memref<6144xf32, #tpu.memory_space<vmem>>, vector<16xf32>,
        %get3A_112 = vector.shape_cast %get3A_111 : vector<16xf32> to vector<16xf32>
        %mul3A_113 = arith.constant 6.300000e+01 : f32
        %mul3A_114 = vector.broadcast %mul3A_113 : f32 to vector<16xf32>
        %mul3A_115 = arith.mulf %get3A_98, %mul3A_114 : vector<16xf32>
        %add3A_116 = arith.constant 5.000000e-01 : f32
        %add3A_117 = vector.broadcast %add3A_116 : f32 to vector<16xf32>
        %add3A_118 = arith.addf %mul3A_115, %add3A_117 : vector<16xf32>
        %mul3A_119 = arith.constant 6.300000e+01 : f32
        %mul3A_120 = vector.broadcast %mul3A_119 : f32 to vector<16xf32>
        %mul3A_121 = arith.mulf %get3A_105, %mul3A_120 : vector<16xf32>
        %add3A_122 = arith.constant 5.000000e-01 : f32
        %add3A_123 = vector.broadcast %add3A_122 : f32 to vector<16xf32>
        %add3A_124 = arith.addf %mul3A_121, %add3A_123 : vector<16xf32>
        %mul3A_125 = arith.constant 6.300000e+01 : f32
        %mul3A_126 = vector.broadcast %mul3A_125 : f32 to vector<16xf32>
        %mul3A_127 = arith.mulf %get3A_112, %mul3A_126 : vector<16xf32>
        %add3A_128 = arith.constant 5.000000e-01 : f32
        %add3A_129 = vector.broadcast %add3A_128 : f32 to vector<16xf32>
        %add3A_130 = arith.addf %mul3A_127, %add3A_129 : vector<16xf32>
        %convert_element_type3A = arith.fptosi %add3A_118 : vector<16xf32> to vector<16xi32>
        %convert_element_type3A_131 = arith.fptosi %add3A_124 : vector<16xf32> to vector<16xi32>
        %convert_element_type3A_132 = arith.fptosi %add3A_130 : vector<16xf32> to vector<16xi32>
        %convert_element_type3A_133 = arith.sitofp %convert_element_type3A : vector<16xi32> to vector<16xf32>
        %sub3A = arith.subf %add3A_118, %convert_element_type3A_133 : vector<16xf32>
        %convert_element_type3A_134 = arith.sitofp %convert_element_type3A_131 : vector<16xi32> to vector<16xf32>
        %sub3A_135 = arith.subf %add3A_124, %convert_element_type3A_134 : vector<16xf32>
        %convert_element_type3A_136 = arith.sitofp %convert_element_type3A_132 : vector<16xi32> to vector<16xf32>
        %sub3A_137 = arith.subf %add3A_130, %convert_element_type3A_136 : vector<16xf32>
        %mul3A_138 = arith.constant 65 : i32
        %mul3A_139 = vector.broadcast %mul3A_138 : i32 to vector<16xi32>
        %mul3A_140 = arith.muli %convert_element_type3A_131, %mul3A_139 : vector<16xi32>
        %add3A_141 = arith.constant 65 : i32
        %add3A_142 = vector.broadcast %add3A_141 : i32 to vector<16xi32>
        %add3A_143 = arith.addi %mul3A_140, %add3A_142 : vector<16xi32>
        %mul3A_144 = arith.constant 4225 : i32
        %mul3A_145 = vector.broadcast %mul3A_144 : i32 to vector<16xi32>
        %mul3A_146 = arith.muli %convert_element_type3A_132, %mul3A_145 : vector<16xi32>
        %add3A_147 = arith.constant 4225 : i32
        %add3A_148 = vector.broadcast %add3A_147 : i32 to vector<16xi32>
        %add3A_149 = arith.addi %mul3A_146, %add3A_148 : vector<16xi32>
        %add3A_150 = arith.constant 1 : i32
        %add3A_151 = vector.broadcast %add3A_150 : i32 to vector<16xi32>
        %add3A_152 = arith.addi %convert_element_type3A, %add3A_151 : vector<16xi32>
        %add3A_153 = arith.addi %convert_element_type3A, %mul3A_140 : vector<16xi32>
        %add3A_154 = arith.addi %add3A_153, %mul3A_146 : vector<16xi32>
        %add3A_155 = arith.constant 1048576 : i32
        %add3A_156 = vector.broadcast %add3A_155 : i32 to vector<16xi32>
        %add3A_157 = arith.addi %add3A_154, %add3A_156 : vector<16xi32>
        %mul3A_158 = arith.constant 16 : i32
        %mul3A_159 = arith.muli %scan3A_94, %mul3A_158 : i32
        %add3A_160 = arith.constant 0 : i32
        %add3A_161 = arith.addi %add3A_160, %mul3A_159 : i32
        %swap3A = arith.index_cast %add3A_161 : i32 to index
        %swap3A_162 = tpu.vector_load %arg7[%swap3A] {strides = array<i32>} : memref<16384xi32, #tpu.memory_space<vmem>>, vector<16xi32>,
        %swap3A_163 = vector.shape_cast %swap3A_162 : vector<16xi32> to vector<16xi32>
        %swap3A_164 = vector.shape_cast %add3A_157 : vector<16xi32> to vector<16xi32>
        tpu.vector_store %arg7[%swap3A], %swap3A_164 {strides = array<i32>} : memref<16384xi32, #tpu.memory_space<vmem>>, vector<16xi32>,
        %add3A_165 = arith.addi %convert_element_type3A, %mul3A_140 : vector<16xi32>
        %add3A_166 = arith.addi %add3A_165, %add3A_149 : vector<16xi32>
        %add3A_167 = arith.constant 1048576 : i32
        %add3A_168 = vector.broadcast %add3A_167 : i32 to vector<16xi32>
        %add3A_169 = arith.addi %add3A_166, %add3A_168 : vector<16xi32>
        %mul3A_170 = arith.constant 16 : i32
        %mul3A_171 = arith.muli %scan3A_94, %mul3A_170 : i32
        %add3A_172 = arith.constant 2048 : i32
        %add3A_173 = arith.addi %add3A_172, %mul3A_171 : i32
        %swap3A_174 = arith.index_cast %add3A_173 : i32 to index
        %swap3A_175 = tpu.vector_load %arg7[%swap3A_174] {strides = array<i32>} : memref<16384xi32, #tpu.memory_space<vmem>>, vector<16xi32>,
        %swap3A_176 = vector.shape_cast %swap3A_175 : vector<16xi32> to vector<16xi32>
        %swap3A_177 = vector.shape_cast %add3A_169 : vector<16xi32> to vector<16xi32>
        tpu.vector_store %arg7[%swap3A_174], %swap3A_177 {strides = array<i32>} : memref<16384xi32, #tpu.memory_space<vmem>>, vector<16xi32>,
        %add3A_178 = arith.addi %convert_element_type3A, %add3A_143 : vector<16xi32>
        %add3A_179 = arith.addi %add3A_178, %mul3A_146 : vector<16xi32>
        %add3A_180 = arith.constant 1048576 : i32
        %add3A_181 = vector.broadcast %add3A_180 : i32 to vector<16xi32>
        %add3A_182 = arith.addi %add3A_179, %add3A_181 : vector<16xi32>
        %mul3A_183 = arith.constant 16 : i32
        %mul3A_184 = arith.muli %scan3A_94, %mul3A_183 : i32
        %add3A_185 = arith.constant 4096 : i32
        %add3A_186 = arith.addi %add3A_185, %mul3A_184 : i32
        %swap3A_187 = arith.index_cast %add3A_186 : i32 to index
        %swap3A_188 = tpu.vector_load %arg7[%swap3A_187] {strides = array<i32>} : memref<16384xi32, #tpu.memory_space<vmem>>, vector<16xi32>,
        %swap3A_189 = vector.shape_cast %swap3A_188 : vector<16xi32> to vector<16xi32>
        %swap3A_190 = vector.shape_cast %add3A_182 : vector<16xi32> to vector<16xi32>
        tpu.vector_store %arg7[%swap3A_187], %swap3A_190 {strides = array<i32>} : memref<16384xi32, #tpu.memory_space<vmem>>, vector<16xi32>,
        %add3A_191 = arith.addi %convert_element_type3A, %add3A_143 : vector<16xi32>
        %add3A_192 = arith.addi %add3A_191, %add3A_149 : vector<16xi32>
        %add3A_193 = arith.constant 1048576 : i32
        %add3A_194 = vector.broadcast %add3A_193 : i32 to vector<16xi32>
        %add3A_195 = arith.addi %add3A_192, %add3A_194 : vector<16xi32>
        %mul3A_196 = arith.constant 16 : i32
        %mul3A_197 = arith.muli %scan3A_94, %mul3A_196 : i32
        %add3A_198 = arith.constant 6144 : i32
        %add3A_199 = arith.addi %add3A_198, %mul3A_197 : i32
        %swap3A_200 = arith.index_cast %add3A_199 : i32 to index
        %swap3A_201 = tpu.vector_load %arg7[%swap3A_200] {strides = array<i32>} : memref<16384xi32, #tpu.memory_space<vmem>>, vector<16xi32>,
        %swap3A_202 = vector.shape_cast %swap3A_201 : vector<16xi32> to vector<16xi32>
        %swap3A_203 = vector.shape_cast %add3A_195 : vector<16xi32> to vector<16xi32>
        tpu.vector_store %arg7[%swap3A_200], %swap3A_203 {strides = array<i32>} : memref<16384xi32, #tpu.memory_space<vmem>>, vector<16xi32>,
        %add3A_204 = arith.addi %add3A_152, %mul3A_140 : vector<16xi32>
        %add3A_205 = arith.addi %add3A_204, %mul3A_146 : vector<16xi32>
        %add3A_206 = arith.constant 1048576 : i32
        %add3A_207 = vector.broadcast %add3A_206 : i32 to vector<16xi32>
        %add3A_208 = arith.addi %add3A_205, %add3A_207 : vector<16xi32>
        %mul3A_209 = arith.constant 16 : i32
        %mul3A_210 = arith.muli %scan3A_94, %mul3A_209 : i32
        %add3A_211 = arith.constant 8192 : i32
        %add3A_212 = arith.addi %add3A_211, %mul3A_210 : i32
        %swap3A_213 = arith.index_cast %add3A_212 : i32 to index
        %swap3A_214 = tpu.vector_load %arg7[%swap3A_213] {strides = array<i32>} : memref<16384xi32, #tpu.memory_space<vmem>>, vector<16xi32>,
        %swap3A_215 = vector.shape_cast %swap3A_214 : vector<16xi32> to vector<16xi32>
        %swap3A_216 = vector.shape_cast %add3A_208 : vector<16xi32> to vector<16xi32>
        tpu.vector_store %arg7[%swap3A_213], %swap3A_216 {strides = array<i32>} : memref<16384xi32, #tpu.memory_space<vmem>>, vector<16xi32>,
        %add3A_217 = arith.addi %add3A_152, %mul3A_140 : vector<16xi32>
        %add3A_218 = arith.addi %add3A_217, %add3A_149 : vector<16xi32>
        %add3A_219 = arith.constant 1048576 : i32
        %add3A_220 = vector.broadcast %add3A_219 : i32 to vector<16xi32>
        %add3A_221 = arith.addi %add3A_218, %add3A_220 : vector<16xi32>
        %mul3A_222 = arith.constant 16 : i32
        %mul3A_223 = arith.muli %scan3A_94, %mul3A_222 : i32
        %add3A_224 = arith.constant 10240 : i32
        %add3A_225 = arith.addi %add3A_224, %mul3A_223 : i32
        %swap3A_226 = arith.index_cast %add3A_225 : i32 to index
        %swap3A_227 = tpu.vector_load %arg7[%swap3A_226] {strides = array<i32>} : memref<16384xi32, #tpu.memory_space<vmem>>, vector<16xi32>,
        %swap3A_228 = vector.shape_cast %swap3A_227 : vector<16xi32> to vector<16xi32>
        %swap3A_229 = vector.shape_cast %add3A_221 : vector<16xi32> to vector<16xi32>
        tpu.vector_store %arg7[%swap3A_226], %swap3A_229 {strides = array<i32>} : memref<16384xi32, #tpu.memory_space<vmem>>, vector<16xi32>,
        %add3A_230 = arith.addi %add3A_152, %add3A_143 : vector<16xi32>
        %add3A_231 = arith.addi %add3A_230, %mul3A_146 : vector<16xi32>
        %add3A_232 = arith.constant 1048576 : i32
        %add3A_233 = vector.broadcast %add3A_232 : i32 to vector<16xi32>
        %add3A_234 = arith.addi %add3A_231, %add3A_233 : vector<16xi32>
        %mul3A_235 = arith.constant 16 : i32
        %mul3A_236 = arith.muli %scan3A_94, %mul3A_235 : i32
        %add3A_237 = arith.constant 12288 : i32
        %add3A_238 = arith.addi %add3A_237, %mul3A_236 : i32
        %swap3A_239 = arith.index_cast %add3A_238 : i32 to index
        %swap3A_240 = tpu.vector_load %arg7[%swap3A_239] {strides = array<i32>} : memref<16384xi32, #tpu.memory_space<vmem>>, vector<16xi32>,
        %swap3A_241 = vector.shape_cast %swap3A_240 : vector<16xi32> to vector<16xi32>
        %swap3A_242 = vector.shape_cast %add3A_234 : vector<16xi32> to vector<16xi32>
        tpu.vector_store %arg7[%swap3A_239], %swap3A_242 {strides = array<i32>} : memref<16384xi32, #tpu.memory_space<vmem>>, vector<16xi32>,
        %add3A_243 = arith.addi %add3A_152, %add3A_143 : vector<16xi32>
        %add3A_244 = arith.addi %add3A_243, %add3A_149 : vector<16xi32>
        %add3A_245 = arith.constant 1048576 : i32
        %add3A_246 = vector.broadcast %add3A_245 : i32 to vector<16xi32>
        %add3A_247 = arith.addi %add3A_244, %add3A_246 : vector<16xi32>
        %mul3A_248 = arith.constant 16 : i32
        %mul3A_249 = arith.muli %scan3A_94, %mul3A_248 : i32
        %add3A_250 = arith.constant 14336 : i32
        %add3A_251 = arith.addi %add3A_250, %mul3A_249 : i32
        %swap3A_252 = arith.index_cast %add3A_251 : i32 to index
        %swap3A_253 = tpu.vector_load %arg7[%swap3A_252] {strides = array<i32>} : memref<16384xi32, #tpu.memory_space<vmem>>, vector<16xi32>,
        %swap3A_254 = vector.shape_cast %swap3A_253 : vector<16xi32> to vector<16xi32>
        %swap3A_255 = vector.shape_cast %add3A_247 : vector<16xi32> to vector<16xi32>
        tpu.vector_store %arg7[%swap3A_252], %swap3A_255 {strides = array<i32>} : memref<16384xi32, #tpu.memory_space<vmem>>, vector<16xi32>,
      }
      %scan3A_69 = arith.constant 128 : i32
      %dma_start3A_70 = arith.constant 0 : i32
      %dma_start3A_71 = tpu.memref_slice %arg3[%dma_start3A_70] : memref<8388608xf32, #tpu.memory_space<hbm>> -> memref<8388608xf32, #tpu.memory_space<hbm>>
      tpu.enqueue_indirect_dma source(%dma_start3A_71 : memref<8388608xf32, #tpu.memory_space<hbm>>) target(%arg8 : memref<16384xf32, #tpu.memory_space<vmem>>) offsets(%arg7 : memref<16384xi32, #tpu.memory_space<vmem>>) semaphore(%arg11 : memref<!tpu.dma_semaphore, #tpu.memory_space<semaphore_mem>>)
      %dma_start3A_72 = arith.constant 0 : i32
      %dma_start3A_73 = tpu.memref_slice %arg4[%dma_start3A_72] : memref<8388608xf32, #tpu.memory_space<hbm>> -> memref<8388608xf32, #tpu.memory_space<hbm>>
      tpu.enqueue_indirect_dma source(%dma_start3A_73 : memref<8388608xf32, #tpu.memory_space<hbm>>) target(%arg9 : memref<16384xf32, #tpu.memory_space<vmem>>) offsets(%arg7 : memref<16384xi32, #tpu.memory_space<vmem>>) semaphore(%arg11 : memref<!tpu.dma_semaphore, #tpu.memory_space<semaphore_mem>>)
      %dma_wait3A_74 = arith.constant 0 : i32
      %dma_wait3A_75 = tpu.memref_slice %arg3[%dma_wait3A_74] : memref<8388608xf32, #tpu.memory_space<hbm>> -> memref<8388608xf32, #tpu.memory_space<hbm>>
      tpu.wait_indirect_dma semaphore(%arg11 : memref<!tpu.dma_semaphore, #tpu.memory_space<semaphore_mem>>) src(%dma_wait3A_75 : memref<8388608xf32, #tpu.memory_space<hbm>>) dst(%arg8 : memref<16384xf32, #tpu.memory_space<vmem>>)
      %dma_wait3A_76 = arith.constant 0 : i32
      %dma_wait3A_77 = tpu.memref_slice %arg4[%dma_wait3A_76] : memref<8388608xf32, #tpu.memory_space<hbm>> -> memref<8388608xf32, #tpu.memory_space<hbm>>
      tpu.wait_indirect_dma semaphore(%arg11 : memref<!tpu.dma_semaphore, #tpu.memory_space<semaphore_mem>>) src(%dma_wait3A_77 : memref<8388608xf32, #tpu.memory_space<hbm>>) dst(%arg9 : memref<16384xf32, #tpu.memory_space<vmem>>)
      %scan3A_78 = arith.constant 0 : i32
      %scan3A_79 = arith.constant 0 : i32
      %scan3A_80 = arith.constant 128 : i32
      %scan3A_81 = arith.addi %scan3A_79, %scan3A_80 : i32
      %scan3A_82 = arith.constant 1 : i32
      scf.for %scan3A_94 = %scan3A_79 to %scan3A_81 step %scan3A_82  : i32 {
        %mul3A_95 = arith.constant 16 : i32
        %mul3A_96 = arith.muli %scan3A_94, %mul3A_95 : i32
        %get3A = arith.index_cast %mul3A_96 : i32 to index
        %get3A_97 = tpu.vector_load %arg6[%get3A] {strides = array<i32>} : memref<6144xf32, #tpu.memory_space<vmem>>, vector<16xf32>,
        %get3A_98 = vector.shape_cast %get3A_97 : vector<16xf32> to vector<16xf32>
        %mul3A_99 = arith.constant 16 : i32
        %mul3A_100 = arith.muli %scan3A_94, %mul3A_99 : i32
        %add3A_101 = arith.constant 2048 : i32
        %add3A_102 = arith.addi %add3A_101, %mul3A_100 : i32
        %get3A_103 = arith.index_cast %add3A_102 : i32 to index
        %get3A_104 = tpu.vector_load %arg6[%get3A_103] {strides = array<i32>} : memref<6144xf32, #tpu.memory_space<vmem>>, vector<16xf32>,
        %get3A_105 = vector.shape_cast %get3A_104 : vector<16xf32> to vector<16xf32>
        %mul3A_106 = arith.constant 16 : i32
        %mul3A_107 = arith.muli %scan3A_94, %mul3A_106 : i32
        %add3A_108 = arith.constant 4096 : i32
        %add3A_109 = arith.addi %add3A_108, %mul3A_107 : i32
        %get3A_110 = arith.index_cast %add3A_109 : i32 to index
        %get3A_111 = tpu.vector_load %arg6[%get3A_110] {strides = array<i32>} : memref<6144xf32, #tpu.memory_space<vmem>>, vector<16xf32>,
        %get3A_112 = vector.shape_cast %get3A_111 : vector<16xf32> to vector<16xf32>
        %mul3A_113 = arith.constant 6.300000e+01 : f32
        %mul3A_114 = vector.broadcast %mul3A_113 : f32 to vector<16xf32>
        %mul3A_115 = arith.mulf %get3A_98, %mul3A_114 : vector<16xf32>
        %add3A_116 = arith.constant 5.000000e-01 : f32
        %add3A_117 = vector.broadcast %add3A_116 : f32 to vector<16xf32>
        %add3A_118 = arith.addf %mul3A_115, %add3A_117 : vector<16xf32>
        %mul3A_119 = arith.constant 6.300000e+01 : f32
        %mul3A_120 = vector.broadcast %mul3A_119 : f32 to vector<16xf32>
        %mul3A_121 = arith.mulf %get3A_105, %mul3A_120 : vector<16xf32>
        %add3A_122 = arith.constant 5.000000e-01 : f32
        %add3A_123 = vector.broadcast %add3A_122 : f32 to vector<16xf32>
        %add3A_124 = arith.addf %mul3A_121, %add3A_123 : vector<16xf32>
        %mul3A_125 = arith.constant 6.300000e+01 : f32
        %mul3A_126 = vector.broadcast %mul3A_125 : f32 to vector<16xf32>
        %mul3A_127 = arith.mulf %get3A_112, %mul3A_126 : vector<16xf32>
        %add3A_128 = arith.constant 5.000000e-01 : f32
        %add3A_129 = vector.broadcast %add3A_128 : f32 to vector<16xf32>
        %add3A_130 = arith.addf %mul3A_127, %add3A_129 : vector<16xf32>
        %convert_element_type3A = arith.fptosi %add3A_118 : vector<16xf32> to vector<16xi32>
        %convert_element_type3A_131 = arith.fptosi %add3A_124 : vector<16xf32> to vector<16xi32>
        %convert_element_type3A_132 = arith.fptosi %add3A_130 : vector<16xf32> to vector<16xi32>
        %convert_element_type3A_133 = arith.sitofp %convert_element_type3A : vector<16xi32> to vector<16xf32>
        %sub3A = arith.subf %add3A_118, %convert_element_type3A_133 : vector<16xf32>
        %convert_element_type3A_134 = arith.sitofp %convert_element_type3A_131 : vector<16xi32> to vector<16xf32>
        %sub3A_135 = arith.subf %add3A_124, %convert_element_type3A_134 : vector<16xf32>
        %convert_element_type3A_136 = arith.sitofp %convert_element_type3A_132 : vector<16xi32> to vector<16xf32>
        %sub3A_137 = arith.subf %add3A_130, %convert_element_type3A_136 : vector<16xf32>
        %sub3A_138 = arith.constant 1.000000e+00 : f32
        %sub3A_139 = vector.broadcast %sub3A_138 : f32 to vector<16xf32>
        %sub3A_140 = arith.subf %sub3A_139, %sub3A : vector<16xf32>
        %sub3A_141 = arith.constant 1.000000e+00 : f32
        %sub3A_142 = vector.broadcast %sub3A_141 : f32 to vector<16xf32>
        %sub3A_143 = arith.subf %sub3A_142, %sub3A_135 : vector<16xf32>
        %sub3A_144 = arith.constant 1.000000e+00 : f32
        %sub3A_145 = vector.broadcast %sub3A_144 : f32 to vector<16xf32>
        %sub3A_146 = arith.subf %sub3A_145, %sub3A_137 : vector<16xf32>
        %mul3A_147 = arith.mulf %sub3A_140, %sub3A_143 : vector<16xf32>
        %mul3A_148 = arith.mulf %sub3A_140, %sub3A_135 : vector<16xf32>
        %mul3A_149 = arith.mulf %sub3A, %sub3A_143 : vector<16xf32>
        %mul3A_150 = arith.mulf %sub3A, %sub3A_135 : vector<16xf32>
        %broadcast_in_dim3A = arith.constant 0.000000e+00 : f32
        %broadcast_in_dim3A_151 = vector.broadcast %broadcast_in_dim3A : f32 to vector<16xf32>
        %broadcast_in_dim3A_152 = arith.constant 0.000000e+00 : f32
        %broadcast_in_dim3A_153 = vector.broadcast %broadcast_in_dim3A_152 : f32 to vector<16xf32>
        %mul3A_154 = arith.mulf %mul3A_147, %sub3A_146 : vector<16xf32>
        %mul3A_155 = arith.constant 16 : i32
        %mul3A_156 = arith.muli %scan3A_94, %mul3A_155 : i32
        %add3A_157 = arith.constant 0 : i32
        %add3A_158 = arith.addi %add3A_157, %mul3A_156 : i32
        %get3A_159 = arith.index_cast %add3A_158 : i32 to index
        %get3A_160 = tpu.vector_load %arg8[%get3A_159] {strides = array<i32>} : memref<16384xf32, #tpu.memory_space<vmem>>, vector<16xf32>,
        %get3A_161 = vector.shape_cast %get3A_160 : vector<16xf32> to vector<16xf32>
        %mul3A_162 = arith.constant 16 : i32
        %mul3A_163 = arith.muli %scan3A_94, %mul3A_162 : i32
        %add3A_164 = arith.constant 0 : i32
        %add3A_165 = arith.addi %add3A_164, %mul3A_163 : i32
        %get3A_166 = arith.index_cast %add3A_165 : i32 to index
        %get3A_167 = tpu.vector_load %arg9[%get3A_166] {strides = array<i32>} : memref<16384xf32, #tpu.memory_space<vmem>>, vector<16xf32>,
        %get3A_168 = vector.shape_cast %get3A_167 : vector<16xf32> to vector<16xf32>
        %mul3A_169 = arith.mulf %mul3A_154, %get3A_161 : vector<16xf32>
        %add3A_170 = arith.addf %broadcast_in_dim3A_151, %mul3A_169 : vector<16xf32>
        %mul3A_171 = arith.mulf %mul3A_154, %get3A_168 : vector<16xf32>
        %add3A_172 = arith.addf %broadcast_in_dim3A_153, %mul3A_171 : vector<16xf32>
        %mul3A_173 = arith.mulf %mul3A_147, %sub3A_137 : vector<16xf32>
        %mul3A_174 = arith.constant 16 : i32
        %mul3A_175 = arith.muli %scan3A_94, %mul3A_174 : i32
        %add3A_176 = arith.constant 2048 : i32
        %add3A_177 = arith.addi %add3A_176, %mul3A_175 : i32
        %get3A_178 = arith.index_cast %add3A_177 : i32 to index
        %get3A_179 = tpu.vector_load %arg8[%get3A_178] {strides = array<i32>} : memref<16384xf32, #tpu.memory_space<vmem>>, vector<16xf32>,
        %get3A_180 = vector.shape_cast %get3A_179 : vector<16xf32> to vector<16xf32>
        %mul3A_181 = arith.constant 16 : i32
        %mul3A_182 = arith.muli %scan3A_94, %mul3A_181 : i32
        %add3A_183 = arith.constant 2048 : i32
        %add3A_184 = arith.addi %add3A_183, %mul3A_182 : i32
        %get3A_185 = arith.index_cast %add3A_184 : i32 to index
        %get3A_186 = tpu.vector_load %arg9[%get3A_185] {strides = array<i32>} : memref<16384xf32, #tpu.memory_space<vmem>>, vector<16xf32>,
        %get3A_187 = vector.shape_cast %get3A_186 : vector<16xf32> to vector<16xf32>
        %mul3A_188 = arith.mulf %mul3A_173, %get3A_180 : vector<16xf32>
        %add3A_189 = arith.addf %add3A_170, %mul3A_188 : vector<16xf32>
        %mul3A_190 = arith.mulf %mul3A_173, %get3A_187 : vector<16xf32>
        %add3A_191 = arith.addf %add3A_172, %mul3A_190 : vector<16xf32>
        %mul3A_192 = arith.mulf %mul3A_148, %sub3A_146 : vector<16xf32>
        %mul3A_193 = arith.constant 16 : i32
        %mul3A_194 = arith.muli %scan3A_94, %mul3A_193 : i32
        %add3A_195 = arith.constant 4096 : i32
        %add3A_196 = arith.addi %add3A_195, %mul3A_194 : i32
        %get3A_197 = arith.index_cast %add3A_196 : i32 to index
        %get3A_198 = tpu.vector_load %arg8[%get3A_197] {strides = array<i32>} : memref<16384xf32, #tpu.memory_space<vmem>>, vector<16xf32>,
        %get3A_199 = vector.shape_cast %get3A_198 : vector<16xf32> to vector<16xf32>
        %mul3A_200 = arith.constant 16 : i32
        %mul3A_201 = arith.muli %scan3A_94, %mul3A_200 : i32
        %add3A_202 = arith.constant 4096 : i32
        %add3A_203 = arith.addi %add3A_202, %mul3A_201 : i32
        %get3A_204 = arith.index_cast %add3A_203 : i32 to index
        %get3A_205 = tpu.vector_load %arg9[%get3A_204] {strides = array<i32>} : memref<16384xf32, #tpu.memory_space<vmem>>, vector<16xf32>,
        %get3A_206 = vector.shape_cast %get3A_205 : vector<16xf32> to vector<16xf32>
        %mul3A_207 = arith.mulf %mul3A_192, %get3A_199 : vector<16xf32>
        %add3A_208 = arith.addf %add3A_189, %mul3A_207 : vector<16xf32>
        %mul3A_209 = arith.mulf %mul3A_192, %get3A_206 : vector<16xf32>
        %add3A_210 = arith.addf %add3A_191, %mul3A_209 : vector<16xf32>
        %mul3A_211 = arith.mulf %mul3A_148, %sub3A_137 : vector<16xf32>
        %mul3A_212 = arith.constant 16 : i32
        %mul3A_213 = arith.muli %scan3A_94, %mul3A_212 : i32
        %add3A_214 = arith.constant 6144 : i32
        %add3A_215 = arith.addi %add3A_214, %mul3A_213 : i32
        %get3A_216 = arith.index_cast %add3A_215 : i32 to index
        %get3A_217 = tpu.vector_load %arg8[%get3A_216] {strides = array<i32>} : memref<16384xf32, #tpu.memory_space<vmem>>, vector<16xf32>,
        %get3A_218 = vector.shape_cast %get3A_217 : vector<16xf32> to vector<16xf32>
        %mul3A_219 = arith.constant 16 : i32
        %mul3A_220 = arith.muli %scan3A_94, %mul3A_219 : i32
        %add3A_221 = arith.constant 6144 : i32
        %add3A_222 = arith.addi %add3A_221, %mul3A_220 : i32
        %get3A_223 = arith.index_cast %add3A_222 : i32 to index
        %get3A_224 = tpu.vector_load %arg9[%get3A_223] {strides = array<i32>} : memref<16384xf32, #tpu.memory_space<vmem>>, vector<16xf32>,
        %get3A_225 = vector.shape_cast %get3A_224 : vector<16xf32> to vector<16xf32>
        %mul3A_226 = arith.mulf %mul3A_211, %get3A_218 : vector<16xf32>
        %add3A_227 = arith.addf %add3A_208, %mul3A_226 : vector<16xf32>
        %mul3A_228 = arith.mulf %mul3A_211, %get3A_225 : vector<16xf32>
        %add3A_229 = arith.addf %add3A_210, %mul3A_228 : vector<16xf32>
        %mul3A_230 = arith.mulf %mul3A_149, %sub3A_146 : vector<16xf32>
        %mul3A_231 = arith.constant 16 : i32
        %mul3A_232 = arith.muli %scan3A_94, %mul3A_231 : i32
        %add3A_233 = arith.constant 8192 : i32
        %add3A_234 = arith.addi %add3A_233, %mul3A_232 : i32
        %get3A_235 = arith.index_cast %add3A_234 : i32 to index
        %get3A_236 = tpu.vector_load %arg8[%get3A_235] {strides = array<i32>} : memref<16384xf32, #tpu.memory_space<vmem>>, vector<16xf32>,
        %get3A_237 = vector.shape_cast %get3A_236 : vector<16xf32> to vector<16xf32>
        %mul3A_238 = arith.constant 16 : i32
        %mul3A_239 = arith.muli %scan3A_94, %mul3A_238 : i32
        %add3A_240 = arith.constant 8192 : i32
        %add3A_241 = arith.addi %add3A_240, %mul3A_239 : i32
        %get3A_242 = arith.index_cast %add3A_241 : i32 to index
        %get3A_243 = tpu.vector_load %arg9[%get3A_242] {strides = array<i32>} : memref<16384xf32, #tpu.memory_space<vmem>>, vector<16xf32>,
        %get3A_244 = vector.shape_cast %get3A_243 : vector<16xf32> to vector<16xf32>
        %mul3A_245 = arith.mulf %mul3A_230, %get3A_237 : vector<16xf32>
        %add3A_246 = arith.addf %add3A_227, %mul3A_245 : vector<16xf32>
        %mul3A_247 = arith.mulf %mul3A_230, %get3A_244 : vector<16xf32>
        %add3A_248 = arith.addf %add3A_229, %mul3A_247 : vector<16xf32>
        %mul3A_249 = arith.mulf %mul3A_149, %sub3A_137 : vector<16xf32>
        %mul3A_250 = arith.constant 16 : i32
        %mul3A_251 = arith.muli %scan3A_94, %mul3A_250 : i32
        %add3A_252 = arith.constant 10240 : i32
        %add3A_253 = arith.addi %add3A_252, %mul3A_251 : i32
        %get3A_254 = arith.index_cast %add3A_253 : i32 to index
        %get3A_255 = tpu.vector_load %arg8[%get3A_254] {strides = array<i32>} : memref<16384xf32, #tpu.memory_space<vmem>>, vector<16xf32>,
        %get3A_256 = vector.shape_cast %get3A_255 : vector<16xf32> to vector<16xf32>
        %mul3A_257 = arith.constant 16 : i32
        %mul3A_258 = arith.muli %scan3A_94, %mul3A_257 : i32
        %add3A_259 = arith.constant 10240 : i32
        %add3A_260 = arith.addi %add3A_259, %mul3A_258 : i32
        %get3A_261 = arith.index_cast %add3A_260 : i32 to index
        %get3A_262 = tpu.vector_load %arg9[%get3A_261] {strides = array<i32>} : memref<16384xf32, #tpu.memory_space<vmem>>, vector<16xf32>,
        %get3A_263 = vector.shape_cast %get3A_262 : vector<16xf32> to vector<16xf32>
        %mul3A_264 = arith.mulf %mul3A_249, %get3A_256 : vector<16xf32>
        %add3A_265 = arith.addf %add3A_246, %mul3A_264 : vector<16xf32>
        %mul3A_266 = arith.mulf %mul3A_249, %get3A_263 : vector<16xf32>
        %add3A_267 = arith.addf %add3A_248, %mul3A_266 : vector<16xf32>
        %mul3A_268 = arith.mulf %mul3A_150, %sub3A_146 : vector<16xf32>
        %mul3A_269 = arith.constant 16 : i32
        %mul3A_270 = arith.muli %scan3A_94, %mul3A_269 : i32
        %add3A_271 = arith.constant 12288 : i32
        %add3A_272 = arith.addi %add3A_271, %mul3A_270 : i32
        %get3A_273 = arith.index_cast %add3A_272 : i32 to index
        %get3A_274 = tpu.vector_load %arg8[%get3A_273] {strides = array<i32>} : memref<16384xf32, #tpu.memory_space<vmem>>, vector<16xf32>,
        %get3A_275 = vector.shape_cast %get3A_274 : vector<16xf32> to vector<16xf32>
        %mul3A_276 = arith.constant 16 : i32
        %mul3A_277 = arith.muli %scan3A_94, %mul3A_276 : i32
        %add3A_278 = arith.constant 12288 : i32
        %add3A_279 = arith.addi %add3A_278, %mul3A_277 : i32
        %get3A_280 = arith.index_cast %add3A_279 : i32 to index
        %get3A_281 = tpu.vector_load %arg9[%get3A_280] {strides = array<i32>} : memref<16384xf32, #tpu.memory_space<vmem>>, vector<16xf32>,
        %get3A_282 = vector.shape_cast %get3A_281 : vector<16xf32> to vector<16xf32>
        %mul3A_283 = arith.mulf %mul3A_268, %get3A_275 : vector<16xf32>
        %add3A_284 = arith.addf %add3A_265, %mul3A_283 : vector<16xf32>
        %mul3A_285 = arith.mulf %mul3A_268, %get3A_282 : vector<16xf32>
        %add3A_286 = arith.addf %add3A_267, %mul3A_285 : vector<16xf32>
        %mul3A_287 = arith.mulf %mul3A_150, %sub3A_137 : vector<16xf32>
        %mul3A_288 = arith.constant 16 : i32
        %mul3A_289 = arith.muli %scan3A_94, %mul3A_288 : i32
        %add3A_290 = arith.constant 14336 : i32
        %add3A_291 = arith.addi %add3A_290, %mul3A_289 : i32
        %get3A_292 = arith.index_cast %add3A_291 : i32 to index
        %get3A_293 = tpu.vector_load %arg8[%get3A_292] {strides = array<i32>} : memref<16384xf32, #tpu.memory_space<vmem>>, vector<16xf32>,
        %get3A_294 = vector.shape_cast %get3A_293 : vector<16xf32> to vector<16xf32>
        %mul3A_295 = arith.constant 16 : i32
        %mul3A_296 = arith.muli %scan3A_94, %mul3A_295 : i32
        %add3A_297 = arith.constant 14336 : i32
        %add3A_298 = arith.addi %add3A_297, %mul3A_296 : i32
        %get3A_299 = arith.index_cast %add3A_298 : i32 to index
        %get3A_300 = tpu.vector_load %arg9[%get3A_299] {strides = array<i32>} : memref<16384xf32, #tpu.memory_space<vmem>>, vector<16xf32>,
        %get3A_301 = vector.shape_cast %get3A_300 : vector<16xf32> to vector<16xf32>
        %mul3A_302 = arith.mulf %mul3A_287, %get3A_294 : vector<16xf32>
        %add3A_303 = arith.addf %add3A_284, %mul3A_302 : vector<16xf32>
        %mul3A_304 = arith.mulf %mul3A_287, %get3A_301 : vector<16xf32>
        %add3A_305 = arith.addf %add3A_286, %mul3A_304 : vector<16xf32>
        %mul3A_306 = arith.constant 16 : i32
        %mul3A_307 = arith.muli %scan3A_94, %mul3A_306 : i32
        %swap3A = arith.index_cast %mul3A_307 : i32 to index
        %swap3A_308 = tpu.vector_load %arg10[%swap3A] {strides = array<i32>} : memref<4096xf32, #tpu.memory_space<vmem>>, vector<16xf32>,
        %swap3A_309 = vector.shape_cast %swap3A_308 : vector<16xf32> to vector<16xf32>
        %swap3A_310 = vector.shape_cast %add3A_303 : vector<16xf32> to vector<16xf32>
        tpu.vector_store %arg10[%swap3A], %swap3A_310 {strides = array<i32>} : memref<4096xf32, #tpu.memory_space<vmem>>, vector<16xf32>,
        %mul3A_311 = arith.constant 16 : i32
        %mul3A_312 = arith.muli %scan3A_94, %mul3A_311 : i32
        %add3A_313 = arith.constant 2048 : i32
        %add3A_314 = arith.addi %add3A_313, %mul3A_312 : i32
        %swap3A_315 = arith.index_cast %add3A_314 : i32 to index
        %swap3A_316 = tpu.vector_load %arg10[%swap3A_315] {strides = array<i32>} : memref<4096xf32, #tpu.memory_space<vmem>>, vector<16xf32>,
        %swap3A_317 = vector.shape_cast %swap3A_316 : vector<16xf32> to vector<16xf32>
        %swap3A_318 = vector.shape_cast %add3A_305 : vector<16xf32> to vector<16xf32>
        tpu.vector_store %arg10[%swap3A_315], %swap3A_318 {strides = array<i32>} : memref<4096xf32, #tpu.memory_space<vmem>>, vector<16xf32>,
      }
      %scan3A_83 = arith.constant 128 : i32
      %add3A_84 = arith.constant 1048576 : i32
      %add3A_85 = arith.addi %add3A_84, %add3A_11 : i32
      "tpu.region"() ({
        %run_scoped3A = tpu.sem_alloc : memref<!tpu.dma_semaphore, #tpu.memory_space<semaphore_mem>>
        %dma_start3A_94 = arith.constant 0 : i32
        %dma_start3A_95 = tpu.memref_slice %arg10[%dma_start3A_94] : memref<4096xf32, #tpu.memory_space<vmem>> -> memref<2048xf32, #tpu.memory_space<vmem>>
        %dma_start3A_96 = tpu.memref_slice %arg5[%add3A_85] : memref<8388608xf32, #tpu.memory_space<hbm>> -> memref<2048xf32, #tpu.memory_space<hbm>>
        %dma_start3A_97 = tpu.memref_slice %arg5[%add3A_85] : memref<8388608xf32, #tpu.memory_space<hbm>> -> memref<2048xf32, #tpu.memory_space<hbm>>
        %dma_start3A_98 = arith.constant 0 : i32
        %dma_start3A_99 = tpu.memref_slice %arg10[%dma_start3A_98] : memref<4096xf32, #tpu.memory_space<vmem>> -> memref<2048xf32, #tpu.memory_space<vmem>>
        tpu.enqueue_dma source(%dma_start3A_99 : memref<2048xf32, #tpu.memory_space<vmem>>) target(%dma_start3A_97 : memref<2048xf32, #tpu.memory_space<hbm>>) target_semaphore(%run_scoped3A : memref<!tpu.dma_semaphore, #tpu.memory_space<semaphore_mem>>)
        %dma_wait3A_100 = arith.constant 0 : i32
        %dma_wait3A_101 = tpu.memref_slice %arg10[%dma_wait3A_100] : memref<4096xf32, #tpu.memory_space<vmem>> -> memref<2048xf32, #tpu.memory_space<vmem>>
        %dma_wait3A_102 = tpu.memref_slice %arg5[%add3A_85] : memref<8388608xf32, #tpu.memory_space<hbm>> -> memref<2048xf32, #tpu.memory_space<hbm>>
        %dma_wait3A_103 = tpu.memref_slice %arg5[%add3A_85] : memref<8388608xf32, #tpu.memory_space<hbm>> -> memref<2048xf32, #tpu.memory_space<hbm>>
        %dma_wait3A_104 = arith.constant 0 : i32
        %dma_wait3A_105 = tpu.memref_slice %arg10[%dma_wait3A_104] : memref<4096xf32, #tpu.memory_space<vmem>> -> memref<2048xf32, #tpu.memory_space<vmem>>
        tpu.wait_dma2 semaphore(%run_scoped3A : memref<!tpu.dma_semaphore, #tpu.memory_space<semaphore_mem>>) src(%dma_wait3A_105 : memref<2048xf32, #tpu.memory_space<vmem>>) dst(%dma_wait3A_103 : memref<2048xf32, #tpu.memory_space<hbm>>)
        tpu.yield
      }) : () -> ()
      %add3A_86 = arith.constant 1310720 : i32
      %add3A_87 = arith.addi %add3A_86, %add3A_11 : i32
      "tpu.region"() ({
        %run_scoped3A = tpu.sem_alloc : memref<!tpu.dma_semaphore, #tpu.memory_space<semaphore_mem>>
        %dma_start3A_94 = arith.constant 2048 : i32
        %dma_start3A_95 = tpu.memref_slice %arg10[%dma_start3A_94] : memref<4096xf32, #tpu.memory_space<vmem>> -> memref<2048xf32, #tpu.memory_space<vmem>>
        %dma_start3A_96 = tpu.memref_slice %arg5[%add3A_87] : memref<8388608xf32, #tpu.memory_space<hbm>> -> memref<2048xf32, #tpu.memory_space<hbm>>
        %dma_start3A_97 = tpu.memref_slice %arg5[%add3A_87] : memref<8388608xf32, #tpu.memory_space<hbm>> -> memref<2048xf32, #tpu.memory_space<hbm>>
        %dma_start3A_98 = arith.constant 2048 : i32
        %dma_start3A_99 = tpu.memref_slice %arg10[%dma_start3A_98] : memref<4096xf32, #tpu.memory_space<vmem>> -> memref<2048xf32, #tpu.memory_space<vmem>>
        tpu.enqueue_dma source(%dma_start3A_99 : memref<2048xf32, #tpu.memory_space<vmem>>) target(%dma_start3A_97 : memref<2048xf32, #tpu.memory_space<hbm>>) target_semaphore(%run_scoped3A : memref<!tpu.dma_semaphore, #tpu.memory_space<semaphore_mem>>)
        %dma_wait3A_100 = arith.constant 2048 : i32
        %dma_wait3A_101 = tpu.memref_slice %arg10[%dma_wait3A_100] : memref<4096xf32, #tpu.memory_space<vmem>> -> memref<2048xf32, #tpu.memory_space<vmem>>
        %dma_wait3A_102 = tpu.memref_slice %arg5[%add3A_87] : memref<8388608xf32, #tpu.memory_space<hbm>> -> memref<2048xf32, #tpu.memory_space<hbm>>
        %dma_wait3A_103 = tpu.memref_slice %arg5[%add3A_87] : memref<8388608xf32, #tpu.memory_space<hbm>> -> memref<2048xf32, #tpu.memory_space<hbm>>
        %dma_wait3A_104 = arith.constant 2048 : i32
        %dma_wait3A_105 = tpu.memref_slice %arg10[%dma_wait3A_104] : memref<4096xf32, #tpu.memory_space<vmem>> -> memref<2048xf32, #tpu.memory_space<vmem>>
        tpu.wait_dma2 semaphore(%run_scoped3A : memref<!tpu.dma_semaphore, #tpu.memory_space<semaphore_mem>>) src(%dma_wait3A_105 : memref<2048xf32, #tpu.memory_space<vmem>>) dst(%dma_wait3A_103 : memref<2048xf32, #tpu.memory_space<hbm>>)
        tpu.yield
      }) : () -> ()
      %scan3A_88 = arith.constant 0 : i32
      %scan3A_89 = arith.constant 3 : i32
      %scan3A_90 = arith.constant 13 : i32
      %scan3A_91 = arith.addi %scan3A_89, %scan3A_90 : i32
      %scan3A_92 = arith.constant 1 : i32
      scf.for %scan3A_94 = %scan3A_89 to %scan3A_91 step %scan3A_92  : i32 {
        %add3A_95 = arith.constant 4 : i32
        %add3A_96 = arith.addi %scan3A_94, %add3A_95 : i32
        %shift_left3A = arith.constant 1 : i32
        %shift_left3A_97 = arith.shli %shift_left3A, %add3A_96 : i32
        %convert_element_type3A = arith.sitofp %shift_left3A_97 : i32 to f32
        %sub3A = arith.constant 1.000000e+00 : f32
        %sub3A_98 = arith.subf %convert_element_type3A, %sub3A : f32
        %scan3A_99 = arith.constant 0 : i32
        %scan3A_100 = arith.constant 0 : i32
        %scan3A_101 = arith.constant 128 : i32
        %scan3A_102 = arith.addi %scan3A_100, %scan3A_101 : i32
        %scan3A_103 = arith.constant 1 : i32
        scf.for %scan3A_125 = %scan3A_100 to %scan3A_102 step %scan3A_103  : i32 {
          %mul3A_126 = arith.constant 524288 : i32
          %mul3A_127 = arith.muli %scan3A_94, %mul3A_126 : i32
          %mul3A_128 = arith.constant 16 : i32
          %mul3A_129 = arith.muli %scan3A_125, %mul3A_128 : i32
          %get3A = arith.index_cast %mul3A_129 : i32 to index
          %get3A_130 = tpu.vector_load %arg6[%get3A] {strides = array<i32>} : memref<6144xf32, #tpu.memory_space<vmem>>, vector<16xf32>,
          %get3A_131 = vector.shape_cast %get3A_130 : vector<16xf32> to vector<16xf32>
          %mul3A_132 = arith.constant 16 : i32
          %mul3A_133 = arith.muli %scan3A_125, %mul3A_132 : i32
          %add3A_134 = arith.constant 2048 : i32
          %add3A_135 = arith.addi %add3A_134, %mul3A_133 : i32
          %get3A_136 = arith.index_cast %add3A_135 : i32 to index
          %get3A_137 = tpu.vector_load %arg6[%get3A_136] {strides = array<i32>} : memref<6144xf32, #tpu.memory_space<vmem>>, vector<16xf32>,
          %get3A_138 = vector.shape_cast %get3A_137 : vector<16xf32> to vector<16xf32>
          %mul3A_139 = arith.constant 16 : i32
          %mul3A_140 = arith.muli %scan3A_125, %mul3A_139 : i32
          %add3A_141 = arith.constant 4096 : i32
          %add3A_142 = arith.addi %add3A_141, %mul3A_140 : i32
          %get3A_143 = arith.index_cast %add3A_142 : i32 to index
          %get3A_144 = tpu.vector_load %arg6[%get3A_143] {strides = array<i32>} : memref<6144xf32, #tpu.memory_space<vmem>>, vector<16xf32>,
          %get3A_145 = vector.shape_cast %get3A_144 : vector<16xf32> to vector<16xf32>
          %mul3A_146 = vector.broadcast %sub3A_98 : f32 to vector<16xf32>
          %mul3A_147 = arith.mulf %get3A_131, %mul3A_146 : vector<16xf32>
          %add3A_148 = arith.constant 5.000000e-01 : f32
          %add3A_149 = vector.broadcast %add3A_148 : f32 to vector<16xf32>
          %add3A_150 = arith.addf %mul3A_147, %add3A_149 : vector<16xf32>
          %mul3A_151 = vector.broadcast %sub3A_98 : f32 to vector<16xf32>
          %mul3A_152 = arith.mulf %get3A_138, %mul3A_151 : vector<16xf32>
          %add3A_153 = arith.constant 5.000000e-01 : f32
          %add3A_154 = vector.broadcast %add3A_153 : f32 to vector<16xf32>
          %add3A_155 = arith.addf %mul3A_152, %add3A_154 : vector<16xf32>
          %mul3A_156 = vector.broadcast %sub3A_98 : f32 to vector<16xf32>
          %mul3A_157 = arith.mulf %get3A_145, %mul3A_156 : vector<16xf32>
          %add3A_158 = arith.constant 5.000000e-01 : f32
          %add3A_159 = vector.broadcast %add3A_158 : f32 to vector<16xf32>
          %add3A_160 = arith.addf %mul3A_157, %add3A_159 : vector<16xf32>
          %convert_element_type3A_161 = arith.fptosi %add3A_150 : vector<16xf32> to vector<16xi32>
          %convert_element_type3A_162 = arith.fptosi %add3A_155 : vector<16xf32> to vector<16xi32>
          %convert_element_type3A_163 = arith.fptosi %add3A_160 : vector<16xf32> to vector<16xi32>
          %convert_element_type3A_164 = arith.sitofp %convert_element_type3A_161 : vector<16xi32> to vector<16xf32>
          %sub3A_165 = arith.subf %add3A_150, %convert_element_type3A_164 : vector<16xf32>
          %convert_element_type3A_166 = arith.sitofp %convert_element_type3A_162 : vector<16xi32> to vector<16xf32>
          %sub3A_167 = arith.subf %add3A_155, %convert_element_type3A_166 : vector<16xf32>
          %convert_element_type3A_168 = arith.sitofp %convert_element_type3A_163 : vector<16xi32> to vector<16xf32>
          %sub3A_169 = arith.subf %add3A_160, %convert_element_type3A_168 : vector<16xf32>
          %mul3A_170 = arith.constant -1640531535 : i32
          %mul3A_171 = vector.broadcast %mul3A_170 : i32 to vector<16xi32>
          %mul3A_172 = arith.muli %convert_element_type3A_162, %mul3A_171 : vector<16xi32>
          %add3A_173 = arith.constant -1640531535 : i32
          %add3A_174 = vector.broadcast %add3A_173 : i32 to vector<16xi32>
          %add3A_175 = arith.addi %mul3A_172, %add3A_174 : vector<16xi32>
          %mul3A_176 = arith.constant 805459861 : i32
          %mul3A_177 = vector.broadcast %mul3A_176 : i32 to vector<16xi32>
          %mul3A_178 = arith.muli %convert_element_type3A_163, %mul3A_177 : vector<16xi32>
          %add3A_179 = arith.constant 805459861 : i32
          %add3A_180 = vector.broadcast %add3A_179 : i32 to vector<16xi32>
          %add3A_181 = arith.addi %mul3A_178, %add3A_180 : vector<16xi32>
          %add3A_182 = arith.constant 1 : i32
          %add3A_183 = vector.broadcast %add3A_182 : i32 to vector<16xi32>
          %add3A_184 = arith.addi %convert_element_type3A_161, %add3A_183 : vector<16xi32>
          %xor3A = arith.xori %convert_element_type3A_161, %mul3A_172 : vector<16xi32>
          %xor3A_185 = arith.xori %xor3A, %mul3A_178 : vector<16xi32>
          %and3A = arith.constant 524287 : i32
          %and3A_186 = vector.broadcast %and3A : i32 to vector<16xi32>
          %and3A_187 = arith.andi %xor3A_185, %and3A_186 : vector<16xi32>
          %add3A_188 = vector.broadcast %mul3A_127 : i32 to vector<16xi32>
          %add3A_189 = arith.addi %and3A_187, %add3A_188 : vector<16xi32>
          %mul3A_190 = arith.constant 16 : i32
          %mul3A_191 = arith.muli %scan3A_125, %mul3A_190 : i32
          %add3A_192 = arith.constant 0 : i32
          %add3A_193 = arith.addi %add3A_192, %mul3A_191 : i32
          %swap3A = arith.index_cast %add3A_193 : i32 to index
          %swap3A_194 = tpu.vector_load %arg7[%swap3A] {strides = array<i32>} : memref<16384xi32, #tpu.memory_space<vmem>>, vector<16xi32>,
          %swap3A_195 = vector.shape_cast %swap3A_194 : vector<16xi32> to vector<16xi32>
          %swap3A_196 = vector.shape_cast %add3A_189 : vector<16xi32> to vector<16xi32>
          tpu.vector_store %arg7[%swap3A], %swap3A_196 {strides = array<i32>} : memref<16384xi32, #tpu.memory_space<vmem>>, vector<16xi32>,
          %xor3A_197 = arith.xori %convert_element_type3A_161, %mul3A_172 : vector<16xi32>
          %xor3A_198 = arith.xori %xor3A_197, %add3A_181 : vector<16xi32>
          %and3A_199 = arith.constant 524287 : i32
          %and3A_200 = vector.broadcast %and3A_199 : i32 to vector<16xi32>
          %and3A_201 = arith.andi %xor3A_198, %and3A_200 : vector<16xi32>
          %add3A_202 = vector.broadcast %mul3A_127 : i32 to vector<16xi32>
          %add3A_203 = arith.addi %and3A_201, %add3A_202 : vector<16xi32>
          %mul3A_204 = arith.constant 16 : i32
          %mul3A_205 = arith.muli %scan3A_125, %mul3A_204 : i32
          %add3A_206 = arith.constant 2048 : i32
          %add3A_207 = arith.addi %add3A_206, %mul3A_205 : i32
          %swap3A_208 = arith.index_cast %add3A_207 : i32 to index
          %swap3A_209 = tpu.vector_load %arg7[%swap3A_208] {strides = array<i32>} : memref<16384xi32, #tpu.memory_space<vmem>>, vector<16xi32>,
          %swap3A_210 = vector.shape_cast %swap3A_209 : vector<16xi32> to vector<16xi32>
          %swap3A_211 = vector.shape_cast %add3A_203 : vector<16xi32> to vector<16xi32>
          tpu.vector_store %arg7[%swap3A_208], %swap3A_211 {strides = array<i32>} : memref<16384xi32, #tpu.memory_space<vmem>>, vector<16xi32>,
          %xor3A_212 = arith.xori %convert_element_type3A_161, %add3A_175 : vector<16xi32>
          %xor3A_213 = arith.xori %xor3A_212, %mul3A_178 : vector<16xi32>
          %and3A_214 = arith.constant 524287 : i32
          %and3A_215 = vector.broadcast %and3A_214 : i32 to vector<16xi32>
          %and3A_216 = arith.andi %xor3A_213, %and3A_215 : vector<16xi32>
          %add3A_217 = vector.broadcast %mul3A_127 : i32 to vector<16xi32>
          %add3A_218 = arith.addi %and3A_216, %add3A_217 : vector<16xi32>
          %mul3A_219 = arith.constant 16 : i32
          %mul3A_220 = arith.muli %scan3A_125, %mul3A_219 : i32
          %add3A_221 = arith.constant 4096 : i32
          %add3A_222 = arith.addi %add3A_221, %mul3A_220 : i32
          %swap3A_223 = arith.index_cast %add3A_222 : i32 to index
          %swap3A_224 = tpu.vector_load %arg7[%swap3A_223] {strides = array<i32>} : memref<16384xi32, #tpu.memory_space<vmem>>, vector<16xi32>,
          %swap3A_225 = vector.shape_cast %swap3A_224 : vector<16xi32> to vector<16xi32>
          %swap3A_226 = vector.shape_cast %add3A_218 : vector<16xi32> to vector<16xi32>
          tpu.vector_store %arg7[%swap3A_223], %swap3A_226 {strides = array<i32>} : memref<16384xi32, #tpu.memory_space<vmem>>, vector<16xi32>,
          %xor3A_227 = arith.xori %convert_element_type3A_161, %add3A_175 : vector<16xi32>
          %xor3A_228 = arith.xori %xor3A_227, %add3A_181 : vector<16xi32>
          %and3A_229 = arith.constant 524287 : i32
          %and3A_230 = vector.broadcast %and3A_229 : i32 to vector<16xi32>
          %and3A_231 = arith.andi %xor3A_228, %and3A_230 : vector<16xi32>
          %add3A_232 = vector.broadcast %mul3A_127 : i32 to vector<16xi32>
          %add3A_233 = arith.addi %and3A_231, %add3A_232 : vector<16xi32>
          %mul3A_234 = arith.constant 16 : i32
          %mul3A_235 = arith.muli %scan3A_125, %mul3A_234 : i32
          %add3A_236 = arith.constant 6144 : i32
          %add3A_237 = arith.addi %add3A_236, %mul3A_235 : i32
          %swap3A_238 = arith.index_cast %add3A_237 : i32 to index
          %swap3A_239 = tpu.vector_load %arg7[%swap3A_238] {strides = array<i32>} : memref<16384xi32, #tpu.memory_space<vmem>>, vector<16xi32>,
          %swap3A_240 = vector.shape_cast %swap3A_239 : vector<16xi32> to vector<16xi32>
          %swap3A_241 = vector.shape_cast %add3A_233 : vector<16xi32> to vector<16xi32>
          tpu.vector_store %arg7[%swap3A_238], %swap3A_241 {strides = array<i32>} : memref<16384xi32, #tpu.memory_space<vmem>>, vector<16xi32>,
          %xor3A_242 = arith.xori %add3A_184, %mul3A_172 : vector<16xi32>
          %xor3A_243 = arith.xori %xor3A_242, %mul3A_178 : vector<16xi32>
          %and3A_244 = arith.constant 524287 : i32
          %and3A_245 = vector.broadcast %and3A_244 : i32 to vector<16xi32>
          %and3A_246 = arith.andi %xor3A_243, %and3A_245 : vector<16xi32>
          %add3A_247 = vector.broadcast %mul3A_127 : i32 to vector<16xi32>
          %add3A_248 = arith.addi %and3A_246, %add3A_247 : vector<16xi32>
          %mul3A_249 = arith.constant 16 : i32
          %mul3A_250 = arith.muli %scan3A_125, %mul3A_249 : i32
          %add3A_251 = arith.constant 8192 : i32
          %add3A_252 = arith.addi %add3A_251, %mul3A_250 : i32
          %swap3A_253 = arith.index_cast %add3A_252 : i32 to index
          %swap3A_254 = tpu.vector_load %arg7[%swap3A_253] {strides = array<i32>} : memref<16384xi32, #tpu.memory_space<vmem>>, vector<16xi32>,
          %swap3A_255 = vector.shape_cast %swap3A_254 : vector<16xi32> to vector<16xi32>
          %swap3A_256 = vector.shape_cast %add3A_248 : vector<16xi32> to vector<16xi32>
          tpu.vector_store %arg7[%swap3A_253], %swap3A_256 {strides = array<i32>} : memref<16384xi32, #tpu.memory_space<vmem>>, vector<16xi32>,
          %xor3A_257 = arith.xori %add3A_184, %mul3A_172 : vector<16xi32>
          %xor3A_258 = arith.xori %xor3A_257, %add3A_181 : vector<16xi32>
          %and3A_259 = arith.constant 524287 : i32
          %and3A_260 = vector.broadcast %and3A_259 : i32 to vector<16xi32>
          %and3A_261 = arith.andi %xor3A_258, %and3A_260 : vector<16xi32>
          %add3A_262 = vector.broadcast %mul3A_127 : i32 to vector<16xi32>
          %add3A_263 = arith.addi %and3A_261, %add3A_262 : vector<16xi32>
          %mul3A_264 = arith.constant 16 : i32
          %mul3A_265 = arith.muli %scan3A_125, %mul3A_264 : i32
          %add3A_266 = arith.constant 10240 : i32
          %add3A_267 = arith.addi %add3A_266, %mul3A_265 : i32
          %swap3A_268 = arith.index_cast %add3A_267 : i32 to index
          %swap3A_269 = tpu.vector_load %arg7[%swap3A_268] {strides = array<i32>} : memref<16384xi32, #tpu.memory_space<vmem>>, vector<16xi32>,
          %swap3A_270 = vector.shape_cast %swap3A_269 : vector<16xi32> to vector<16xi32>
          %swap3A_271 = vector.shape_cast %add3A_263 : vector<16xi32> to vector<16xi32>
          tpu.vector_store %arg7[%swap3A_268], %swap3A_271 {strides = array<i32>} : memref<16384xi32, #tpu.memory_space<vmem>>, vector<16xi32>,
          %xor3A_272 = arith.xori %add3A_184, %add3A_175 : vector<16xi32>
          %xor3A_273 = arith.xori %xor3A_272, %mul3A_178 : vector<16xi32>
          %and3A_274 = arith.constant 524287 : i32
          %and3A_275 = vector.broadcast %and3A_274 : i32 to vector<16xi32>
          %and3A_276 = arith.andi %xor3A_273, %and3A_275 : vector<16xi32>
          %add3A_277 = vector.broadcast %mul3A_127 : i32 to vector<16xi32>
          %add3A_278 = arith.addi %and3A_276, %add3A_277 : vector<16xi32>
          %mul3A_279 = arith.constant 16 : i32
          %mul3A_280 = arith.muli %scan3A_125, %mul3A_279 : i32
          %add3A_281 = arith.constant 12288 : i32
          %add3A_282 = arith.addi %add3A_281, %mul3A_280 : i32
          %swap3A_283 = arith.index_cast %add3A_282 : i32 to index
          %swap3A_284 = tpu.vector_load %arg7[%swap3A_283] {strides = array<i32>} : memref<16384xi32, #tpu.memory_space<vmem>>, vector<16xi32>,
          %swap3A_285 = vector.shape_cast %swap3A_284 : vector<16xi32> to vector<16xi32>
          %swap3A_286 = vector.shape_cast %add3A_278 : vector<16xi32> to vector<16xi32>
          tpu.vector_store %arg7[%swap3A_283], %swap3A_286 {strides = array<i32>} : memref<16384xi32, #tpu.memory_space<vmem>>, vector<16xi32>,
          %xor3A_287 = arith.xori %add3A_184, %add3A_175 : vector<16xi32>
          %xor3A_288 = arith.xori %xor3A_287, %add3A_181 : vector<16xi32>
          %and3A_289 = arith.constant 524287 : i32
          %and3A_290 = vector.broadcast %and3A_289 : i32 to vector<16xi32>
          %and3A_291 = arith.andi %xor3A_288, %and3A_290 : vector<16xi32>
          %add3A_292 = vector.broadcast %mul3A_127 : i32 to vector<16xi32>
          %add3A_293 = arith.addi %and3A_291, %add3A_292 : vector<16xi32>
          %mul3A_294 = arith.constant 16 : i32
          %mul3A_295 = arith.muli %scan3A_125, %mul3A_294 : i32
          %add3A_296 = arith.constant 14336 : i32
          %add3A_297 = arith.addi %add3A_296, %mul3A_295 : i32
          %swap3A_298 = arith.index_cast %add3A_297 : i32 to index
          %swap3A_299 = tpu.vector_load %arg7[%swap3A_298] {strides = array<i32>} : memref<16384xi32, #tpu.memory_space<vmem>>, vector<16xi32>,
          %swap3A_300 = vector.shape_cast %swap3A_299 : vector<16xi32> to vector<16xi32>
          %swap3A_301 = vector.shape_cast %add3A_293 : vector<16xi32> to vector<16xi32>
          tpu.vector_store %arg7[%swap3A_298], %swap3A_301 {strides = array<i32>} : memref<16384xi32, #tpu.memory_space<vmem>>, vector<16xi32>,
        }
        %scan3A_104 = arith.constant 128 : i32
        %dma_start3A_105 = arith.constant 0 : i32
        %dma_start3A_106 = tpu.memref_slice %arg3[%dma_start3A_105] : memref<8388608xf32, #tpu.memory_space<hbm>> -> memref<8388608xf32, #tpu.memory_space<hbm>>
        tpu.enqueue_indirect_dma source(%dma_start3A_106 : memref<8388608xf32, #tpu.memory_space<hbm>>) target(%arg8 : memref<16384xf32, #tpu.memory_space<vmem>>) offsets(%arg7 : memref<16384xi32, #tpu.memory_space<vmem>>) semaphore(%arg11 : memref<!tpu.dma_semaphore, #tpu.memory_space<semaphore_mem>>)
        %dma_start3A_107 = arith.constant 0 : i32
        %dma_start3A_108 = tpu.memref_slice %arg4[%dma_start3A_107] : memref<8388608xf32, #tpu.memory_space<hbm>> -> memref<8388608xf32, #tpu.memory_space<hbm>>
        tpu.enqueue_indirect_dma source(%dma_start3A_108 : memref<8388608xf32, #tpu.memory_space<hbm>>) target(%arg9 : memref<16384xf32, #tpu.memory_space<vmem>>) offsets(%arg7 : memref<16384xi32, #tpu.memory_space<vmem>>) semaphore(%arg11 : memref<!tpu.dma_semaphore, #tpu.memory_space<semaphore_mem>>)
        %dma_wait3A_109 = arith.constant 0 : i32
        %dma_wait3A_110 = tpu.memref_slice %arg3[%dma_wait3A_109] : memref<8388608xf32, #tpu.memory_space<hbm>> -> memref<8388608xf32, #tpu.memory_space<hbm>>
        tpu.wait_indirect_dma semaphore(%arg11 : memref<!tpu.dma_semaphore, #tpu.memory_space<semaphore_mem>>) src(%dma_wait3A_110 : memref<8388608xf32, #tpu.memory_space<hbm>>) dst(%arg8 : memref<16384xf32, #tpu.memory_space<vmem>>)
        %dma_wait3A_111 = arith.constant 0 : i32
        %dma_wait3A_112 = tpu.memref_slice %arg4[%dma_wait3A_111] : memref<8388608xf32, #tpu.memory_space<hbm>> -> memref<8388608xf32, #tpu.memory_space<hbm>>
        tpu.wait_indirect_dma semaphore(%arg11 : memref<!tpu.dma_semaphore, #tpu.memory_space<semaphore_mem>>) src(%dma_wait3A_112 : memref<8388608xf32, #tpu.memory_space<hbm>>) dst(%arg9 : memref<16384xf32, #tpu.memory_space<vmem>>)
        %scan3A_113 = arith.constant 0 : i32
        %scan3A_114 = arith.constant 0 : i32
        %scan3A_115 = arith.constant 128 : i32
        %scan3A_116 = arith.addi %scan3A_114, %scan3A_115 : i32
        %scan3A_117 = arith.constant 1 : i32
        scf.for %scan3A_125 = %scan3A_114 to %scan3A_116 step %scan3A_117  : i32 {
          %mul3A_126 = arith.constant 16 : i32
          %mul3A_127 = arith.muli %scan3A_125, %mul3A_126 : i32
          %get3A = arith.index_cast %mul3A_127 : i32 to index
          %get3A_128 = tpu.vector_load %arg6[%get3A] {strides = array<i32>} : memref<6144xf32, #tpu.memory_space<vmem>>, vector<16xf32>,
          %get3A_129 = vector.shape_cast %get3A_128 : vector<16xf32> to vector<16xf32>
          %mul3A_130 = arith.constant 16 : i32
          %mul3A_131 = arith.muli %scan3A_125, %mul3A_130 : i32
          %add3A_132 = arith.constant 2048 : i32
          %add3A_133 = arith.addi %add3A_132, %mul3A_131 : i32
          %get3A_134 = arith.index_cast %add3A_133 : i32 to index
          %get3A_135 = tpu.vector_load %arg6[%get3A_134] {strides = array<i32>} : memref<6144xf32, #tpu.memory_space<vmem>>, vector<16xf32>,
          %get3A_136 = vector.shape_cast %get3A_135 : vector<16xf32> to vector<16xf32>
          %mul3A_137 = arith.constant 16 : i32
          %mul3A_138 = arith.muli %scan3A_125, %mul3A_137 : i32
          %add3A_139 = arith.constant 4096 : i32
          %add3A_140 = arith.addi %add3A_139, %mul3A_138 : i32
          %get3A_141 = arith.index_cast %add3A_140 : i32 to index
          %get3A_142 = tpu.vector_load %arg6[%get3A_141] {strides = array<i32>} : memref<6144xf32, #tpu.memory_space<vmem>>, vector<16xf32>,
          %get3A_143 = vector.shape_cast %get3A_142 : vector<16xf32> to vector<16xf32>
          %mul3A_144 = vector.broadcast %sub3A_98 : f32 to vector<16xf32>
          %mul3A_145 = arith.mulf %get3A_129, %mul3A_144 : vector<16xf32>
          %add3A_146 = arith.constant 5.000000e-01 : f32
          %add3A_147 = vector.broadcast %add3A_146 : f32 to vector<16xf32>
          %add3A_148 = arith.addf %mul3A_145, %add3A_147 : vector<16xf32>
          %mul3A_149 = vector.broadcast %sub3A_98 : f32 to vector<16xf32>
          %mul3A_150 = arith.mulf %get3A_136, %mul3A_149 : vector<16xf32>
          %add3A_151 = arith.constant 5.000000e-01 : f32
          %add3A_152 = vector.broadcast %add3A_151 : f32 to vector<16xf32>
          %add3A_153 = arith.addf %mul3A_150, %add3A_152 : vector<16xf32>
          %mul3A_154 = vector.broadcast %sub3A_98 : f32 to vector<16xf32>
          %mul3A_155 = arith.mulf %get3A_143, %mul3A_154 : vector<16xf32>
          %add3A_156 = arith.constant 5.000000e-01 : f32
          %add3A_157 = vector.broadcast %add3A_156 : f32 to vector<16xf32>
          %add3A_158 = arith.addf %mul3A_155, %add3A_157 : vector<16xf32>
          %convert_element_type3A_159 = arith.fptosi %add3A_148 : vector<16xf32> to vector<16xi32>
          %convert_element_type3A_160 = arith.fptosi %add3A_153 : vector<16xf32> to vector<16xi32>
          %convert_element_type3A_161 = arith.fptosi %add3A_158 : vector<16xf32> to vector<16xi32>
          %convert_element_type3A_162 = arith.sitofp %convert_element_type3A_159 : vector<16xi32> to vector<16xf32>
          %sub3A_163 = arith.subf %add3A_148, %convert_element_type3A_162 : vector<16xf32>
          %convert_element_type3A_164 = arith.sitofp %convert_element_type3A_160 : vector<16xi32> to vector<16xf32>
          %sub3A_165 = arith.subf %add3A_153, %convert_element_type3A_164 : vector<16xf32>
          %convert_element_type3A_166 = arith.sitofp %convert_element_type3A_161 : vector<16xi32> to vector<16xf32>
          %sub3A_167 = arith.subf %add3A_158, %convert_element_type3A_166 : vector<16xf32>
          %sub3A_168 = arith.constant 1.000000e+00 : f32
          %sub3A_169 = vector.broadcast %sub3A_168 : f32 to vector<16xf32>
          %sub3A_170 = arith.subf %sub3A_169, %sub3A_163 : vector<16xf32>
          %sub3A_171 = arith.constant 1.000000e+00 : f32
          %sub3A_172 = vector.broadcast %sub3A_171 : f32 to vector<16xf32>
          %sub3A_173 = arith.subf %sub3A_172, %sub3A_165 : vector<16xf32>
          %sub3A_174 = arith.constant 1.000000e+00 : f32
          %sub3A_175 = vector.broadcast %sub3A_174 : f32 to vector<16xf32>
          %sub3A_176 = arith.subf %sub3A_175, %sub3A_167 : vector<16xf32>
          %mul3A_177 = arith.mulf %sub3A_170, %sub3A_173 : vector<16xf32>
          %mul3A_178 = arith.mulf %sub3A_170, %sub3A_165 : vector<16xf32>
          %mul3A_179 = arith.mulf %sub3A_163, %sub3A_173 : vector<16xf32>
          %mul3A_180 = arith.mulf %sub3A_163, %sub3A_165 : vector<16xf32>
          %broadcast_in_dim3A = arith.constant 0.000000e+00 : f32
          %broadcast_in_dim3A_181 = vector.broadcast %broadcast_in_dim3A : f32 to vector<16xf32>
          %broadcast_in_dim3A_182 = arith.constant 0.000000e+00 : f32
          %broadcast_in_dim3A_183 = vector.broadcast %broadcast_in_dim3A_182 : f32 to vector<16xf32>
          %mul3A_184 = arith.mulf %mul3A_177, %sub3A_176 : vector<16xf32>
          %mul3A_185 = arith.constant 16 : i32
          %mul3A_186 = arith.muli %scan3A_125, %mul3A_185 : i32
          %add3A_187 = arith.constant 0 : i32
          %add3A_188 = arith.addi %add3A_187, %mul3A_186 : i32
          %get3A_189 = arith.index_cast %add3A_188 : i32 to index
          %get3A_190 = tpu.vector_load %arg8[%get3A_189] {strides = array<i32>} : memref<16384xf32, #tpu.memory_space<vmem>>, vector<16xf32>,
          %get3A_191 = vector.shape_cast %get3A_190 : vector<16xf32> to vector<16xf32>
          %mul3A_192 = arith.constant 16 : i32
          %mul3A_193 = arith.muli %scan3A_125, %mul3A_192 : i32
          %add3A_194 = arith.constant 0 : i32
          %add3A_195 = arith.addi %add3A_194, %mul3A_193 : i32
          %get3A_196 = arith.index_cast %add3A_195 : i32 to index
          %get3A_197 = tpu.vector_load %arg9[%get3A_196] {strides = array<i32>} : memref<16384xf32, #tpu.memory_space<vmem>>, vector<16xf32>,
          %get3A_198 = vector.shape_cast %get3A_197 : vector<16xf32> to vector<16xf32>
          %mul3A_199 = arith.mulf %mul3A_184, %get3A_191 : vector<16xf32>
          %add3A_200 = arith.addf %broadcast_in_dim3A_181, %mul3A_199 : vector<16xf32>
          %mul3A_201 = arith.mulf %mul3A_184, %get3A_198 : vector<16xf32>
          %add3A_202 = arith.addf %broadcast_in_dim3A_183, %mul3A_201 : vector<16xf32>
          %mul3A_203 = arith.mulf %mul3A_177, %sub3A_167 : vector<16xf32>
          %mul3A_204 = arith.constant 16 : i32
          %mul3A_205 = arith.muli %scan3A_125, %mul3A_204 : i32
          %add3A_206 = arith.constant 2048 : i32
          %add3A_207 = arith.addi %add3A_206, %mul3A_205 : i32
          %get3A_208 = arith.index_cast %add3A_207 : i32 to index
          %get3A_209 = tpu.vector_load %arg8[%get3A_208] {strides = array<i32>} : memref<16384xf32, #tpu.memory_space<vmem>>, vector<16xf32>,
          %get3A_210 = vector.shape_cast %get3A_209 : vector<16xf32> to vector<16xf32>
          %mul3A_211 = arith.constant 16 : i32
          %mul3A_212 = arith.muli %scan3A_125, %mul3A_211 : i32
          %add3A_213 = arith.constant 2048 : i32
          %add3A_214 = arith.addi %add3A_213, %mul3A_212 : i32
          %get3A_215 = arith.index_cast %add3A_214 : i32 to index
          %get3A_216 = tpu.vector_load %arg9[%get3A_215] {strides = array<i32>} : memref<16384xf32, #tpu.memory_space<vmem>>, vector<16xf32>,
          %get3A_217 = vector.shape_cast %get3A_216 : vector<16xf32> to vector<16xf32>
          %mul3A_218 = arith.mulf %mul3A_203, %get3A_210 : vector<16xf32>
          %add3A_219 = arith.addf %add3A_200, %mul3A_218 : vector<16xf32>
          %mul3A_220 = arith.mulf %mul3A_203, %get3A_217 : vector<16xf32>
          %add3A_221 = arith.addf %add3A_202, %mul3A_220 : vector<16xf32>
          %mul3A_222 = arith.mulf %mul3A_178, %sub3A_176 : vector<16xf32>
          %mul3A_223 = arith.constant 16 : i32
          %mul3A_224 = arith.muli %scan3A_125, %mul3A_223 : i32
          %add3A_225 = arith.constant 4096 : i32
          %add3A_226 = arith.addi %add3A_225, %mul3A_224 : i32
          %get3A_227 = arith.index_cast %add3A_226 : i32 to index
          %get3A_228 = tpu.vector_load %arg8[%get3A_227] {strides = array<i32>} : memref<16384xf32, #tpu.memory_space<vmem>>, vector<16xf32>,
          %get3A_229 = vector.shape_cast %get3A_228 : vector<16xf32> to vector<16xf32>
          %mul3A_230 = arith.constant 16 : i32
          %mul3A_231 = arith.muli %scan3A_125, %mul3A_230 : i32
          %add3A_232 = arith.constant 4096 : i32
          %add3A_233 = arith.addi %add3A_232, %mul3A_231 : i32
          %get3A_234 = arith.index_cast %add3A_233 : i32 to index
          %get3A_235 = tpu.vector_load %arg9[%get3A_234] {strides = array<i32>} : memref<16384xf32, #tpu.memory_space<vmem>>, vector<16xf32>,
          %get3A_236 = vector.shape_cast %get3A_235 : vector<16xf32> to vector<16xf32>
          %mul3A_237 = arith.mulf %mul3A_222, %get3A_229 : vector<16xf32>
          %add3A_238 = arith.addf %add3A_219, %mul3A_237 : vector<16xf32>
          %mul3A_239 = arith.mulf %mul3A_222, %get3A_236 : vector<16xf32>
          %add3A_240 = arith.addf %add3A_221, %mul3A_239 : vector<16xf32>
          %mul3A_241 = arith.mulf %mul3A_178, %sub3A_167 : vector<16xf32>
          %mul3A_242 = arith.constant 16 : i32
          %mul3A_243 = arith.muli %scan3A_125, %mul3A_242 : i32
          %add3A_244 = arith.constant 6144 : i32
          %add3A_245 = arith.addi %add3A_244, %mul3A_243 : i32
          %get3A_246 = arith.index_cast %add3A_245 : i32 to index
          %get3A_247 = tpu.vector_load %arg8[%get3A_246] {strides = array<i32>} : memref<16384xf32, #tpu.memory_space<vmem>>, vector<16xf32>,
          %get3A_248 = vector.shape_cast %get3A_247 : vector<16xf32> to vector<16xf32>
          %mul3A_249 = arith.constant 16 : i32
          %mul3A_250 = arith.muli %scan3A_125, %mul3A_249 : i32
          %add3A_251 = arith.constant 6144 : i32
          %add3A_252 = arith.addi %add3A_251, %mul3A_250 : i32
          %get3A_253 = arith.index_cast %add3A_252 : i32 to index
          %get3A_254 = tpu.vector_load %arg9[%get3A_253] {strides = array<i32>} : memref<16384xf32, #tpu.memory_space<vmem>>, vector<16xf32>,
          %get3A_255 = vector.shape_cast %get3A_254 : vector<16xf32> to vector<16xf32>
          %mul3A_256 = arith.mulf %mul3A_241, %get3A_248 : vector<16xf32>
          %add3A_257 = arith.addf %add3A_238, %mul3A_256 : vector<16xf32>
          %mul3A_258 = arith.mulf %mul3A_241, %get3A_255 : vector<16xf32>
          %add3A_259 = arith.addf %add3A_240, %mul3A_258 : vector<16xf32>
          %mul3A_260 = arith.mulf %mul3A_179, %sub3A_176 : vector<16xf32>
          %mul3A_261 = arith.constant 16 : i32
          %mul3A_262 = arith.muli %scan3A_125, %mul3A_261 : i32
          %add3A_263 = arith.constant 8192 : i32
          %add3A_264 = arith.addi %add3A_263, %mul3A_262 : i32
          %get3A_265 = arith.index_cast %add3A_264 : i32 to index
          %get3A_266 = tpu.vector_load %arg8[%get3A_265] {strides = array<i32>} : memref<16384xf32, #tpu.memory_space<vmem>>, vector<16xf32>,
          %get3A_267 = vector.shape_cast %get3A_266 : vector<16xf32> to vector<16xf32>
          %mul3A_268 = arith.constant 16 : i32
          %mul3A_269 = arith.muli %scan3A_125, %mul3A_268 : i32
          %add3A_270 = arith.constant 8192 : i32
          %add3A_271 = arith.addi %add3A_270, %mul3A_269 : i32
          %get3A_272 = arith.index_cast %add3A_271 : i32 to index
          %get3A_273 = tpu.vector_load %arg9[%get3A_272] {strides = array<i32>} : memref<16384xf32, #tpu.memory_space<vmem>>, vector<16xf32>,
          %get3A_274 = vector.shape_cast %get3A_273 : vector<16xf32> to vector<16xf32>
          %mul3A_275 = arith.mulf %mul3A_260, %get3A_267 : vector<16xf32>
          %add3A_276 = arith.addf %add3A_257, %mul3A_275 : vector<16xf32>
          %mul3A_277 = arith.mulf %mul3A_260, %get3A_274 : vector<16xf32>
          %add3A_278 = arith.addf %add3A_259, %mul3A_277 : vector<16xf32>
          %mul3A_279 = arith.mulf %mul3A_179, %sub3A_167 : vector<16xf32>
          %mul3A_280 = arith.constant 16 : i32
          %mul3A_281 = arith.muli %scan3A_125, %mul3A_280 : i32
          %add3A_282 = arith.constant 10240 : i32
          %add3A_283 = arith.addi %add3A_282, %mul3A_281 : i32
          %get3A_284 = arith.index_cast %add3A_283 : i32 to index
          %get3A_285 = tpu.vector_load %arg8[%get3A_284] {strides = array<i32>} : memref<16384xf32, #tpu.memory_space<vmem>>, vector<16xf32>,
          %get3A_286 = vector.shape_cast %get3A_285 : vector<16xf32> to vector<16xf32>
          %mul3A_287 = arith.constant 16 : i32
          %mul3A_288 = arith.muli %scan3A_125, %mul3A_287 : i32
          %add3A_289 = arith.constant 10240 : i32
          %add3A_290 = arith.addi %add3A_289, %mul3A_288 : i32
          %get3A_291 = arith.index_cast %add3A_290 : i32 to index
          %get3A_292 = tpu.vector_load %arg9[%get3A_291] {strides = array<i32>} : memref<16384xf32, #tpu.memory_space<vmem>>, vector<16xf32>,
          %get3A_293 = vector.shape_cast %get3A_292 : vector<16xf32> to vector<16xf32>
          %mul3A_294 = arith.mulf %mul3A_279, %get3A_286 : vector<16xf32>
          %add3A_295 = arith.addf %add3A_276, %mul3A_294 : vector<16xf32>
          %mul3A_296 = arith.mulf %mul3A_279, %get3A_293 : vector<16xf32>
          %add3A_297 = arith.addf %add3A_278, %mul3A_296 : vector<16xf32>
          %mul3A_298 = arith.mulf %mul3A_180, %sub3A_176 : vector<16xf32>
          %mul3A_299 = arith.constant 16 : i32
          %mul3A_300 = arith.muli %scan3A_125, %mul3A_299 : i32
          %add3A_301 = arith.constant 12288 : i32
          %add3A_302 = arith.addi %add3A_301, %mul3A_300 : i32
          %get3A_303 = arith.index_cast %add3A_302 : i32 to index
          %get3A_304 = tpu.vector_load %arg8[%get3A_303] {strides = array<i32>} : memref<16384xf32, #tpu.memory_space<vmem>>, vector<16xf32>,
          %get3A_305 = vector.shape_cast %get3A_304 : vector<16xf32> to vector<16xf32>
          %mul3A_306 = arith.constant 16 : i32
          %mul3A_307 = arith.muli %scan3A_125, %mul3A_306 : i32
          %add3A_308 = arith.constant 12288 : i32
          %add3A_309 = arith.addi %add3A_308, %mul3A_307 : i32
          %get3A_310 = arith.index_cast %add3A_309 : i32 to index
          %get3A_311 = tpu.vector_load %arg9[%get3A_310] {strides = array<i32>} : memref<16384xf32, #tpu.memory_space<vmem>>, vector<16xf32>,
          %get3A_312 = vector.shape_cast %get3A_311 : vector<16xf32> to vector<16xf32>
          %mul3A_313 = arith.mulf %mul3A_298, %get3A_305 : vector<16xf32>
          %add3A_314 = arith.addf %add3A_295, %mul3A_313 : vector<16xf32>
          %mul3A_315 = arith.mulf %mul3A_298, %get3A_312 : vector<16xf32>
          %add3A_316 = arith.addf %add3A_297, %mul3A_315 : vector<16xf32>
          %mul3A_317 = arith.mulf %mul3A_180, %sub3A_167 : vector<16xf32>
          %mul3A_318 = arith.constant 16 : i32
          %mul3A_319 = arith.muli %scan3A_125, %mul3A_318 : i32
          %add3A_320 = arith.constant 14336 : i32
          %add3A_321 = arith.addi %add3A_320, %mul3A_319 : i32
          %get3A_322 = arith.index_cast %add3A_321 : i32 to index
          %get3A_323 = tpu.vector_load %arg8[%get3A_322] {strides = array<i32>} : memref<16384xf32, #tpu.memory_space<vmem>>, vector<16xf32>,
          %get3A_324 = vector.shape_cast %get3A_323 : vector<16xf32> to vector<16xf32>
          %mul3A_325 = arith.constant 16 : i32
          %mul3A_326 = arith.muli %scan3A_125, %mul3A_325 : i32
          %add3A_327 = arith.constant 14336 : i32
          %add3A_328 = arith.addi %add3A_327, %mul3A_326 : i32
          %get3A_329 = arith.index_cast %add3A_328 : i32 to index
          %get3A_330 = tpu.vector_load %arg9[%get3A_329] {strides = array<i32>} : memref<16384xf32, #tpu.memory_space<vmem>>, vector<16xf32>,
          %get3A_331 = vector.shape_cast %get3A_330 : vector<16xf32> to vector<16xf32>
          %mul3A_332 = arith.mulf %mul3A_317, %get3A_324 : vector<16xf32>
          %add3A_333 = arith.addf %add3A_314, %mul3A_332 : vector<16xf32>
          %mul3A_334 = arith.mulf %mul3A_317, %get3A_331 : vector<16xf32>
          %add3A_335 = arith.addf %add3A_316, %mul3A_334 : vector<16xf32>
          %mul3A_336 = arith.constant 16 : i32
          %mul3A_337 = arith.muli %scan3A_125, %mul3A_336 : i32
          %swap3A = arith.index_cast %mul3A_337 : i32 to index
          %swap3A_338 = tpu.vector_load %arg10[%swap3A] {strides = array<i32>} : memref<4096xf32, #tpu.memory_space<vmem>>, vector<16xf32>,
          %swap3A_339 = vector.shape_cast %swap3A_338 : vector<16xf32> to vector<16xf32>
          %swap3A_340 = vector.shape_cast %add3A_333 : vector<16xf32> to vector<16xf32>
          tpu.vector_store %arg10[%swap3A], %swap3A_340 {strides = array<i32>} : memref<4096xf32, #tpu.memory_space<vmem>>, vector<16xf32>,
          %mul3A_341 = arith.constant 16 : i32
          %mul3A_342 = arith.muli %scan3A_125, %mul3A_341 : i32
          %add3A_343 = arith.constant 2048 : i32
          %add3A_344 = arith.addi %add3A_343, %mul3A_342 : i32
          %swap3A_345 = arith.index_cast %add3A_344 : i32 to index
          %swap3A_346 = tpu.vector_load %arg10[%swap3A_345] {strides = array<i32>} : memref<4096xf32, #tpu.memory_space<vmem>>, vector<16xf32>,
          %swap3A_347 = vector.shape_cast %swap3A_346 : vector<16xf32> to vector<16xf32>
          %swap3A_348 = vector.shape_cast %add3A_335 : vector<16xf32> to vector<16xf32>
          tpu.vector_store %arg10[%swap3A_345], %swap3A_348 {strides = array<i32>} : memref<4096xf32, #tpu.memory_space<vmem>>, vector<16xf32>,
        }
        %scan3A_118 = arith.constant 128 : i32
        %mul3A_119 = arith.constant 524288 : i32
        %mul3A_120 = arith.muli %scan3A_94, %mul3A_119 : i32
        %add3A_121 = arith.addi %mul3A_120, %add3A_11 : i32
        "tpu.region"() ({
          %run_scoped3A = tpu.sem_alloc : memref<!tpu.dma_semaphore, #tpu.memory_space<semaphore_mem>>
          %dma_start3A_125 = arith.constant 0 : i32
          %dma_start3A_126 = tpu.memref_slice %arg10[%dma_start3A_125] : memref<4096xf32, #tpu.memory_space<vmem>> -> memref<2048xf32, #tpu.memory_space<vmem>>
          %dma_start3A_127 = tpu.memref_slice %arg5[%add3A_121] : memref<8388608xf32, #tpu.memory_space<hbm>> -> memref<2048xf32, #tpu.memory_space<hbm>>
          %dma_start3A_128 = tpu.memref_slice %arg5[%add3A_121] : memref<8388608xf32, #tpu.memory_space<hbm>> -> memref<2048xf32, #tpu.memory_space<hbm>>
          %dma_start3A_129 = arith.constant 0 : i32
          %dma_start3A_130 = tpu.memref_slice %arg10[%dma_start3A_129] : memref<4096xf32, #tpu.memory_space<vmem>> -> memref<2048xf32, #tpu.memory_space<vmem>>
          tpu.enqueue_dma source(%dma_start3A_130 : memref<2048xf32, #tpu.memory_space<vmem>>) target(%dma_start3A_128 : memref<2048xf32, #tpu.memory_space<hbm>>) target_semaphore(%run_scoped3A : memref<!tpu.dma_semaphore, #tpu.memory_space<semaphore_mem>>)
          %dma_wait3A_131 = arith.constant 0 : i32
          %dma_wait3A_132 = tpu.memref_slice %arg10[%dma_wait3A_131] : memref<4096xf32, #tpu.memory_space<vmem>> -> memref<2048xf32, #tpu.memory_space<vmem>>
          %dma_wait3A_133 = tpu.memref_slice %arg5[%add3A_121] : memref<8388608xf32, #tpu.memory_space<hbm>> -> memref<2048xf32, #tpu.memory_space<hbm>>
          %dma_wait3A_134 = tpu.memref_slice %arg5[%add3A_121] : memref<8388608xf32, #tpu.memory_space<hbm>> -> memref<2048xf32, #tpu.memory_space<hbm>>
          %dma_wait3A_135 = arith.constant 0 : i32
          %dma_wait3A_136 = tpu.memref_slice %arg10[%dma_wait3A_135] : memref<4096xf32, #tpu.memory_space<vmem>> -> memref<2048xf32, #tpu.memory_space<vmem>>
          tpu.wait_dma2 semaphore(%run_scoped3A : memref<!tpu.dma_semaphore, #tpu.memory_space<semaphore_mem>>) src(%dma_wait3A_136 : memref<2048xf32, #tpu.memory_space<vmem>>) dst(%dma_wait3A_134 : memref<2048xf32, #tpu.memory_space<hbm>>)
          tpu.yield
        }) : () -> ()
        %add3A_122 = arith.constant 262144 : i32
        %add3A_123 = arith.addi %mul3A_120, %add3A_122 : i32
        %add3A_124 = arith.addi %add3A_123, %add3A_11 : i32
        "tpu.region"() ({
          %run_scoped3A = tpu.sem_alloc : memref<!tpu.dma_semaphore, #tpu.memory_space<semaphore_mem>>
          %dma_start3A_125 = arith.constant 2048 : i32
          %dma_start3A_126 = tpu.memref_slice %arg10[%dma_start3A_125] : memref<4096xf32, #tpu.memory_space<vmem>> -> memref<2048xf32, #tpu.memory_space<vmem>>
          %dma_start3A_127 = tpu.memref_slice %arg5[%add3A_124] : memref<8388608xf32, #tpu.memory_space<hbm>> -> memref<2048xf32, #tpu.memory_space<hbm>>
          %dma_start3A_128 = tpu.memref_slice %arg5[%add3A_124] : memref<8388608xf32, #tpu.memory_space<hbm>> -> memref<2048xf32, #tpu.memory_space<hbm>>
          %dma_start3A_129 = arith.constant 2048 : i32
          %dma_start3A_130 = tpu.memref_slice %arg10[%dma_start3A_129] : memref<4096xf32, #tpu.memory_space<vmem>> -> memref<2048xf32, #tpu.memory_space<vmem>>
          tpu.enqueue_dma source(%dma_start3A_130 : memref<2048xf32, #tpu.memory_space<vmem>>) target(%dma_start3A_128 : memref<2048xf32, #tpu.memory_space<hbm>>) target_semaphore(%run_scoped3A : memref<!tpu.dma_semaphore, #tpu.memory_space<semaphore_mem>>)
          %dma_wait3A_131 = arith.constant 2048 : i32
          %dma_wait3A_132 = tpu.memref_slice %arg10[%dma_wait3A_131] : memref<4096xf32, #tpu.memory_space<vmem>> -> memref<2048xf32, #tpu.memory_space<vmem>>
          %dma_wait3A_133 = tpu.memref_slice %arg5[%add3A_124] : memref<8388608xf32, #tpu.memory_space<hbm>> -> memref<2048xf32, #tpu.memory_space<hbm>>
          %dma_wait3A_134 = tpu.memref_slice %arg5[%add3A_124] : memref<8388608xf32, #tpu.memory_space<hbm>> -> memref<2048xf32, #tpu.memory_space<hbm>>
          %dma_wait3A_135 = arith.constant 2048 : i32
          %dma_wait3A_136 = tpu.memref_slice %arg10[%dma_wait3A_135] : memref<4096xf32, #tpu.memory_space<vmem>> -> memref<2048xf32, #tpu.memory_space<vmem>>
          tpu.wait_dma2 semaphore(%run_scoped3A : memref<!tpu.dma_semaphore, #tpu.memory_space<semaphore_mem>>) src(%dma_wait3A_136 : memref<2048xf32, #tpu.memory_space<vmem>>) dst(%dma_wait3A_134 : memref<2048xf32, #tpu.memory_space<hbm>>)
          tpu.yield
        }) : () -> ()
      }
      %scan3A_93 = arith.constant 13 : i32
    }
    %scan3A_5 = arith.constant 4 : i32
    return
  }
}

</mosaic_0001>

<sc_bundles>
// kernel: kernel.3.cloned.1.call-start
scs
__scs_entry_jumppad:
0x0: {  	(pc) =	sbr.rel $0x88, $3  }
0x1: {  	(tag) =	ssettag $0x0;
	lr =	simm.s32 $0x1  }
0x2: {  	[smem:$0x3F9F] =	sst lr;
	_ =	strace $0xD0000000  }
0x3: {  	_ = 	snop  }
0x4: {  	_ = 	snop  }
0x5: {  	_ = 	snop  }
0x6: {  	_ = 	snop  }
0x7: {  	_ = 	snop  }
__scs_overlays_trampoline_lowered:
0x8: {  	[smem:$0x3FAE] =	sst s0  }
0x9: {  	[smem:$0x3FAF] =	sst s1  }
0xa: {  	[smem:$0x3FB0] =	sst s2  }
0xb: {  	[smem:$0x3FB1] =	sst s3  }
0xc: {  	[smem:$0x3FB2] =	sst s4  }
0xd: {  	[smem:$0x3FB3] =	sst s5  }
0xe: {  	[smem:$0x3FB4] =	sst s6  }
0xf: {  	[smem:$0x3FB5] =	sst s7  }
0x10: {  	[smem:$0x3FB6] =	sst s8  }
0x11: {  	[smem:$0x3FB7] =	sst s9;
	s0 =	simm.s32 @!p0 $0x0  }
0x12: {  	s1 =	sld [smem:$0x3F9D];
	s0 =	simm.s32 @p0 $0x1  }
0x13: {  	[smem:$0x3FB8] =	sst s0;
	s0 =	simm.s32 @!p1 $0x0  }
0x14: {  	s2 =	sld [smem:$0x3F9C];
	s0 =	simm.s32 @p1 $0x1  }
0x15: {  	[smem:$0x3FB9] =	sst s0;
	s0 =	simm.s32 @!p2 $0x0  }
0x16: {  	s3 =	sld [smem:$0x3FDB];
	s0 =	simm.s32 @p2 $0x1  }
0x17: {  	s4 =	simm.s32 $0x1BF5;
	[smem:$0x3FBB] =	sst s0  }
0x18: {  	s0 =	sld [smem:$0x3F9E];
	_ =	swait.ge [sflag:s4], $0x0  }
0x19: {  	s7 =	sld [smem:$0x3F9F]  }
0x1a: {  	s8 =	sadd.s32 $0xFFFFE003, lr  }
0x1b: {  	s9 =	sadd.s32 $0xFFFFFEF7, lr;
	s5 =	simm.s32 $0xFFFFFFFF;
	p2 =	slt.u32 s8, $0xFFFFF086  }
0x1c: {  	p1 =	slt.u32 s9, $0xF7A;
	s5 =	simm.s32 @!p2 $0x0  }
0x1d: {  	s5 =	simm.s32 @p1 $0x1;
	p0 =	seq.s32 s7, s2  }
0x1e: {  	s7 =	smul.u32 @!p0 $0xF7A, s2;
	p2 =	seq.s32 @!p0 s5, $0x0  }
0x1f: {  	s9 =	smul.u32 $0xF7A, s1;
	s8 =	simm.s32 @!p0 $0x1BF5;
	p2 =	por !p2, p0  }
0x20: {  	[sflag:s8] =	ssyncset.s32 @!p0 $0xFFFFF086;
	s6 =	sadd.s32 @!p0 s3, s7;
	s7 =	simm.s32 @!p0 $0x108  }
0x21: {  	s3 =	sadd.s32 s3, s9;
	s6 =	sadd.s32 @!p0 $0x88, s6;
	s7 =	simm.s32 @p2 $0x1082  }
0x22: {  	[simem:s7], [sflag:s8] =	dma.local @!p0 [hbm:s6], $0xF7A  }
0x23: {  	s9 =	sor.u32 $0xD0000000, s2;
	s6 =	simm.s32 $0x108;
	_ =	swait.ge @!p0 [sflag:s8], $0x0  }
0x24: {  	s3 =	sadd.s32 $0x88, s3;
	s6 =	simm.s32 @!p1 $0x1082;
	[sflag:s4] =	ssyncset.s32 $0xFFFFF086  }
0x25: {  	[simem:s6], [sflag:s4] =	dma.local [hbm:s3], $0xF7A  }
0x26: {  	[smem:$0x3F9F] =	sst s1;
	(tag) =	ssettag s2;
	_ =	strace s9  }
0x27: {  	s1 =	sld [smem:$0x3FAF]  }
0x28: {  	s2 =	sld [smem:$0x3FB0]  }
0x29: {  	s4 =	sld [smem:$0x3FB2]  }
0x2a: {  	p0 =	seq.s32 s5, $0x0;
	s5 =	sld [smem:$0x3FB3]  }
0x2b: {  	s6 =	sld [smem:$0x3FB4]  }
0x2c: {  	s7 =	sld [smem:$0x3FB5]  }
0x2d: {  	s3 =	simm.s32 $0x108;
	s8 =	sld [smem:$0x3FB6]  }
0x2e: {  	s3 =	simm.s32 @!p0 $0x1082;
	s9 =	sld [smem:$0x3FB7]  }
0x2f: {  	lr =	sadd.s32 s0, s3;
	s0 =	sld [smem:$0x3FAE]  }
0x30: {  	s3 =	sld [smem:$0x3FB1]  }
0x31: {  	[smem:$0x3FBA] =	sst s10  }
0x32: {  	s10 =	sld [smem:$0x3FB8];
	_ =	sdelay $0x3  }
0x33: {  	p0 =	seq.s32 s10, $0x1;
	s10 =	sld [smem:$0x3FBA];
	_ =	sdelay $0x3  }
0x34: {  	[smem:$0x3FBA] =	sst s10  }
0x35: {  	s10 =	sld [smem:$0x3FB9];
	_ =	sdelay $0x3  }
0x36: {  	p1 =	seq.s32 s10, $0x1;
	s10 =	sld [smem:$0x3FBA];
	_ =	sdelay $0x3  }
0x37: {  	[smem:$0x3FBA] =	sst s10  }
0x38: {  	s10 =	sld [smem:$0x3FBB]  }
0x39: {  	_ = 	snop;
	(pc) =	sbr.ind lr, $3  }
0x3a: {  	_ = 	snop  }
0x3b: {  	_ = 	snop  }
0x3c: {  	p2 =	seq.s32 s10, $0x1;
	s10 =	sld [smem:$0x3FBA]  }
0x3d: {  	_ =	shalt  }
0x3e: {  	_ =	shalt  }
0x3f: {  	_ =	shalt  }
0x40: {  	_ =	shalt  }
0x41: {  	_ =	shalt  }
0x42: {  	_ =	shalt  }
0x43: {  	_ =	shalt  }
0x44: {  	_ =	shalt  }
0x45: {  	_ =	shalt  }
0x46: {  	_ =	shalt  }
0x47: {  	_ =	shalt  }
0x48: {  	_ =	shalt  }
0x49: {  	_ =	shalt  }
0x4a: {  	_ =	shalt  }
0x4b: {  	_ =	shalt  }
0x4c: {  	_ =	shalt  }
0x4d: {  	_ =	shalt  }
0x4e: {  	_ =	shalt  }
0x4f: {  	_ =	shalt  }
0x50: {  	_ =	shalt  }
0x51: {  	_ =	shalt  }
0x52: {  	_ =	shalt  }
0x53: {  	_ =	shalt  }
0x54: {  	_ =	shalt  }
0x55: {  	_ =	shalt  }
0x56: {  	_ =	shalt  }
0x57: {  	_ =	shalt  }
0x58: {  	_ =	shalt  }
0x59: {  	_ =	shalt  }
0x5a: {  	_ =	shalt  }
0x5b: {  	_ =	shalt  }
0x5c: {  	_ =	shalt  }
0x5d: {  	_ =	shalt  }
0x5e: {  	_ =	shalt  }
0x5f: {  	_ =	shalt  }
0x60: {  	_ =	shalt  }
0x61: {  	_ =	shalt  }
0x62: {  	_ =	shalt  }
0x63: {  	_ =	shalt  }
0x64: {  	_ =	shalt  }
0x65: {  	_ =	shalt  }
0x66: {  	_ =	shalt  }
0x67: {  	_ =	shalt  }
0x68: {  	_ =	shalt  }
0x69: {  	_ =	shalt  }
0x6a: {  	_ =	shalt  }
0x6b: {  	_ =	shalt  }
0x6c: {  	_ =	shalt  }
0x6d: {  	_ =	shalt  }
0x6e: {  	_ =	shalt  }
0x6f: {  	_ =	shalt  }
0x70: {  	_ =	shalt  }
0x71: {  	_ =	shalt  }
0x72: {  	_ =	shalt  }
0x73: {  	_ =	shalt  }
0x74: {  	_ =	shalt  }
0x75: {  	_ =	shalt  }
0x76: {  	_ =	shalt  }
0x77: {  	_ =	shalt  }
0x78: {  	_ =	shalt  }
0x79: {  	_ =	shalt  }
0x7a: {  	_ =	shalt  }
0x7b: {  	_ =	shalt  }
0x7c: {  	_ =	shalt  }
0x7d: {  	_ =	shalt  }
0x7e: {  	_ =	shalt  }
0x7f: {  	_ =	shalt  }
0x80: {  	_ =	shalt  }
0x81: {  	_ =	shalt  }
0x82: {  	_ =	shalt  }
0x83: {  	_ =	shalt  }
0x84: {  	_ =	shalt  }
0x85: {  	_ =	shalt  }
0x86: {  	_ =	shalt  }
0x87: {  	_ =	shalt  }
.Lfunc_end0:
.L_simem_size_0:
called_computation_lowered:
.L_overlay_start_0:
0x88: {  	s2 =	sld [smem:$0x3FD9]  }
0x89: {  	s3 =	sld [smem:$0x3FFE];
	_ =	sdelay $0x1  }
0x8a: {  	s1 =	srdreg.scid  }
0x8b: {  	s0 =	sand.u32 $0x1, s1  }
0x8c: {  	s17 =	sshll.u32 s0, $0xA;
	s2 =	sadd.s32 s3, s2  }
0x8d: {  	s2 =	sadd.s32 s2, s17  }
0x8e: {  	[smem:$0x3FC6] =	sst s2  }
0x8f: {  	_ = 	snop  }
0x90: {  	s2 =	sld [smem:$0x3FD0];
	(tm) =	ssettm $0x1  }
0x91: {  	s18 =	sld [smem:$0x3FFB];
	_ =	sdelay $0x3  }
0x92: {  	_ =	strace s18  }
0x93: {  	s3 =	sld [smem:$0x3FFC];
	_ =	sdelay $0x3  }
0x94: {  	_ =	strace s3  }
0x95: {  	s3 =	sld [smem:$0x3FFD];
	_ =	sdelay $0x3  }
0x96: {  	_ =	strace s3  }
0x97: {  	_ =	strace $0x8FFFFFFF  }
0x98: {  	s19 =	sld [smem:$0x3FDB];
	_ =	sdelay $0x1  }
0x99: {  	s4 =	simm.s32 $_scs_section_size  }
0x9a: {  	s5 =	simm.s32 $_size__tile_overlayer_lowered;
	s6 =	simm.s32 $_tile_overlayer_lowered  }
0x9b: {  	s22 =	simm.s32 $0x1BFF;
	s21 =	sshll.u32 s6, $0x1;
	s3 =	sadd.s32 s4, s19  }
0x9c: {  	s7 =	simm.s32 $0x0;
	s20 =	sshll.u32 s5, $0x1;
	s5 =	sadd.s32 s21, s3  }
0x9d: {  	[timem:s7], [sflag:s22] =	dma.local [hbm:s5], s20  }
0x9e: {  	_ =	swait.ge [sflag:s22], s20  }
0x9f: {  	s4 =	ssub.s32 $0x0, s20;
	[sflag:s22] =	ssyncset.done $0x0  }
0xa0: {  	[sflag:s22] =	ssyncadd.s32 s4;
	_ =	sdelay $0x1  }
0xa1: {  	s23 =	simm.s32 $0x1B8B  }
0xa2: {  	_ =	swait.ge [sflag:s23], $0x1  }
0xa3: {  	[sflag:s23] =	ssyncset.done $0x0  }
0xa4: {  	s25 =	simm.s32 $0x1B8E;
	s24 =	sld [smem:$0x3FFE];
	[sflag:s23] =	ssyncadd.s32 $0xFFFFFFFF  }
0xa5: {  	s26 =	simm.s32 $execute0_lowered;
	[smem:$0x3FD2] =	sst s25  }
0xa6: {  	s5 =	sshll.u32 s26, $0x1;
	_ =	strace $0x80000046;
	[dreg:$0x1] =	wrdreg $0xFFFFFFFF  }
0xa7: {  	s28 =	simm.s32 $_size_execute0_lowered;
	s3 =	sadd.s32 s3, s5;
	[dreg:$0x0] =	wrdreg $0x0  }
0xa8: {  	s5 =	sshll.u32 s28, $0x1;
	[dreg:$0x2] =	wrdreg s3  }
0xa9: {  	[dreg:$0x3] =	wrdreg s5  }
0xaa: {  	[dreg:$0x4] =	wrdreg $0xC0  }
0xab: {  	_ =	task [dreg:s7], $0x5FFFF  }
0xac: {  	[dreg:$0x1] =	wrdreg $0xFFFFFFFF  }
0xad: {  	[dreg:$0x0] =	wrdreg $0x60  }
0xae: {  	[dreg:$0x2] =	wrdreg s24  }
0xaf: {  	[dreg:$0x3] =	wrdreg s2  }
0xb0: {  	[dreg:$0x4] =	wrdreg $0x9  }
0xb1: {  	_ =	task.clear_ibuf [dreg:s7], $0x5FFFF;
	_ =	strace $0x90000046  }
0xb2: {  	s29 =	simm.s32 $0x9;
	_ =	strace $0x80000048  }
0xb3: {  	_ =	swait.ge [sflag:s29], $0x1  }
0xb4: {  	[sflag:s29] =	ssyncadd.s32 $0xFFFFFFFF  }
0xb5: {  	_ =	strace $0x90000048  }
0xb6: {  	_ =	sfence  }
0xb7: {  	s30 =	sld [smem:$0x0];
	_ =	sdelay $0x2  }
0xb8: {  	s31 =	sshll.u32 s1, $0xD;
	s1 =	sshrl.u32 s1, $0x2  }
0xb9: {  	s3 =	sand.u32 $0x4000, s31;
	s1 =	sadd.s32 s1, s30  }
0xba: {  	s0 =	sor.u32 s3, s0;
	s1 =	sshll.u32 s1, $0x11  }
0xbb: {  	s0 =	sor.u32 s1, s0  }
0xbc: {  	s0 =	sadd.s32 $0x8F2B, s0  }
0xbd: {  	[sflag:s0] =	ssyncadd.remote.s32 $0x1  }
0xbe: {  	_ =	sfence.sel $0xFFFF  }
0xbf: {  	[dreg:$0x0] =	wrdreg $0xFFFFFFFF;
	(pc) =	sbr.abs _section_cstart, $3  }
0xc0: {  	[dreg:$0x1] =	wrdreg $0xFFFFFFFF  }
0xc1: {  	_ =	task.clear_ibuf [dreg:s7], $0x2FFFF;
	_ =	strace $0x9FFFFFFF  }
0xc2: {  	(tm) =	ssettm $0x7FFFFFFF  }
0xc3: {  	_ =	shalt  }
tec
execute0_lowered:
.L_overlay_start_1:
0x0: {  	(tag) =	ssettag $0x1  }
0x1: {  	s0 =	rddreg [dreg:$0x0]  }
0x2: {  	s1 =	rddreg [dreg:$0x1];
	s2 =	simm.s32 $0x0  }
0x3: {  	s3 =	srdreg.scid;
	s9 =	stileid.u32;
	s12 =	simm.s32 $0x2  }
0x4: {  	s14 =	simm.s32 $0x4000;
	s15 =	simm.s32 $0x1800;
	s16 =	simm.s32 $0x5800  }
0x5: {  	s17 =	simm.s32 $0x9800;
	s18 =	simm.s32 $0x1;
	s19 =	simm.s32 $0xD800  }
0x6: {  	[smem:$0x7FF] =	sst s2;
	s3 =	sand.u32 $0x1, s3;
	s6 =	sadd.s32 $0x118600, s0  }
0x7: {  	s5 =	sadd.s32 $0x18600, s0;
	s28 =	sshll.u32 s9, $0xE;
	s29 =	sadd.s32 $0x130600, s0  }
0x8: {  	s4 =	sadd.s32 $0x600, s0;
	s30 =	sadd.s32 $0x138600, s0;
	s0 =	sadd.s32 $0x140600, s0  }
0x9: {  	_ =	strace $0x80000047;
	s7 =	ssub.s32 $0x2, s3;
	[dreg:$0x3] =	wrdreg s29  }
0xa: {  	s3 =	sshll.u32 s3, $0xD;
	[dreg:$0x5] =	wrdreg s30;
	s8 =	sshrl.u32 s7, $0x1  }
0xb: {  	[dreg:$0x6] =	wrdreg s0;
	s3 =	sor.u32 s3, s28;
	s7 =	ssub.s32 s7, s8  }
0xc: {  	s20 =	simm.s32 $0xE000;
	[dreg:$0x4] =	wrdreg s3;
	s31 =	smax.u32 s7, $0x1  }
0xd: {  	s21 =	simm.s32 $0x10;
	s3 =	simm.s32 $0x0;
	[dreg:$0x7] =	wrdreg s31  }
.LBB2_1:
0xe: {  	[dreg:$0x8] =	wrdreg s3;
	s23 =	simm.s32 $0x0  }
.LBB2_2:
0xf: {  	s0 =	sshll.u32 s23, $0xB;
	s3 =	rddreg [dreg:$0x4]  }
0x10: {  	s24 =	sadd.s32 s3, s0  }
0x11: {  	s25 =	sshrl.u32 s24, $0x3  }
0x12: {  	s3 =	simm.s32 $0x0;
	s26 =	sadd.s32 s4, s25  }
0x13: {  	[tilespmem:s3], [sflag:$0x2] =	stream.linear.gather [hbm4b:s26+s3], $0x800, $0x38;
	[tilespmem:$0xE800] =	vst v63  }
0x14: {  	_ =	swait.ge [sflag:s12], $0x800  }
0x15: {  	s28 =	sor.u32 $0x8000, s25;
	[sflag:s12] =	ssyncset.done $0x0  }
0x16: {  	s7 =	simm.s32 $0x800;
	s30 =	sadd.s32 s4, s28;
	[sflag:s12] =	ssyncadd.s32 $0xFFFFF800  }
0x17: {  	[tilespmem:s7], [sflag:$0x2] =	stream.linear.gather [hbm4b:s30+s3], $0x800, $0x38;
	[tilespmem:$0xE800] =	vst v63  }
0x18: {  	_ =	swait.ge [sflag:s12], $0x800  }
0x19: {  	s26 =	sor.u32 $0x10000, s25;
	[sflag:s12] =	ssyncset.done $0x0  }
0x1a: {  	s8 =	simm.s32 $0x1000;
	s31 =	sadd.s32 s4, s26;
	[sflag:s12] =	ssyncadd.s32 $0xFFFFF800  }
0x1b: {  	[tilespmem:s8], [sflag:$0x2] =	stream.linear.gather [hbm4b:s31+s3], $0x800, $0x38;
	[tilespmem:$0xE800] =	vst v63  }
0x1c: {  	_ =	swait.ge [sflag:s12], $0x800  }
0x1d: {  	[sflag:s12] =	ssyncset.done $0x0  }
0x1e: {  	[sflag:s12] =	ssyncadd.s32 $0xFFFFF800  }
0x1f: {  	v0 =	vld [tilespmem:s7+$0x0]  }
0x20: {  	v1 =	vld [tilespmem:s7+$0x800]  }
0x21: {  	v2 =	vld [tilespmem:s7+$0xFFFFF800];
	_ =	sdelay $0x2  }
0x22: {  	v0 =	vmul.f32 $1.500000000e+01, v0  }
0x23: {  	v1 =	vmul.f32 $1.500000000e+01, v1  }
0x24: {  	v2 =	vmul.f32 $1.500000000e+01, v2;
	v0 =	vadd.f32 $5.000000000e-01, v0  }
0x25: {  	v1 =	vadd.f32 $5.000000000e-01, v1  }
0x26: {  	v2 =	vadd.f32 $5.000000000e-01, v2;
	v0 =	vtrunc.f32 v0  }
0x27: {  	v1 =	vtrunc.f32 v1;
	v0 =	vcvt.f32.s32 v0  }
0x28: {  	v2 =	vtrunc.f32 v2;
	v3 =	vcvt.f32.s32 v1  }
0x29: {  	v4 =	vcvt.f32.s32 v2;
	v1 =	vmul.u32 $0x11, v0  }
0x2a: {  	v0 =	vmul.u32 $0x121, v3  }
0x2b: {  	s13 =	simm.s32 $0x810;
	v5 =	vadd.s32 $0x1, v4;
	v3 =	vadd.s32 $0x11, v1;
	v7 =	vadd.s32 v4, v1  }
0x2c: {  	s22 =	simm.s32 $0x2010;
	s29 =	simm.s32 $0x20;
	s7 =	simm.s32 $0x2000;
	v2 =	vadd.s32 $0x121, v0;
	v8 =	vadd.s32 v0, v7;
	v6 =	vadd.s32 v4, v3  }
0x2d: {  	s11 =	simm.s32 $0x2010;
	s0 =	simm.s32 $0x10;
	s8 =	simm.s32 $0x810;
	v7 =	vadd.s32 v7, v2;
	v3 =	vadd.s32 v5, v3;
	[tilespmem:s7+$0xFFFFF800] =	vst v8;
	v4 =	vadd.s32 v2, v6  }
.LBB2_3:
0x2e: {  	p0 =	sne.s32 s29, $0x7F0  }
0x2f: {  	s13 =	sadd.s32 $0x10, s13;
	s22 =	sadd.s32 $0x10, s22;
	[tilespmem:s7+$0x0] =	vst v7;
	v6 =	vadd.s32 v0, v6;
	v1 =	vadd.s32 v5, v1;
	s30 =	smov.u32 s29  }
0x30: {  	s29 =	sadd.s32 $0x10, s29;
	s31 =	sand.u32 $0x7F0, s3;
	[tilespmem:s7+$0x800] =	vst v6;
	v5 =	vadd.s32 v0, v1;
	v1 =	vadd.s32 v1, v2;
	s7 =	smov.u32 s11  }
0x31: {  	s3 =	smov.u32 s0;
	s11 =	smov.u32 s22;
	s0 =	smov.u32 s30;
	[tilespmem:s31+$0x4000] =	vst v1;
	v1 =	vadd.s32 v2, v3  }
0x32: {  	v0 =	vadd.s32 v0, v3;
	[tilespmem:s31+$0x3000] =	vst v4  }
0x33: {  	[tilespmem:s31+$0x5000] =	vst v1  }
0x34: {  	[tilespmem:s31+$0x4800] =	vst v0  }
0x35: {  	[tilespmem:s31+$0x3800] =	vst v5  }
0x36: {  	v0 =	vld [tilespmem:s8+$0x0]  }
0x37: {  	v1 =	vld [tilespmem:s8+$0x800]  }
0x38: {  	v2 =	vld [tilespmem:s8+$0xFFFFF800];
	s8 =	smov.u32 s13;
	_ =	sdelay $0x2  }
0x39: {  	v0 =	vmul.f32 $1.500000000e+01, v0  }
0x3a: {  	v1 =	vmul.f32 $1.500000000e+01, v1  }
0x3b: {  	v2 =	vmul.f32 $1.500000000e+01, v2;
	v0 =	vadd.f32 $5.000000000e-01, v0  }
0x3c: {  	v1 =	vadd.f32 $5.000000000e-01, v1  }
0x3d: {  	v2 =	vadd.f32 $5.000000000e-01, v2;
	v0 =	vtrunc.f32 v0  }
0x3e: {  	v0 =	vcvt.f32.s32 v0;
	v1 =	vtrunc.f32 v1  }
0x3f: {  	v2 =	vtrunc.f32 v2;
	v3 =	vcvt.f32.s32 v1  }
.Ltmp0:
0x40: {  	v4 =	vcvt.f32.s32 v2;
	v1 =	vmul.u32 $0x11, v0;
	(pc) =	sbr.rel @p0 .LBB2_3-.Ltmp0, $4  }
0x41: {  	v0 =	vmul.u32 $0x121, v3  }
0x42: {  	v3 =	vadd.s32 $0x11, v1;
	v5 =	vadd.s32 $0x1, v4;
	v7 =	vadd.s32 v4, v1  }
0x43: {  	v2 =	vadd.s32 $0x121, v0;
	v8 =	vadd.s32 v0, v7;
	v6 =	vadd.s32 v4, v3  }
0x44: {  	v3 =	vadd.s32 v5, v3;
	[tilespmem:s7+$0xFFFFF800] =	vst v8;
	v7 =	vadd.s32 v7, v2;
	v4 =	vadd.s32 v2, v6  }
0x45: {  	[tilespmem:s7+$0x0] =	vst v7;
	v6 =	vadd.s32 v0, v6;
	v1 =	vadd.s32 v5, v1  }
0x46: {  	s3 =	sand.u32 $0x7F0, s3;
	[tilespmem:s7+$0x800] =	vst v6;
	v5 =	vadd.s32 v1, v2  }
0x47: {  	[tilespmem:s3+$0x4000] =	vst v5  }
0x48: {  	v2 =	vadd.s32 v2, v3;
	[tilespmem:s3+$0x3000] =	vst v4  }
0x49: {  	v3 =	vadd.s32 v0, v3;
	[tilespmem:s3+$0x5000] =	vst v2  }
0x4a: {  	v0 =	vadd.s32 v0, v1;
	[tilespmem:s3+$0x4800] =	vst v3  }
0x4b: {  	[tilespmem:s3+$0x3800] =	vst v0  }
0x4c: {  	v0 =	vld [tilespmem:s8+$0x0]  }
0x4d: {  	v1 =	vld [tilespmem:s8+$0x800]  }
0x4e: {  	v2 =	vld [tilespmem:s8+$0xFFFFF800];
	_ =	sdelay $0x2  }
0x4f: {  	v0 =	vmul.f32 $1.500000000e+01, v0  }
0x50: {  	v1 =	vmul.f32 $1.500000000e+01, v1  }
0x51: {  	v2 =	vmul.f32 $1.500000000e+01, v2;
	v0 =	vadd.f32 $5.000000000e-01, v0  }
0x52: {  	v1 =	vadd.f32 $5.000000000e-01, v1  }
0x53: {  	v2 =	vadd.f32 $5.000000000e-01, v2;
	v0 =	vtrunc.f32 v0  }
0x54: {  	v1 =	vtrunc.f32 v1;
	v0 =	vcvt.f32.s32 v0  }
0x55: {  	v2 =	vtrunc.f32 v2;
	v1 =	vcvt.f32.s32 v1  }
0x56: {  	v2 =	vcvt.f32.s32 v2;
	v0 =	vmul.u32 $0x11, v0  }
0x57: {  	v1 =	vmul.u32 $0x121, v1  }
0x58: {  	v3 =	vadd.s32 v2, v0  }
0x59: {  	v4 =	vadd.s32 $0x11, v0;
	v5 =	vadd.s32 $0x121, v1;
	v6 =	vadd.s32 v1, v3  }
0x5a: {  	v7 =	vadd.s32 $0x1, v2;
	v2 =	vadd.s32 v2, v4;
	v3 =	vadd.s32 v3, v5;
	[tilespmem:s11+$0xFFFFF800] =	vst v6  }
0x5b: {  	v0 =	vadd.s32 v7, v0;
	[tilespmem:s11+$0x0] =	vst v3;
	v3 =	vadd.s32 v1, v2  }
0x5c: {  	s0 =	sand.u32 $0x7F0, s0;
	[tilespmem:s11+$0x800] =	vst v3;
	v3 =	vadd.s32 v0, v5  }
0x5d: {  	v2 =	vadd.s32 v5, v2;
	[tilespmem:s0+$0x4000] =	vst v3  }
0x5e: {  	v4 =	vadd.s32 v7, v4;
	v0 =	vadd.s32 v1, v0;
	[tilespmem:s0+$0x3000] =	vst v2  }
0x5f: {  	v3 =	vadd.s32 v5, v4;
	[tilespmem:s0+$0x3800] =	vst v0  }
0x60: {  	v2 =	vadd.s32 v1, v4;
	[tilespmem:s0+$0x5000] =	vst v3  }
0x61: {  	[tilespmem:s0+$0x4800] =	vst v2  }
0x62: {  	[tilespmem:s16], [sflag:$0x1] =	stream.indirect.gather [hbm4b:s5+s14], $0x1, s15, s14, $0xb8;
	[tilespmem:$0xE800] =	vst v63  }
0x63: {  	_ = 	snop  }
0x64: {  	[tilespmem:s17], [sflag:$0x1] =	stream.indirect.gather [hbm4b:s1+s14], $0x1, s15, s14, $0xb8;
	[tilespmem:$0xE800] =	vst v63  }
0x65: {  	_ =	swait.ge [sflag:s18], $0x4000  }
0x66: {  	[sflag:s18] =	ssyncset.done $0x0  }
0x67: {  	[sflag:s18] =	ssyncadd.s32 $0xFFFFC000  }
0x68: {  	_ =	swait.ge [sflag:s18], $0x4000  }
0x69: {  	[sflag:s18] =	ssyncset.done $0x0  }
0x6a: {  	s31 =	simm.s32 $0x0;
	[sflag:s18] =	ssyncadd.s32 $0xFFFFC000  }
0x6b: {  	v0 =	vld [tilespmem:s31+$0x1000]  }
0x6c: {  	v1 =	vld [tilespmem:s31+$0x0]  }
0x6d: {  	v2 =	vld [tilespmem:s31+$0x800];
	_ =	sdelay $0x3  }
0x6e: {  	v0 =	vmul.f32 $1.500000000e+01, v0  }
0x6f: {  	v1 =	vmul.f32 $1.500000000e+01, v1;
	v2 =	vmul.f32 $1.500000000e+01, v2  }
0x70: {  	v0 =	vadd.f32 $5.000000000e-01, v0  }
0x71: {  	v1 =	vadd.f32 $5.000000000e-01, v1;
	v2 =	vadd.f32 $5.000000000e-01, v2  }
0x72: {  	v3 =	vtrunc.f32 v0  }
0x73: {  	v5 =	vtrunc.f32 v1;
	v6 =	vtrunc.f32 v2  }
0x74: {  	s29 =	simm.s32 $0x10;
	v4 =	vld [tilespmem:s31+$0x5800];
	v5 =	vcvt.f32.s32 v5;
	v6 =	vcvt.f32.s32 v6  }
0x75: {  	v14 =	vld [tilespmem:s29+$0x800];
	v3 =	vcvt.f32.s32 v3  }
0x76: {  	v7 =	vld [tilespmem:s31+$0x6000];
	v5 =	vcvt.s32.f32 v5;
	v6 =	vcvt.s32.f32 v6  }
0x77: {  	v8 =	vld [tilespmem:s31+$0x6800];
	v3 =	vcvt.s32.f32 v3  }
0x78: {  	v9 =	vld [tilespmem:s31+$0x7000];
	v1 =	vsub.f32 v1, v5;
	v2 =	vsub.f32 v2, v6  }
0x79: {  	v10 =	vld [tilespmem:s31+$0x7800];
	v0 =	vsub.f32 v0, v3  }
0x7a: {  	v13 =	vld [tilespmem:s31+$0x9800];
	v14 =	vmul.f32 $1.500000000e+01, v14;
	v3 =	vsub.f32 $1.000000000e+00, v1;
	v12 =	vsub.f32 $1.000000000e+00, v2  }
0x7b: {  	v5 =	vld [tilespmem:s29+$0x1000]  }
0x7c: {  	v14 =	vadd.f32 $5.000000000e-01, v14;
	v6 =	vld [tilespmem:s29+$0x0];
	v15 =	vsub.f32 $1.000000000e+00, v0;
	v16 =	vmul.f32 v12, v3  }
0x7d: {  	v17 =	vld [tilespmem:s31+$0xA000]  }
0x7e: {  	v11 =	vld [tilespmem:s31+$0x8000];
	v28 =	vtrunc.f32 v14;
	v19 =	vmul.f32 v15, v16  }
0x7f: {  	v20 =	vld [tilespmem:s31+$0xA800];
	v3 =	vmul.f32 v2, v3;
	v12 =	vmul.f32 v12, v1  }
0x80: {  	v18 =	vld [tilespmem:s31+$0x8800];
	v16 =	vmul.f32 v16, v0;
	v13 =	vmul.f32 v19, v13  }
0x81: {  	v22 =	vld [tilespmem:s31+$0xB000];
	v5 =	vmul.f32 $1.500000000e+01, v5;
	v6 =	vmul.f32 $1.500000000e+01, v6  }
0x82: {  	v21 =	vld [tilespmem:s31+$0x9000];
	v24 =	vmul.f32 v15, v3;
	v17 =	vmul.f32 v16, v17;
	v13 =	vadd.f32 $0.0e+00, v13  }
0x83: {  	v26 =	vld [tilespmem:s31+$0xB800];
	v1 =	vmul.f32 v2, v1;
	v6 =	vadd.f32 $5.000000000e-01, v6;
	v5 =	vadd.f32 $5.000000000e-01, v5  }
0x84: {  	v23 =	vld [tilespmem:s29+$0x5800];
	v3 =	vmul.f32 v0, v3;
	v13 =	vadd.f32 v13, v17;
	v17 =	vmul.f32 v24, v20  }
0x85: {  	v29 =	vld [tilespmem:s31+$0xC000];
	v25 =	vtrunc.f32 v5;
	v20 =	vtrunc.f32 v6  }
0x86: {  	v27 =	vld [tilespmem:s29+$0x6000];
	v13 =	vadd.f32 v13, v17;
	v17 =	vmul.f32 v22, v3;
	v22 =	vmul.f32 v15, v12  }
0x87: {  	v2 =	vld [tilespmem:s31+$0xC800];
	v25 =	vcvt.f32.s32 v25;
	v20 =	vcvt.f32.s32 v20  }
0x88: {  	v30 =	vld [tilespmem:s29+$0x6800];
	v12 =	vmul.f32 v12, v0;
	v13 =	vadd.f32 v13, v17;
	v17 =	vmul.f32 v26, v22  }
0x89: {  	v20 =	vcvt.s32.f32 v20;
	v26 =	vcvt.f32.s32 v28;
	v28 =	vld [tilespmem:s31+$0xD000]  }
0x8a: {  	v31 =	vld [tilespmem:s29+$0x7000];
	v15 =	vmul.f32 v15, v1;
	v13 =	vadd.f32 v13, v17;
	v17 =	vmul.f32 v29, v12  }
0x8b: {  	v32 =	vld [tilespmem:s29+$0x7800];
	v0 =	vmul.f32 v0, v1;
	v1 =	vsub.f32 v6, v20;
	v6 =	vcvt.s32.f32 v25  }
0x8c: {  	v33 =	vld [tilespmem:s29+$0x8800];
	v2 =	vmul.f32 v2, v15;
	v26 =	vcvt.s32.f32 v26;
	v13 =	vadd.f32 v17, v13  }
0x8d: {  	s30 =	simm.s32 $0x20;
	v34 =	vld [tilespmem:s29+$0x9000];
	v4 =	vmul.f32 v19, v4;
	v19 =	vsub.f32 v5, v6;
	v6 =	vmul.f32 v16, v7  }
0x8e: {  	v7 =	vld [tilespmem:s30+$0x0];
	v14 =	vsub.f32 v14, v26;
	v2 =	vadd.f32 v2, v13;
	v13 =	vmul.f32 v28, v0  }
0x8f: {  	v8 =	vmul.f32 v24, v8;
	v9 =	vmul.f32 v9, v3;
	v3 =	vld [tilespmem:s30+$0x800];
	v5 =	vsub.f32 $1.000000000e+00, v1  }
0x90: {  	v10 =	vmul.f32 v10, v22;
	v17 =	vld [tilespmem:s30+$0x1000];
	v16 =	vsub.f32 $1.000000000e+00, v14;
	v2 =	vadd.f32 v13, v2  }
0x91: {  	v4 =	vadd.f32 $0.0e+00, v4;
	v11 =	vmul.f32 v11, v12;
	v24 =	vmul.f32 v21, v0;
	v13 =	vld [tilespmem:s29+$0x9800]  }
0x92: {  	v29 =	vld [tilespmem:s29+$0x8000];
	v12 =	vmul.f32 v18, v15;
	v20 =	vsub.f32 $1.000000000e+00, v19;
	v22 =	vmul.f32 v16, v5;
	[tilespmem:s31+$0xE000] =	vst v2  }
0x93: {  	v0 =	vadd.f32 v4, v6;
	v6 =	vmul.f32 $1.500000000e+01, v7;
	v5 =	vmul.f32 v14, v5;
	v2 =	vld [tilespmem:s29+$0xA000]  }
0x94: {  	v16 =	vmul.f32 v16, v1;
	v15 =	vmul.f32 v20, v22  }
0x95: {  	v0 =	vadd.f32 v0, v8;
	v1 =	vmul.f32 v14, v1;
	v4 =	vmul.f32 $1.500000000e+01, v17;
	v7 =	vld [tilespmem:s29+$0xA800]  }
0x96: {  	v8 =	vmul.f32 v15, v13;
	v13 =	vmul.f32 v22, v19  }
0x97: {  	v17 =	vadd.f32 $5.000000000e-01, v6;
	v6 =	vmul.f32 $1.500000000e+01, v3;
	v0 =	vadd.f32 v0, v9;
	v21 =	vld [tilespmem:s29+$0xB000]  }
0x98: {  	v22 =	vmul.f32 v20, v5;
	v8 =	vadd.f32 $0.0e+00, v8;
	v2 =	vmul.f32 v13, v2  }
0x99: {  	v37 =	vmul.f32 v20, v16;
	v38 =	vmul.f32 v16, v19;
	v18 =	vadd.f32 $5.000000000e-01, v4;
	v26 =	vld [tilespmem:s29+$0xB800]  }
0x9a: {  	v3 =	vld [tilespmem:s30+$0x5800];
	v7 =	vmul.f32 v22, v7;
	v2 =	vadd.f32 v8, v2;
	v8 =	vmul.f32 v19, v5  }
0x9b: {  	v62 =	vmul.f32 v19, v1;
	v36 =	vld [tilespmem:s29+$0xC000];
	v25 =	vadd.f32 $5.000000000e-01, v6;
	v28 =	vtrunc.f32 v17  }
0x9c: {  	v4 =	vld [tilespmem:s30+$0x6000];
	v6 =	vtrunc.f32 v18;
	v2 =	vadd.f32 v2, v7;
	v7 =	vmul.f32 v21, v8  }
0x9d: {  	s0 =	simm.s32 $0x30;
	v14 =	vld [tilespmem:s29+$0xC800];
	v0 =	vadd.f32 v0, v10;
	v16 =	vcvt.f32.s32 v28;
	v20 =	vmul.f32 v20, v1  }
0x9e: {  	v39 =	vld [tilespmem:s0+$0x0];
	v35 =	vtrunc.f32 v25;
	v10 =	vmul.f32 v26, v37;
	v2 =	vadd.f32 v2, v7  }
0x9f: {  	v9 =	vcvt.f32.s32 v6;
	v26 =	vld [tilespmem:s29+$0xD000];
	v21 =	vcvt.f32.s32 v35  }
0xa0: {  	v1 =	vld [tilespmem:s30+$0x9000];
	v0 =	vadd.f32 v0, v11;
	v11 =	vmul.f32 v36, v38;
	v10 =	vadd.f32 v2, v10  }
0xa1: {  	v6 =	vld [tilespmem:s30+$0x7000];
	v16 =	vcvt.s32.f32 v16;
	v21 =	vcvt.s32.f32 v21  }
0xa2: {  	v28 =	vadd.f32 v12, v0;
	v0 =	vld [tilespmem:s30+$0x8800];
	v12 =	vmul.f32 v14, v20;
	v10 =	vadd.f32 v11, v10  }
0xa3: {  	v30 =	vmul.f32 v22, v30;
	v9 =	vcvt.s32.f32 v9;
	v22 =	vld [tilespmem:s0+$0x800];
	v14 =	vsub.f32 v25, v21  }
0xa4: {  	v25 =	vld [tilespmem:s0+$0x1000];
	v11 =	vsub.f32 v17, v16;
	v10 =	vadd.f32 v12, v10;
	v12 =	vmul.f32 v26, v62  }
0xa5: {  	v15 =	vmul.f32 v15, v23;
	v5 =	vld [tilespmem:s30+$0x6800];
	v9 =	vsub.f32 v18, v9;
	v19 =	vsub.f32 $1.000000000e+00, v14  }
0xa6: {  	v13 =	vmul.f32 v13, v27;
	v7 =	vld [tilespmem:s30+$0x7800];
	v63 =	vsub.f32 $1.000000000e+00, v11;
	v10 =	vadd.f32 v12, v10  }
0xa7: {  	v18 =	vmul.f32 v31, v8;
	v8 =	vmul.f32 v34, v62;
	v21 =	vld [tilespmem:s30+$0x9800];
	v12 =	vadd.f32 $0.0e+00, v15  }
0xa8: {  	v2 =	vld [tilespmem:s30+$0x8000];
	v17 =	vmul.f32 v32, v37;
	v16 =	vsub.f32 $1.000000000e+00, v9;
	v26 =	vmul.f32 v19, v63;
	[tilespmem:s29+$0xE000] =	vst v10  }
0xa9: {  	v27 =	vmul.f32 $1.500000000e+01, v25;
	v15 =	vmul.f32 v29, v38;
	v31 =	vadd.f32 v12, v13;
	v23 =	vld [tilespmem:s30+$0xA000]  }
0xaa: {  	v29 =	vadd.f32 v24, v28;
	v28 =	vmul.f32 $1.500000000e+01, v39;
	v12 =	vmul.f32 v16, v26;
	v10 =	vld [tilespmem:s0+$0x5800]  }
0xab: {  	s3 =	simm.s32 $0x100;
	v24 =	vmul.f32 v14, v63;
	v13 =	vmul.f32 v33, v20;
	v25 =	vld [tilespmem:s30+$0xA800];
	v20 =	vadd.f32 v31, v30  }
.LBB2_5:
0xac: {  	p0 =	sne.s32 s3, $0x1FC0;
	v30 =	vld [tilespmem:s0+$0x6000];
	v21 =	vmul.f32 v12, v21;
	v26 =	vmul.f32 v26, v9;
	[tilespmem:s31+$0xD800] =	vst v29;
	s31 =	smov.u32 s29;
	s29 =	smov.u32 s30  }
0xad: {  	v27 =	vadd.f32 $5.000000000e-01, v27;
	s30 =	smov.u32 s0;
	v28 =	vadd.f32 $5.000000000e-01, v28;
	v22 =	vmul.f32 $1.500000000e+01, v22;
	v29 =	vld [tilespmem:s29+$0xB000]  }
0xae: {  	v32 =	vmul.f32 v16, v24;
	v31 =	vld [tilespmem:s30+$0x6800];
	v21 =	vadd.f32 $0.0e+00, v21;
	v23 =	vmul.f32 v26, v23  }
0xaf: {  	v19 =	vmul.f32 v19, v11;
	v33 =	vtrunc.f32 v27;
	v22 =	vadd.f32 $5.000000000e-01, v22;
	v34 =	vld [tilespmem:s29+$0xB800]  }
0xb0: {  	v24 =	vmul.f32 v9, v24;
	v35 =	vld [tilespmem:s30+$0x7000];
	v21 =	vadd.f32 v21, v23;
	v23 =	vmul.f32 v32, v25  }
0xb1: {  	v18 =	vadd.f32 v20, v18;
	v25 =	vtrunc.f32 v28;
	v36 =	vtrunc.f32 v22;
	v37 =	vld [tilespmem:s29+$0xC000]  }
0xb2: {  	v20 =	vld [tilespmem:s30+$0x7800];
	v21 =	vadd.f32 v21, v23;
	v23 =	vmul.f32 v29, v24;
	v29 =	vmul.f32 v16, v19  }
0xb3: {  	v11 =	vmul.f32 v14, v11;
	v33 =	vcvt.f32.s32 v33;
	v17 =	vadd.f32 v18, v17;
	v14 =	vld [tilespmem:s29+$0xC800]  }
0xb4: {  	v38 =	vld [tilespmem:s30+$0x8000];
	v18 =	vadd.f32 v21, v23;
	v21 =	vmul.f32 v34, v29;
	v23 =	vmul.f32 v19, v9  }
0xb5: {  	v15 =	vadd.f32 v17, v15;
	v19 =	vcvt.f32.s32 v25;
	v25 =	vcvt.f32.s32 v36;
	v34 =	vld [tilespmem:s29+$0xD000]  }
0xb6: {  	v36 =	vld [tilespmem:s30+$0x8800];
	v17 =	vadd.f32 v18, v21;
	v18 =	vmul.f32 v37, v23;
	v37 =	vmul.f32 v16, v11  }
0xb7: {  	v39 =	vadd.f32 v13, v15;
	v16 =	vcvt.s32.f32 v19;
	v19 =	vcvt.s32.f32 v25;
	v25 =	vld [tilespmem:s30+$0x9000]  }
0xb8: {  	v40 =	vmul.f32 v9, v11;
	v13 =	vadd.f32 v18, v17;
	v15 =	vmul.f32 v14, v37  }
0xb9: {  	v12 =	vmul.f32 v12, v3;
	v3 =	vmovc v10;
	v9 =	vcvt.s32.f32 v33;
	v11 =	vsub.f32 v28, v16  }
0xba: {  	s0 =	sshra.s32 s3, $0x2;
	v14 =	vsub.f32 v22, v19;
	v10 =	vadd.f32 v15, v13;
	v13 =	vmul.f32 v34, v40  }
0xbb: {  	v9 =	vsub.f32 v27, v9;
	v27 =	vmul.f32 v26, v4;
	v4 =	vmovc v30;
	v33 =	vsub.f32 $1.000000000e+00, v11;
	v28 =	vld [tilespmem:s0+$0x1000]  }
0xbc: {  	v32 =	vmul.f32 v32, v5;
	v5 =	vmovc v31;
	v19 =	vsub.f32 $1.000000000e+00, v14;
	v30 =	vld [tilespmem:s0+$0x0];
	v10 =	vadd.f32 v13, v10  }
.Ltmp1:
0xbd: {  	v12 =	vadd.f32 $0.0e+00, v12;
	v18 =	vmul.f32 v6, v24;
	v17 =	vmul.f32 v7, v29;
	v6 =	vmovc v35;
	v7 =	vmovc v20;
	v21 =	vld [tilespmem:s30+$0x9800];
	(pc) =	sbr.rel @p0 .LBB2_5-.Ltmp1, $4  }
0xbe: {  	v16 =	vsub.f32 $1.000000000e+00, v9;
	v15 =	vmul.f32 v2, v23;
	v2 =	vmovc v38;
	v26 =	vmul.f32 v19, v33;
	v22 =	vld [tilespmem:s0+$0x800];
	[tilespmem:s29+$0xE000] =	vst v10  }
0xbf: {  	v31 =	vmul.f32 v1, v40;
	v20 =	vadd.f32 v12, v27;
	v13 =	vmul.f32 v0, v37;
	v0 =	vmovc v36;
	v23 =	vld [tilespmem:s30+$0xA000]  }
0xc0: {  	v29 =	vadd.f32 v8, v39;
	v1 =	vmovc v25;
	v12 =	vmul.f32 v16, v26;
	v27 =	vmul.f32 $1.500000000e+01, v28;
	v10 =	vld [tilespmem:s0+$0x5800]  }
0xc1: {  	s3 =	sadd.s32 $0x40, s3;
	v8 =	vmovc v31;
	v20 =	vadd.f32 v20, v32;
	v24 =	vmul.f32 v14, v33;
	v28 =	vmul.f32 $1.500000000e+01, v30;
	v25 =	vld [tilespmem:s30+$0xA800]  }
0xc2: {  	v30 =	vld [tilespmem:s0+$0x6000];
	v21 =	vmul.f32 v12, v21;
	v26 =	vmul.f32 v26, v9;
	[tilespmem:s31+$0xD800] =	vst v29  }
0xc3: {  	v27 =	vadd.f32 $5.000000000e-01, v27;
	v19 =	vmul.f32 v19, v11;
	v29 =	vld [tilespmem:s30+$0xB000]  }
0xc4: {  	v31 =	vmul.f32 v16, v24;
	v21 =	vadd.f32 $0.0e+00, v21;
	v23 =	vmul.f32 v26, v23  }
0xc5: {  	v55 =	vmul.f32 v14, v11;
	v28 =	vadd.f32 $5.000000000e-01, v28;
	v22 =	vmul.f32 $1.500000000e+01, v22;
	v33 =	vld [tilespmem:s30+$0xB800]  }
0xc6: {  	v24 =	vmul.f32 v9, v24;
	v21 =	vadd.f32 v21, v23;
	v52 =	vmul.f32 v31, v25  }
0xc7: {  	v35 =	vld [tilespmem:s30+$0xC000];
	v32 =	vtrunc.f32 v27;
	v37 =	vmul.f32 v9, v55;
	v22 =	vadd.f32 $5.000000000e-01, v22  }
0xc8: {  	v21 =	vadd.f32 v21, v52;
	v54 =	vmul.f32 v29, v24;
	v29 =	vmul.f32 v16, v19  }
0xc9: {  	v56 =	vld [tilespmem:s30+$0xC800];
	v53 =	vtrunc.f32 v28;
	v34 =	vtrunc.f32 v22  }
0xca: {  	v19 =	vmul.f32 v19, v9;
	v21 =	vadd.f32 v21, v54;
	v57 =	vmul.f32 v33, v29  }
0xcb: {  	v18 =	vadd.f32 v20, v18;
	v60 =	vld [tilespmem:s30+$0xD000];
	v58 =	vcvt.f32.s32 v53;
	v59 =	vcvt.f32.s32 v34  }
0xcc: {  	v16 =	vmul.f32 v16, v55;
	v61 =	vmul.f32 v35, v19;
	v21 =	vadd.f32 v21, v57  }
0xcd: {  	v32 =	vcvt.f32.s32 v32;
	v17 =	vadd.f32 v18, v17;
	v63 =	vcvt.s32.f32 v58  }
0xce: {  	v62 =	vld [tilespmem:s0+$0x6800];
	v35 =	vcvt.s32.f32 v59;
	v14 =	vmul.f32 v56, v16;
	v21 =	vadd.f32 v61, v21  }
0xcf: {  	v36 =	vld [tilespmem:s0+$0x7000];
	v15 =	vadd.f32 v17, v15;
	v40 =	vcvt.s32.f32 v32;
	v39 =	vsub.f32 v28, v63  }
0xd0: {  	v38 =	vld [tilespmem:s0+$0x7800];
	v42 =	vmul.f32 v60, v37;
	v20 =	vsub.f32 v22, v35;
	v14 =	vadd.f32 v14, v21  }
0xd1: {  	v41 =	vld [tilespmem:s0+$0x8000];
	v18 =	vsub.f32 v27, v40;
	v44 =	vsub.f32 $1.000000000e+00, v39  }
0xd2: {  	v43 =	vld [tilespmem:s0+$0x8800];
	v46 =	vsub.f32 $1.000000000e+00, v20;
	v14 =	vadd.f32 v42, v14  }
0xd3: {  	v3 =	vmul.f32 v12, v3;
	v47 =	vld [tilespmem:s0+$0x9800]  }
0xd4: {  	v45 =	vld [tilespmem:s0+$0x9000];
	v13 =	vadd.f32 v13, v15;
	v48 =	vsub.f32 $1.000000000e+00, v18;
	v49 =	vmul.f32 v46, v44;
	[tilespmem:s30+$0xE000] =	vst v14  }
0xd5: {  	v4 =	vmul.f32 v26, v4;
	v3 =	vadd.f32 $0.0e+00, v3;
	v50 =	vld [tilespmem:s0+$0xA000]  }
0xd6: {  	v5 =	vmul.f32 v31, v5;
	v8 =	vadd.f32 v8, v13;
	v51 =	vmul.f32 v48, v49  }
0xd7: {  	v6 =	vmul.f32 v6, v24;
	v3 =	vadd.f32 v3, v4;
	v52 =	vmul.f32 v20, v44;
	v53 =	vld [tilespmem:s0+$0xA800]  }
0xd8: {  	v54 =	vmul.f32 v49, v18;
	v21 =	vmul.f32 v51, v47;
	[tilespmem:s29+$0xD800] =	vst v8  }
0xd9: {  	v3 =	vadd.f32 v3, v5;
	v7 =	vmul.f32 v7, v29;
	v10 =	vmul.f32 v51, v10;
	v8 =	vld [tilespmem:s0+$0xB000]  }
0xda: {  	v55 =	vmul.f32 v48, v52;
	v21 =	vadd.f32 $0.0e+00, v21;
	v12 =	vmul.f32 v54, v50  }
0xdb: {  	v4 =	vmul.f32 v46, v39;
	v58 =	vmul.f32 v54, v30;
	v56 =	vld [tilespmem:s0+$0xB800];
	v10 =	vadd.f32 $0.0e+00, v10  }
0xdc: {  	v13 =	vmul.f32 v18, v52;
	v57 =	vmul.f32 v55, v53;
	v12 =	vadd.f32 v21, v12  }
0xdd: {  	v3 =	vadd.f32 v3, v6;
	v24 =	vmul.f32 v55, v62;
	v5 =	vld [tilespmem:s0+$0xC000];
	v10 =	vadd.f32 v10, v58  }
0xde: {  	v59 =	vmul.f32 v48, v4;
	v8 =	vmul.f32 v8, v13;
	v12 =	vadd.f32 v12, v57  }
0xdf: {  	v17 =	vmul.f32 v20, v39;
	v6 =	vmul.f32 v36, v13;
	v60 =	vld [tilespmem:s0+$0xC800];
	v10 =	vadd.f32 v10, v24  }
0xe0: {  	v4 =	vmul.f32 v4, v18;
	v61 =	vmul.f32 v56, v59;
	v8 =	vadd.f32 v12, v8  }
0xe1: {  	v2 =	vmul.f32 v2, v19;
	v11 =	vmul.f32 v38, v59;
	v62 =	vld [tilespmem:s0+$0xD000];
	v6 =	vadd.f32 v10, v6  }
0xe2: {  	v63 =	vmul.f32 v48, v17;
	v5 =	vmul.f32 v5, v4;
	v8 =	vadd.f32 v8, v61  }
0xe3: {  	v3 =	vadd.f32 v3, v7;
	v4 =	vmul.f32 v41, v4;
	v6 =	vadd.f32 v6, v11  }
0xe4: {  	v7 =	vmul.f32 v60, v63;
	v5 =	vadd.f32 v5, v8;
	v8 =	vmul.f32 v18, v17  }
0xe5: {  	v0 =	vmul.f32 v0, v16;
	v2 =	vadd.f32 v3, v2;
	v4 =	vadd.f32 v6, v4  }
0xe6: {  	v3 =	vadd.f32 v7, v5;
	v5 =	vmul.f32 v62, v8;
	v7 =	vmul.f32 v43, v63  }
0xe7: {  	v1 =	vmul.f32 v1, v37;
	v0 =	vadd.f32 v0, v2  }
0xe8: {  	v2 =	vadd.f32 v5, v3;
	v3 =	vmul.f32 v45, v8;
	v4 =	vadd.f32 v7, v4  }
0xe9: {  	v0 =	vadd.f32 v1, v0  }
0xea: {  	[tilespmem:s0+$0xE000] =	vst v2;
	v1 =	vadd.f32 v3, v4  }
0xeb: {  	[tilespmem:s30+$0xD800] =	vst v0  }
0xec: {  	s7 =	simm.s32 $0x0;
	s30 =	sadd.s32 s6, s25;
	[tilespmem:s0+$0xD800] =	vst v1  }
0xed: {  	[hbm4b:s30+s7] =	stream.linear.scatter [tilespmem:s19], [sflag:$0x2], $0x800, $0x38;
	[tilespmem:$0xE800] =	vst v63  }
0xee: {  	_ =	swait.ge [sflag:s12], $0x800  }
0xef: {  	[sflag:s12] =	ssyncset.done $0x0  }
0xf0: {  	s31 =	sadd.s32 s6, s28;
	[sflag:s12] =	ssyncadd.s32 $0xFFFFF800  }
0xf1: {  	[hbm4b:s31+s7] =	stream.linear.scatter [tilespmem:s20], [sflag:$0x2], $0x800, $0x38;
	[tilespmem:$0xE800] =	vst v63  }
0xf2: {  	_ =	swait.ge [sflag:s12], $0x800  }
0xf3: {  	[sflag:s12] =	ssyncset.done $0x0  }
0xf4: {  	s0 =	simm.s32 $0x800;
	[sflag:s12] =	ssyncadd.s32 $0xFFFFF800  }
0xf5: {  	v0 =	vld [tilespmem:s0+$0x800]  }
0xf6: {  	v1 =	vld [tilespmem:s0+$0x0]  }
0xf7: {  	v2 =	vld [tilespmem:s0+$0xFFFFF800];
	_ =	sdelay $0x2  }
0xf8: {  	v0 =	vmul.f32 $3.100000000e+01, v0  }
0xf9: {  	v1 =	vmul.f32 $3.100000000e+01, v1  }
0xfa: {  	v2 =	vmul.f32 $3.100000000e+01, v2;
	v0 =	vadd.f32 $5.000000000e-01, v0  }
0xfb: {  	v1 =	vadd.f32 $5.000000000e-01, v1  }
0xfc: {  	v2 =	vadd.f32 $5.000000000e-01, v2;
	v0 =	vtrunc.f32 v0  }
0xfd: {  	v1 =	vtrunc.f32 v1;
	v0 =	vcvt.f32.s32 v0  }
0xfe: {  	v2 =	vtrunc.f32 v2;
	v1 =	vcvt.f32.s32 v1  }
0xff: {  	v4 =	vcvt.f32.s32 v2;
	v3 =	vmul.u32 $0x441, v0  }
0x100: {  	v5 =	vmul.u32 $0x21, v1  }
0x101: {  	v7 =	vadd.s32 $0x1, v4;
	v0 =	vadd.s32 $0x80000, v3  }
0x102: {  	v1 =	vadd.s32 $0x80441, v3;
	v6 =	vadd.s32 $0x21, v5;
	v2 =	vadd.s32 v4, v5  }
0x103: {  	s3 =	simm.s32 $0x2000;
	v3 =	vadd.s32 v2, v0;
	v2 =	vadd.s32 v2, v1;
	v4 =	vadd.s32 v4, v6  }
0x104: {  	v6 =	vadd.s32 v7, v6;
	[tilespmem:s3+$0xFFFFF800] =	vst v3;
	v8 =	vadd.s32 v4, v0;
	v3 =	vadd.s32 v4, v1  }
0x105: {  	s8 =	simm.s32 $0x10;
	s7 =	sand.u32 $0x7F0, s7;
	v4 =	vadd.s32 v7, v5;
	v5 =	vadd.s32 v6, v0;
	v6 =	vadd.s32 v6, v1;
	[tilespmem:s3+$0x800] =	vst v8  }
.LBB2_7:
0x106: {  	s11 =	sand.u32 $0x7F0, s8;
	[tilespmem:s3+$0x0] =	vst v2;
	s0 =	sadd.s32 $0x10, s0;
	s3 =	sadd.s32 $0x10, s3  }
0x107: {  	p0 =	sne.s32 s8, $0x7F0;
	s8 =	sadd.s32 $0x10, s8;
	[tilespmem:s7+$0x3000] =	vst v3  }
0x108: {  	[tilespmem:s7+$0x5000] =	vst v6  }
0x109: {  	v0 =	vadd.s32 v4, v0;
	v1 =	vadd.s32 v4, v1;
	[tilespmem:s7+$0x4800] =	vst v5  }
0x10a: {  	[tilespmem:s7+$0x4000] =	vst v1  }
0x10b: {  	[tilespmem:s7+$0x3800] =	vst v0;
	s7 =	smov.u32 s11  }
0x10c: {  	v0 =	vld [tilespmem:s0+$0x800]  }
0x10d: {  	v1 =	vld [tilespmem:s0+$0x0];
	_ =	sdelay $0x1  }
0x10e: {  	v2 =	vld [tilespmem:s0+$0xFFFFF800];
	_ =	sdelay $0x1  }
0x10f: {  	v0 =	vmul.f32 $3.100000000e+01, v0  }
0x110: {  	v1 =	vmul.f32 $3.100000000e+01, v1  }
0x111: {  	v0 =	vadd.f32 $5.000000000e-01, v0  }
0x112: {  	v2 =	vmul.f32 $3.100000000e+01, v2;
	v1 =	vadd.f32 $5.000000000e-01, v1  }
0x113: {  	v0 =	vtrunc.f32 v0  }
0x114: {  	v2 =	vadd.f32 $5.000000000e-01, v2;
	v1 =	vtrunc.f32 v1;
	v0 =	vcvt.f32.s32 v0  }
0x115: {  	v1 =	vcvt.f32.s32 v1  }
0x116: {  	v2 =	vtrunc.f32 v2;
	v3 =	vmul.u32 $0x441, v0  }
0x117: {  	v4 =	vcvt.f32.s32 v2;
	v5 =	vmul.u32 $0x21, v1  }
.Ltmp2:
0x118: {  	v0 =	vadd.s32 $0x80000, v3;
	v1 =	vadd.s32 $0x80441, v3;
	(pc) =	sbr.rel @p0 .LBB2_7-.Ltmp2, $4  }
0x119: {  	v6 =	vadd.s32 $0x21, v5;
	v7 =	vadd.s32 $0x1, v4;
	v2 =	vadd.s32 v4, v5  }
0x11a: {  	v3 =	vadd.s32 v2, v0;
	v2 =	vadd.s32 v2, v1;
	v4 =	vadd.s32 v4, v6  }
0x11b: {  	v6 =	vadd.s32 v7, v6;
	[tilespmem:s3+$0xFFFFF800] =	vst v3;
	v8 =	vadd.s32 v4, v0;
	v3 =	vadd.s32 v4, v1  }
0x11c: {  	v4 =	vadd.s32 v7, v5;
	v5 =	vadd.s32 v6, v0;
	v6 =	vadd.s32 v6, v1;
	[tilespmem:s3+$0x800] =	vst v8  }
0x11d: {  	[tilespmem:s3+$0x0] =	vst v2  }
0x11e: {  	[tilespmem:s7+$0x3000] =	vst v3  }
0x11f: {  	[tilespmem:s7+$0x5000] =	vst v6  }
0x120: {  	v1 =	vadd.s32 v4, v1;
	[tilespmem:s7+$0x4800] =	vst v5  }
0x121: {  	v0 =	vadd.s32 v4, v0;
	[tilespmem:s7+$0x4000] =	vst v1  }
0x122: {  	[tilespmem:s7+$0x3800] =	vst v0  }
0x123: {  	[tilespmem:s16], [sflag:$0x1] =	stream.indirect.gather [hbm4b:s5+s14], $0x1, s15, s14, $0xb8;
	[tilespmem:$0xE800] =	vst v63  }
0x124: {  	_ = 	snop  }
0x125: {  	[tilespmem:s17], [sflag:$0x1] =	stream.indirect.gather [hbm4b:s1+s14], $0x1, s15, s14, $0xb8;
	[tilespmem:$0xE800] =	vst v63  }
0x126: {  	_ =	swait.ge [sflag:s18], $0x4000  }
0x127: {  	[sflag:s18] =	ssyncset.done $0x0  }
0x128: {  	[sflag:s18] =	ssyncadd.s32 $0xFFFFC000  }
0x129: {  	_ =	swait.ge [sflag:s18], $0x4000  }
0x12a: {  	[sflag:s18] =	ssyncset.done $0x0  }
0x12b: {  	s30 =	simm.s32 $0x0;
	[sflag:s18] =	ssyncadd.s32 $0xFFFFC000  }
0x12c: {  	v0 =	vld [tilespmem:s30+$0x1000]  }
0x12d: {  	v1 =	vld [tilespmem:s30+$0x0]  }
0x12e: {  	v2 =	vld [tilespmem:s30+$0x800];
	_ =	sdelay $0x3  }
0x12f: {  	v0 =	vmul.f32 $3.100000000e+01, v0  }
0x130: {  	v1 =	vmul.f32 $3.100000000e+01, v1;
	v2 =	vmul.f32 $3.100000000e+01, v2  }
0x131: {  	v0 =	vadd.f32 $5.000000000e-01, v0  }
0x132: {  	v1 =	vadd.f32 $5.000000000e-01, v1;
	v2 =	vadd.f32 $5.000000000e-01, v2  }
0x133: {  	v3 =	vtrunc.f32 v0  }
0x134: {  	v5 =	vtrunc.f32 v1;
	v6 =	vtrunc.f32 v2  }
0x135: {  	s28 =	simm.s32 $0x10;
	v4 =	vld [tilespmem:s30+$0x5800];
	v5 =	vcvt.f32.s32 v5;
	v6 =	vcvt.f32.s32 v6  }
0x136: {  	v14 =	vld [tilespmem:s28+$0x800];
	v3 =	vcvt.f32.s32 v3  }
0x137: {  	v7 =	vld [tilespmem:s30+$0x6000];
	v5 =	vcvt.s32.f32 v5;
	v6 =	vcvt.s32.f32 v6  }
0x138: {  	v8 =	vld [tilespmem:s30+$0x6800];
	v3 =	vcvt.s32.f32 v3  }
0x139: {  	v9 =	vld [tilespmem:s30+$0x7000];
	v1 =	vsub.f32 v1, v5;
	v2 =	vsub.f32 v2, v6  }
0x13a: {  	v10 =	vld [tilespmem:s30+$0x7800];
	v0 =	vsub.f32 v0, v3  }
0x13b: {  	v13 =	vld [tilespmem:s30+$0x9800];
	v14 =	vmul.f32 $3.100000000e+01, v14;
	v3 =	vsub.f32 $1.000000000e+00, v1;
	v12 =	vsub.f32 $1.000000000e+00, v2  }
0x13c: {  	v5 =	vld [tilespmem:s28+$0x1000]  }
0x13d: {  	v14 =	vadd.f32 $5.000000000e-01, v14;
	v6 =	vld [tilespmem:s28+$0x0];
	v15 =	vsub.f32 $1.000000000e+00, v0;
	v16 =	vmul.f32 v12, v3  }
0x13e: {  	v17 =	vld [tilespmem:s30+$0xA000]  }
0x13f: {  	v11 =	vld [tilespmem:s30+$0x8000];
	v28 =	vtrunc.f32 v14;
	v19 =	vmul.f32 v15, v16  }
0x140: {  	v20 =	vld [tilespmem:s30+$0xA800];
	v3 =	vmul.f32 v2, v3;
	v12 =	vmul.f32 v12, v1  }
0x141: {  	v18 =	vld [tilespmem:s30+$0x8800];
	v16 =	vmul.f32 v16, v0;
	v13 =	vmul.f32 v19, v13  }
0x142: {  	v22 =	vld [tilespmem:s30+$0xB000];
	v5 =	vmul.f32 $3.100000000e+01, v5;
	v6 =	vmul.f32 $3.100000000e+01, v6  }
0x143: {  	v21 =	vld [tilespmem:s30+$0x9000];
	v24 =	vmul.f32 v15, v3;
	v17 =	vmul.f32 v16, v17;
	v13 =	vadd.f32 $0.0e+00, v13  }
0x144: {  	v26 =	vld [tilespmem:s30+$0xB800];
	v1 =	vmul.f32 v2, v1;
	v6 =	vadd.f32 $5.000000000e-01, v6;
	v5 =	vadd.f32 $5.000000000e-01, v5  }
0x145: {  	v23 =	vld [tilespmem:s28+$0x5800];
	v3 =	vmul.f32 v0, v3;
	v13 =	vadd.f32 v13, v17;
	v17 =	vmul.f32 v24, v20  }
0x146: {  	v29 =	vld [tilespmem:s30+$0xC000];
	v25 =	vtrunc.f32 v5;
	v20 =	vtrunc.f32 v6  }
0x147: {  	v27 =	vld [tilespmem:s28+$0x6000];
	v13 =	vadd.f32 v13, v17;
	v17 =	vmul.f32 v22, v3;
	v22 =	vmul.f32 v15, v12  }
0x148: {  	v2 =	vld [tilespmem:s30+$0xC800];
	v25 =	vcvt.f32.s32 v25;
	v20 =	vcvt.f32.s32 v20  }
0x149: {  	v30 =	vld [tilespmem:s28+$0x6800];
	v12 =	vmul.f32 v12, v0;
	v13 =	vadd.f32 v13, v17;
	v17 =	vmul.f32 v26, v22  }
0x14a: {  	v20 =	vcvt.s32.f32 v20;
	v26 =	vcvt.f32.s32 v28;
	v28 =	vld [tilespmem:s30+$0xD000]  }
0x14b: {  	v31 =	vld [tilespmem:s28+$0x7000];
	v15 =	vmul.f32 v15, v1;
	v13 =	vadd.f32 v13, v17;
	v17 =	vmul.f32 v29, v12  }
0x14c: {  	v32 =	vld [tilespmem:s28+$0x7800];
	v0 =	vmul.f32 v0, v1;
	v1 =	vsub.f32 v6, v20;
	v6 =	vcvt.s32.f32 v25  }
0x14d: {  	v33 =	vld [tilespmem:s28+$0x8800];
	v2 =	vmul.f32 v2, v15;
	v26 =	vcvt.s32.f32 v26;
	v13 =	vadd.f32 v17, v13  }
0x14e: {  	s29 =	simm.s32 $0x20;
	v34 =	vld [tilespmem:s28+$0x9000];
	v4 =	vmul.f32 v19, v4;
	v19 =	vsub.f32 v5, v6;
	v6 =	vmul.f32 v16, v7  }
0x14f: {  	v7 =	vld [tilespmem:s29+$0x0];
	v14 =	vsub.f32 v14, v26;
	v2 =	vadd.f32 v2, v13;
	v13 =	vmul.f32 v28, v0  }
0x150: {  	v8 =	vmul.f32 v24, v8;
	v9 =	vmul.f32 v9, v3;
	v3 =	vld [tilespmem:s29+$0x800];
	v5 =	vsub.f32 $1.000000000e+00, v1  }
0x151: {  	v10 =	vmul.f32 v10, v22;
	v17 =	vld [tilespmem:s29+$0x1000];
	v16 =	vsub.f32 $1.000000000e+00, v14;
	v2 =	vadd.f32 v13, v2  }
0x152: {  	v4 =	vadd.f32 $0.0e+00, v4;
	v11 =	vmul.f32 v11, v12;
	v24 =	vmul.f32 v21, v0;
	v13 =	vld [tilespmem:s28+$0x9800]  }
0x153: {  	v29 =	vld [tilespmem:s28+$0x8000];
	v12 =	vmul.f32 v18, v15;
	v20 =	vsub.f32 $1.000000000e+00, v19;
	v22 =	vmul.f32 v16, v5;
	[tilespmem:s30+$0xE000] =	vst v2  }
0x154: {  	v0 =	vadd.f32 v4, v6;
	v6 =	vmul.f32 $3.100000000e+01, v7;
	v5 =	vmul.f32 v14, v5;
	v2 =	vld [tilespmem:s28+$0xA000]  }
0x155: {  	v16 =	vmul.f32 v16, v1;
	v15 =	vmul.f32 v20, v22  }
0x156: {  	v0 =	vadd.f32 v0, v8;
	v1 =	vmul.f32 v14, v1;
	v4 =	vmul.f32 $3.100000000e+01, v17;
	v7 =	vld [tilespmem:s28+$0xA800]  }
0x157: {  	v8 =	vmul.f32 v15, v13;
	v13 =	vmul.f32 v22, v19  }
0x158: {  	v17 =	vadd.f32 $5.000000000e-01, v6;
	v6 =	vmul.f32 $3.100000000e+01, v3;
	v0 =	vadd.f32 v0, v9;
	v21 =	vld [tilespmem:s28+$0xB000]  }
0x159: {  	v22 =	vmul.f32 v20, v5;
	v8 =	vadd.f32 $0.0e+00, v8;
	v2 =	vmul.f32 v13, v2  }
0x15a: {  	v37 =	vmul.f32 v20, v16;
	v38 =	vmul.f32 v16, v19;
	v18 =	vadd.f32 $5.000000000e-01, v4;
	v26 =	vld [tilespmem:s28+$0xB800]  }
0x15b: {  	v3 =	vld [tilespmem:s29+$0x5800];
	v7 =	vmul.f32 v22, v7;
	v2 =	vadd.f32 v8, v2;
	v8 =	vmul.f32 v19, v5  }
0x15c: {  	v62 =	vmul.f32 v19, v1;
	v36 =	vld [tilespmem:s28+$0xC000];
	v25 =	vadd.f32 $5.000000000e-01, v6;
	v28 =	vtrunc.f32 v17  }
0x15d: {  	v4 =	vld [tilespmem:s29+$0x6000];
	v6 =	vtrunc.f32 v18;
	v2 =	vadd.f32 v2, v7;
	v7 =	vmul.f32 v21, v8  }
0x15e: {  	s0 =	simm.s32 $0x30;
	v14 =	vld [tilespmem:s28+$0xC800];
	v0 =	vadd.f32 v0, v10;
	v16 =	vcvt.f32.s32 v28;
	v20 =	vmul.f32 v20, v1  }
0x15f: {  	v39 =	vld [tilespmem:s0+$0x0];
	v35 =	vtrunc.f32 v25;
	v10 =	vmul.f32 v26, v37;
	v2 =	vadd.f32 v2, v7  }
0x160: {  	v9 =	vcvt.f32.s32 v6;
	v26 =	vld [tilespmem:s28+$0xD000];
	v21 =	vcvt.f32.s32 v35  }
0x161: {  	v1 =	vld [tilespmem:s29+$0x9000];
	v0 =	vadd.f32 v0, v11;
	v11 =	vmul.f32 v36, v38;
	v10 =	vadd.f32 v2, v10  }
0x162: {  	v6 =	vld [tilespmem:s29+$0x7000];
	v16 =	vcvt.s32.f32 v16;
	v21 =	vcvt.s32.f32 v21  }
0x163: {  	v28 =	vadd.f32 v12, v0;
	v0 =	vld [tilespmem:s29+$0x8800];
	v12 =	vmul.f32 v14, v20;
	v10 =	vadd.f32 v11, v10  }
0x164: {  	v30 =	vmul.f32 v22, v30;
	v9 =	vcvt.s32.f32 v9;
	v22 =	vld [tilespmem:s0+$0x800];
	v14 =	vsub.f32 v25, v21  }
0x165: {  	v25 =	vld [tilespmem:s0+$0x1000];
	v11 =	vsub.f32 v17, v16;
	v10 =	vadd.f32 v12, v10;
	v12 =	vmul.f32 v26, v62  }
0x166: {  	v15 =	vmul.f32 v15, v23;
	v5 =	vld [tilespmem:s29+$0x6800];
	v9 =	vsub.f32 v18, v9;
	v19 =	vsub.f32 $1.000000000e+00, v14  }
0x167: {  	v13 =	vmul.f32 v13, v27;
	v7 =	vld [tilespmem:s29+$0x7800];
	v63 =	vsub.f32 $1.000000000e+00, v11;
	v10 =	vadd.f32 v12, v10  }
0x168: {  	v18 =	vmul.f32 v31, v8;
	v8 =	vmul.f32 v34, v62;
	v21 =	vld [tilespmem:s29+$0x9800];
	v12 =	vadd.f32 $0.0e+00, v15  }
0x169: {  	v2 =	vld [tilespmem:s29+$0x8000];
	v17 =	vmul.f32 v32, v37;
	v16 =	vsub.f32 $1.000000000e+00, v9;
	v26 =	vmul.f32 v19, v63;
	[tilespmem:s28+$0xE000] =	vst v10  }
0x16a: {  	v27 =	vmul.f32 $3.100000000e+01, v25;
	v15 =	vmul.f32 v29, v38;
	v31 =	vadd.f32 v12, v13;
	v23 =	vld [tilespmem:s29+$0xA000]  }
0x16b: {  	v29 =	vadd.f32 v24, v28;
	v28 =	vmul.f32 $3.100000000e+01, v39;
	v12 =	vmul.f32 v16, v26;
	v10 =	vld [tilespmem:s0+$0x5800]  }
0x16c: {  	s3 =	simm.s32 $0x100;
	v24 =	vmul.f32 v14, v63;
	v13 =	vmul.f32 v33, v20;
	v25 =	vld [tilespmem:s29+$0xA800];
	v20 =	vadd.f32 v31, v30  }
.LBB2_9:
0x16d: {  	p0 =	sne.s32 s3, $0x1FC0;
	v30 =	vld [tilespmem:s0+$0x6000];
	v21 =	vmul.f32 v12, v21;
	v26 =	vmul.f32 v26, v9;
	[tilespmem:s30+$0xD800] =	vst v29;
	s30 =	smov.u32 s28;
	s28 =	smov.u32 s29  }
0x16e: {  	v27 =	vadd.f32 $5.000000000e-01, v27;
	s29 =	smov.u32 s0;
	v28 =	vadd.f32 $5.000000000e-01, v28;
	v22 =	vmul.f32 $3.100000000e+01, v22;
	v29 =	vld [tilespmem:s28+$0xB000]  }
0x16f: {  	v32 =	vmul.f32 v16, v24;
	v31 =	vld [tilespmem:s29+$0x6800];
	v21 =	vadd.f32 $0.0e+00, v21;
	v23 =	vmul.f32 v26, v23  }
0x170: {  	v19 =	vmul.f32 v19, v11;
	v33 =	vtrunc.f32 v27;
	v22 =	vadd.f32 $5.000000000e-01, v22;
	v34 =	vld [tilespmem:s28+$0xB800]  }
0x171: {  	v24 =	vmul.f32 v9, v24;
	v35 =	vld [tilespmem:s29+$0x7000];
	v21 =	vadd.f32 v21, v23;
	v23 =	vmul.f32 v32, v25  }
0x172: {  	v18 =	vadd.f32 v20, v18;
	v25 =	vtrunc.f32 v28;
	v36 =	vtrunc.f32 v22;
	v37 =	vld [tilespmem:s28+$0xC000]  }
0x173: {  	v20 =	vld [tilespmem:s29+$0x7800];
	v21 =	vadd.f32 v21, v23;
	v23 =	vmul.f32 v29, v24;
	v29 =	vmul.f32 v16, v19  }
0x174: {  	v11 =	vmul.f32 v14, v11;
	v33 =	vcvt.f32.s32 v33;
	v17 =	vadd.f32 v18, v17;
	v14 =	vld [tilespmem:s28+$0xC800]  }
0x175: {  	v38 =	vld [tilespmem:s29+$0x8000];
	v18 =	vadd.f32 v21, v23;
	v21 =	vmul.f32 v34, v29;
	v23 =	vmul.f32 v19, v9  }
0x176: {  	v15 =	vadd.f32 v17, v15;
	v19 =	vcvt.f32.s32 v25;
	v25 =	vcvt.f32.s32 v36;
	v34 =	vld [tilespmem:s28+$0xD000]  }
0x177: {  	v36 =	vld [tilespmem:s29+$0x8800];
	v17 =	vadd.f32 v18, v21;
	v18 =	vmul.f32 v37, v23;
	v37 =	vmul.f32 v16, v11  }
0x178: {  	v39 =	vadd.f32 v13, v15;
	v16 =	vcvt.s32.f32 v19;
	v19 =	vcvt.s32.f32 v25;
	v25 =	vld [tilespmem:s29+$0x9000]  }
0x179: {  	v40 =	vmul.f32 v9, v11;
	v13 =	vadd.f32 v18, v17;
	v15 =	vmul.f32 v14, v37  }
0x17a: {  	v12 =	vmul.f32 v12, v3;
	v3 =	vmovc v10;
	v9 =	vcvt.s32.f32 v33;
	v11 =	vsub.f32 v28, v16  }
0x17b: {  	s0 =	sshra.s32 s3, $0x2;
	v14 =	vsub.f32 v22, v19;
	v10 =	vadd.f32 v15, v13;
	v13 =	vmul.f32 v34, v40  }
0x17c: {  	v9 =	vsub.f32 v27, v9;
	v27 =	vmul.f32 v26, v4;
	v4 =	vmovc v30;
	v33 =	vsub.f32 $1.000000000e+00, v11;
	v28 =	vld [tilespmem:s0+$0x1000]  }
0x17d: {  	v32 =	vmul.f32 v32, v5;
	v5 =	vmovc v31;
	v19 =	vsub.f32 $1.000000000e+00, v14;
	v30 =	vld [tilespmem:s0+$0x0];
	v10 =	vadd.f32 v13, v10  }
.Ltmp3:
0x17e: {  	v12 =	vadd.f32 $0.0e+00, v12;
	v18 =	vmul.f32 v6, v24;
	v17 =	vmul.f32 v7, v29;
	v6 =	vmovc v35;
	v7 =	vmovc v20;
	v21 =	vld [tilespmem:s29+$0x9800];
	(pc) =	sbr.rel @p0 .LBB2_9-.Ltmp3, $4  }
0x17f: {  	v16 =	vsub.f32 $1.000000000e+00, v9;
	v15 =	vmul.f32 v2, v23;
	v2 =	vmovc v38;
	v26 =	vmul.f32 v19, v33;
	v22 =	vld [tilespmem:s0+$0x800];
	[tilespmem:s28+$0xE000] =	vst v10  }
0x180: {  	v31 =	vmul.f32 v1, v40;
	v20 =	vadd.f32 v12, v27;
	v13 =	vmul.f32 v0, v37;
	v0 =	vmovc v36;
	v23 =	vld [tilespmem:s29+$0xA000]  }
0x181: {  	v29 =	vadd.f32 v8, v39;
	v1 =	vmovc v25;
	v12 =	vmul.f32 v16, v26;
	v27 =	vmul.f32 $3.100000000e+01, v28;
	v10 =	vld [tilespmem:s0+$0x5800]  }
0x182: {  	s3 =	sadd.s32 $0x40, s3;
	v8 =	vmovc v31;
	v20 =	vadd.f32 v20, v32;
	v24 =	vmul.f32 v14, v33;
	v28 =	vmul.f32 $3.100000000e+01, v30;
	v25 =	vld [tilespmem:s29+$0xA800]  }
0x183: {  	v30 =	vld [tilespmem:s0+$0x6000];
	v21 =	vmul.f32 v12, v21;
	v26 =	vmul.f32 v26, v9;
	[tilespmem:s30+$0xD800] =	vst v29  }
0x184: {  	v27 =	vadd.f32 $5.000000000e-01, v27;
	v19 =	vmul.f32 v19, v11;
	v29 =	vld [tilespmem:s29+$0xB000]  }
0x185: {  	v31 =	vmul.f32 v16, v24;
	v21 =	vadd.f32 $0.0e+00, v21;
	v23 =	vmul.f32 v26, v23  }
0x186: {  	v55 =	vmul.f32 v14, v11;
	v28 =	vadd.f32 $5.000000000e-01, v28;
	v22 =	vmul.f32 $3.100000000e+01, v22;
	v33 =	vld [tilespmem:s29+$0xB800]  }
0x187: {  	v24 =	vmul.f32 v9, v24;
	v21 =	vadd.f32 v21, v23;
	v52 =	vmul.f32 v31, v25  }
0x188: {  	v35 =	vld [tilespmem:s29+$0xC000];
	v32 =	vtrunc.f32 v27;
	v37 =	vmul.f32 v9, v55;
	v22 =	vadd.f32 $5.000000000e-01, v22  }
0x189: {  	v21 =	vadd.f32 v21, v52;
	v54 =	vmul.f32 v29, v24;
	v29 =	vmul.f32 v16, v19  }
0x18a: {  	v56 =	vld [tilespmem:s29+$0xC800];
	v53 =	vtrunc.f32 v28;
	v34 =	vtrunc.f32 v22  }
0x18b: {  	v19 =	vmul.f32 v19, v9;
	v21 =	vadd.f32 v21, v54;
	v57 =	vmul.f32 v33, v29  }
0x18c: {  	v18 =	vadd.f32 v20, v18;
	v60 =	vld [tilespmem:s29+$0xD000];
	v58 =	vcvt.f32.s32 v53;
	v59 =	vcvt.f32.s32 v34  }
0x18d: {  	v16 =	vmul.f32 v16, v55;
	v61 =	vmul.f32 v35, v19;
	v21 =	vadd.f32 v21, v57  }
0x18e: {  	v32 =	vcvt.f32.s32 v32;
	v17 =	vadd.f32 v18, v17;
	v63 =	vcvt.s32.f32 v58  }
0x18f: {  	v62 =	vld [tilespmem:s0+$0x6800];
	v35 =	vcvt.s32.f32 v59;
	v14 =	vmul.f32 v56, v16;
	v21 =	vadd.f32 v61, v21  }
0x190: {  	v36 =	vld [tilespmem:s0+$0x7000];
	v15 =	vadd.f32 v17, v15;
	v40 =	vcvt.s32.f32 v32;
	v39 =	vsub.f32 v28, v63  }
0x191: {  	v38 =	vld [tilespmem:s0+$0x7800];
	v42 =	vmul.f32 v60, v37;
	v20 =	vsub.f32 v22, v35;
	v14 =	vadd.f32 v14, v21  }
0x192: {  	v41 =	vld [tilespmem:s0+$0x8000];
	v18 =	vsub.f32 v27, v40;
	v44 =	vsub.f32 $1.000000000e+00, v39  }
0x193: {  	v43 =	vld [tilespmem:s0+$0x8800];
	v46 =	vsub.f32 $1.000000000e+00, v20;
	v14 =	vadd.f32 v42, v14  }
0x194: {  	v3 =	vmul.f32 v12, v3;
	v47 =	vld [tilespmem:s0+$0x9800]  }
0x195: {  	v45 =	vld [tilespmem:s0+$0x9000];
	v13 =	vadd.f32 v13, v15;
	v48 =	vsub.f32 $1.000000000e+00, v18;
	v49 =	vmul.f32 v46, v44;
	[tilespmem:s29+$0xE000] =	vst v14  }
0x196: {  	v4 =	vmul.f32 v26, v4;
	v3 =	vadd.f32 $0.0e+00, v3;
	v50 =	vld [tilespmem:s0+$0xA000]  }
0x197: {  	v5 =	vmul.f32 v31, v5;
	v8 =	vadd.f32 v8, v13;
	v51 =	vmul.f32 v48, v49  }
0x198: {  	v6 =	vmul.f32 v6, v24;
	v3 =	vadd.f32 v3, v4;
	v52 =	vmul.f32 v20, v44;
	v53 =	vld [tilespmem:s0+$0xA800]  }
0x199: {  	v54 =	vmul.f32 v49, v18;
	v21 =	vmul.f32 v51, v47;
	[tilespmem:s28+$0xD800] =	vst v8  }
0x19a: {  	v3 =	vadd.f32 v3, v5;
	v7 =	vmul.f32 v7, v29;
	v10 =	vmul.f32 v51, v10;
	v8 =	vld [tilespmem:s0+$0xB000]  }
0x19b: {  	v55 =	vmul.f32 v48, v52;
	v21 =	vadd.f32 $0.0e+00, v21;
	v12 =	vmul.f32 v54, v50  }
0x19c: {  	v4 =	vmul.f32 v46, v39;
	v58 =	vmul.f32 v54, v30;
	v56 =	vld [tilespmem:s0+$0xB800];
	v10 =	vadd.f32 $0.0e+00, v10  }
0x19d: {  	v13 =	vmul.f32 v18, v52;
	v57 =	vmul.f32 v55, v53;
	v12 =	vadd.f32 v21, v12  }
0x19e: {  	v3 =	vadd.f32 v3, v6;
	v24 =	vmul.f32 v55, v62;
	v5 =	vld [tilespmem:s0+$0xC000];
	v10 =	vadd.f32 v10, v58  }
0x19f: {  	v59 =	vmul.f32 v48, v4;
	v8 =	vmul.f32 v8, v13;
	v12 =	vadd.f32 v12, v57  }
0x1a0: {  	v17 =	vmul.f32 v20, v39;
	v6 =	vmul.f32 v36, v13;
	v60 =	vld [tilespmem:s0+$0xC800];
	v10 =	vadd.f32 v10, v24  }
0x1a1: {  	v4 =	vmul.f32 v4, v18;
	v61 =	vmul.f32 v56, v59;
	v8 =	vadd.f32 v12, v8  }
0x1a2: {  	v2 =	vmul.f32 v2, v19;
	v11 =	vmul.f32 v38, v59;
	v62 =	vld [tilespmem:s0+$0xD000];
	v6 =	vadd.f32 v10, v6  }
0x1a3: {  	v63 =	vmul.f32 v48, v17;
	v5 =	vmul.f32 v5, v4;
	v8 =	vadd.f32 v8, v61  }
0x1a4: {  	v3 =	vadd.f32 v3, v7;
	v4 =	vmul.f32 v41, v4;
	v6 =	vadd.f32 v6, v11  }
0x1a5: {  	v7 =	vmul.f32 v60, v63;
	v5 =	vadd.f32 v5, v8;
	v8 =	vmul.f32 v18, v17  }
0x1a6: {  	v0 =	vmul.f32 v0, v16;
	v2 =	vadd.f32 v3, v2;
	v4 =	vadd.f32 v6, v4  }
0x1a7: {  	v3 =	vadd.f32 v7, v5;
	v5 =	vmul.f32 v62, v8;
	v7 =	vmul.f32 v43, v63  }
0x1a8: {  	v1 =	vmul.f32 v1, v37;
	v0 =	vadd.f32 v0, v2  }
0x1a9: {  	v2 =	vadd.f32 v5, v3;
	v3 =	vmul.f32 v45, v8;
	v4 =	vadd.f32 v7, v4  }
0x1aa: {  	v0 =	vadd.f32 v1, v0  }
0x1ab: {  	[tilespmem:s0+$0xE000] =	vst v2;
	v1 =	vadd.f32 v3, v4  }
0x1ac: {  	[tilespmem:s29+$0xD800] =	vst v0  }
0x1ad: {  	s30 =	sadd.s32 s6, s26;
	s7 =	simm.s32 $0x0;
	[tilespmem:s0+$0xD800] =	vst v1  }
0x1ae: {  	[hbm4b:s30+s7] =	stream.linear.scatter [tilespmem:s19], [sflag:$0x2], $0x800, $0x38;
	[tilespmem:$0xE800] =	vst v63  }
0x1af: {  	_ =	swait.ge [sflag:s12], $0x800  }
0x1b0: {  	[sflag:s12] =	ssyncset.done $0x0;
	s31 =	rddreg [dreg:$0x3]  }
0x1b1: {  	[sflag:s12] =	ssyncadd.s32 $0xFFFFF800;
	s0 =	sadd.s32 s25, s31  }
0x1b2: {  	[hbm4b:s0+s7] =	stream.linear.scatter [tilespmem:s20], [sflag:$0x2], $0x800, $0x38;
	[tilespmem:$0xE800] =	vst v63  }
0x1b3: {  	_ =	swait.ge [sflag:s12], $0x800  }
0x1b4: {  	[sflag:s12] =	ssyncset.done $0x0  }
0x1b5: {  	s0 =	simm.s32 $0x800;
	[sflag:s12] =	ssyncadd.s32 $0xFFFFF800  }
0x1b6: {  	v0 =	vld [tilespmem:s0+$0x800]  }
0x1b7: {  	v1 =	vld [tilespmem:s0+$0x0]  }
0x1b8: {  	v2 =	vld [tilespmem:s0+$0xFFFFF800];
	_ =	sdelay $0x2  }
0x1b9: {  	v0 =	vmul.f32 $6.300000000e+01, v0  }
0x1ba: {  	v1 =	vmul.f32 $6.300000000e+01, v1  }
0x1bb: {  	v2 =	vmul.f32 $6.300000000e+01, v2;
	v0 =	vadd.f32 $5.000000000e-01, v0  }
0x1bc: {  	v1 =	vadd.f32 $5.000000000e-01, v1  }
0x1bd: {  	v2 =	vadd.f32 $5.000000000e-01, v2;
	v0 =	vtrunc.f32 v0  }
0x1be: {  	v1 =	vtrunc.f32 v1;
	v0 =	vcvt.f32.s32 v0  }
0x1bf: {  	v2 =	vtrunc.f32 v2;
	v1 =	vcvt.f32.s32 v1  }
0x1c0: {  	v4 =	vcvt.f32.s32 v2;
	v3 =	vmul.u32 $0x1081, v0  }
0x1c1: {  	v5 =	vmul.u32 $0x41, v1  }
0x1c2: {  	v7 =	vadd.s32 $0x1, v4;
	v0 =	vadd.s32 $0x100000, v3  }
0x1c3: {  	v1 =	vadd.s32 $0x101081, v3;
	v6 =	vadd.s32 $0x41, v5;
	v2 =	vadd.s32 v4, v5  }
0x1c4: {  	s3 =	simm.s32 $0x2000;
	v3 =	vadd.s32 v2, v0;
	v2 =	vadd.s32 v2, v1;
	v4 =	vadd.s32 v4, v6  }
0x1c5: {  	v6 =	vadd.s32 v7, v6;
	[tilespmem:s3+$0xFFFFF800] =	vst v3;
	v8 =	vadd.s32 v4, v0;
	v3 =	vadd.s32 v4, v1  }
0x1c6: {  	s8 =	simm.s32 $0x10;
	s7 =	sand.u32 $0x7F0, s7;
	v4 =	vadd.s32 v7, v5;
	v5 =	vadd.s32 v6, v0;
	v6 =	vadd.s32 v6, v1;
	[tilespmem:s3+$0x800] =	vst v8  }
.LBB2_11:
0x1c7: {  	s11 =	sand.u32 $0x7F0, s8;
	[tilespmem:s3+$0x0] =	vst v2;
	s0 =	sadd.s32 $0x10, s0;
	s3 =	sadd.s32 $0x10, s3  }
0x1c8: {  	p0 =	sne.s32 s8, $0x7F0;
	s8 =	sadd.s32 $0x10, s8;
	[tilespmem:s7+$0x3000] =	vst v3  }
0x1c9: {  	[tilespmem:s7+$0x5000] =	vst v6  }
0x1ca: {  	v0 =	vadd.s32 v4, v0;
	v1 =	vadd.s32 v4, v1;
	[tilespmem:s7+$0x4800] =	vst v5  }
0x1cb: {  	[tilespmem:s7+$0x4000] =	vst v1  }
0x1cc: {  	[tilespmem:s7+$0x3800] =	vst v0;
	s7 =	smov.u32 s11  }
0x1cd: {  	v0 =	vld [tilespmem:s0+$0x800]  }
0x1ce: {  	v1 =	vld [tilespmem:s0+$0x0];
	_ =	sdelay $0x1  }
0x1cf: {  	v2 =	vld [tilespmem:s0+$0xFFFFF800];
	_ =	sdelay $0x1  }
0x1d0: {  	v0 =	vmul.f32 $6.300000000e+01, v0  }
0x1d1: {  	v1 =	vmul.f32 $6.300000000e+01, v1  }
0x1d2: {  	v0 =	vadd.f32 $5.000000000e-01, v0  }
0x1d3: {  	v2 =	vmul.f32 $6.300000000e+01, v2;
	v1 =	vadd.f32 $5.000000000e-01, v1  }
0x1d4: {  	v0 =	vtrunc.f32 v0  }
0x1d5: {  	v2 =	vadd.f32 $5.000000000e-01, v2;
	v1 =	vtrunc.f32 v1;
	v0 =	vcvt.f32.s32 v0  }
0x1d6: {  	v1 =	vcvt.f32.s32 v1  }
0x1d7: {  	v2 =	vtrunc.f32 v2;
	v3 =	vmul.u32 $0x1081, v0  }
0x1d8: {  	v4 =	vcvt.f32.s32 v2;
	v5 =	vmul.u32 $0x41, v1  }
.Ltmp4:
0x1d9: {  	v0 =	vadd.s32 $0x100000, v3;
	v1 =	vadd.s32 $0x101081, v3;
	(pc) =	sbr.rel @p0 .LBB2_11-.Ltmp4, $4  }
0x1da: {  	v6 =	vadd.s32 $0x41, v5;
	v7 =	vadd.s32 $0x1, v4;
	v2 =	vadd.s32 v4, v5  }
0x1db: {  	v3 =	vadd.s32 v2, v0;
	v2 =	vadd.s32 v2, v1;
	v4 =	vadd.s32 v4, v6  }
0x1dc: {  	v6 =	vadd.s32 v7, v6;
	[tilespmem:s3+$0xFFFFF800] =	vst v3;
	v8 =	vadd.s32 v4, v0;
	v3 =	vadd.s32 v4, v1  }
0x1dd: {  	v4 =	vadd.s32 v7, v5;
	v5 =	vadd.s32 v6, v0;
	v6 =	vadd.s32 v6, v1;
	[tilespmem:s3+$0x800] =	vst v8  }
0x1de: {  	[tilespmem:s3+$0x0] =	vst v2  }
0x1df: {  	[tilespmem:s7+$0x3000] =	vst v3  }
0x1e0: {  	[tilespmem:s7+$0x5000] =	vst v6  }
0x1e1: {  	v1 =	vadd.s32 v4, v1;
	[tilespmem:s7+$0x4800] =	vst v5  }
0x1e2: {  	v0 =	vadd.s32 v4, v0;
	[tilespmem:s7+$0x4000] =	vst v1  }
0x1e3: {  	[tilespmem:s7+$0x3800] =	vst v0  }
0x1e4: {  	[tilespmem:s16], [sflag:$0x1] =	stream.indirect.gather [hbm4b:s5+s14], $0x1, s15, s14, $0xb8;
	[tilespmem:$0xE800] =	vst v63  }
0x1e5: {  	_ = 	snop  }
0x1e6: {  	[tilespmem:s17], [sflag:$0x1] =	stream.indirect.gather [hbm4b:s1+s14], $0x1, s15, s14, $0xb8;
	[tilespmem:$0xE800] =	vst v63  }
0x1e7: {  	_ =	swait.ge [sflag:s18], $0x4000  }
0x1e8: {  	[sflag:s18] =	ssyncset.done $0x0  }
0x1e9: {  	[sflag:s18] =	ssyncadd.s32 $0xFFFFC000  }
0x1ea: {  	_ =	swait.ge [sflag:s18], $0x4000  }
0x1eb: {  	[sflag:s18] =	ssyncset.done $0x0  }
0x1ec: {  	s29 =	simm.s32 $0x0;
	[sflag:s18] =	ssyncadd.s32 $0xFFFFC000  }
0x1ed: {  	v0 =	vld [tilespmem:s29+$0x1000]  }
0x1ee: {  	v1 =	vld [tilespmem:s29+$0x0]  }
0x1ef: {  	v2 =	vld [tilespmem:s29+$0x800];
	_ =	sdelay $0x3  }
0x1f0: {  	v0 =	vmul.f32 $6.300000000e+01, v0  }
0x1f1: {  	v1 =	vmul.f32 $6.300000000e+01, v1;
	v2 =	vmul.f32 $6.300000000e+01, v2  }
0x1f2: {  	v0 =	vadd.f32 $5.000000000e-01, v0  }
0x1f3: {  	v1 =	vadd.f32 $5.000000000e-01, v1;
	v2 =	vadd.f32 $5.000000000e-01, v2  }
0x1f4: {  	v3 =	vtrunc.f32 v0  }
0x1f5: {  	v5 =	vtrunc.f32 v1;
	v6 =	vtrunc.f32 v2  }
0x1f6: {  	s26 =	simm.s32 $0x10;
	v4 =	vld [tilespmem:s29+$0x5800];
	v5 =	vcvt.f32.s32 v5;
	v6 =	vcvt.f32.s32 v6  }
0x1f7: {  	v14 =	vld [tilespmem:s26+$0x800];
	v3 =	vcvt.f32.s32 v3  }
0x1f8: {  	v7 =	vld [tilespmem:s29+$0x6000];
	v5 =	vcvt.s32.f32 v5;
	v6 =	vcvt.s32.f32 v6  }
0x1f9: {  	v8 =	vld [tilespmem:s29+$0x6800];
	v3 =	vcvt.s32.f32 v3  }
0x1fa: {  	v9 =	vld [tilespmem:s29+$0x7000];
	v1 =	vsub.f32 v1, v5;
	v2 =	vsub.f32 v2, v6  }
0x1fb: {  	v10 =	vld [tilespmem:s29+$0x7800];
	v0 =	vsub.f32 v0, v3  }
0x1fc: {  	v13 =	vld [tilespmem:s29+$0x9800];
	v14 =	vmul.f32 $6.300000000e+01, v14;
	v3 =	vsub.f32 $1.000000000e+00, v1;
	v12 =	vsub.f32 $1.000000000e+00, v2  }
0x1fd: {  	v5 =	vld [tilespmem:s26+$0x1000]  }
0x1fe: {  	v14 =	vadd.f32 $5.000000000e-01, v14;
	v6 =	vld [tilespmem:s26+$0x0];
	v15 =	vsub.f32 $1.000000000e+00, v0;
	v16 =	vmul.f32 v12, v3  }
0x1ff: {  	v17 =	vld [tilespmem:s29+$0xA000]  }
0x200: {  	v11 =	vld [tilespmem:s29+$0x8000];
	v28 =	vtrunc.f32 v14;
	v19 =	vmul.f32 v15, v16  }
0x201: {  	v20 =	vld [tilespmem:s29+$0xA800];
	v3 =	vmul.f32 v2, v3;
	v12 =	vmul.f32 v12, v1  }
0x202: {  	v18 =	vld [tilespmem:s29+$0x8800];
	v16 =	vmul.f32 v16, v0;
	v13 =	vmul.f32 v19, v13  }
0x203: {  	v22 =	vld [tilespmem:s29+$0xB000];
	v5 =	vmul.f32 $6.300000000e+01, v5;
	v6 =	vmul.f32 $6.300000000e+01, v6  }
0x204: {  	v21 =	vld [tilespmem:s29+$0x9000];
	v24 =	vmul.f32 v15, v3;
	v17 =	vmul.f32 v16, v17;
	v13 =	vadd.f32 $0.0e+00, v13  }
0x205: {  	v26 =	vld [tilespmem:s29+$0xB800];
	v1 =	vmul.f32 v2, v1;
	v6 =	vadd.f32 $5.000000000e-01, v6;
	v5 =	vadd.f32 $5.000000000e-01, v5  }
0x206: {  	v23 =	vld [tilespmem:s26+$0x5800];
	v3 =	vmul.f32 v0, v3;
	v13 =	vadd.f32 v13, v17;
	v17 =	vmul.f32 v24, v20  }
0x207: {  	v29 =	vld [tilespmem:s29+$0xC000];
	v25 =	vtrunc.f32 v5;
	v20 =	vtrunc.f32 v6  }
0x208: {  	v27 =	vld [tilespmem:s26+$0x6000];
	v13 =	vadd.f32 v13, v17;
	v17 =	vmul.f32 v22, v3;
	v22 =	vmul.f32 v15, v12  }
0x209: {  	v2 =	vld [tilespmem:s29+$0xC800];
	v25 =	vcvt.f32.s32 v25;
	v20 =	vcvt.f32.s32 v20  }
0x20a: {  	v30 =	vld [tilespmem:s26+$0x6800];
	v12 =	vmul.f32 v12, v0;
	v13 =	vadd.f32 v13, v17;
	v17 =	vmul.f32 v26, v22  }
0x20b: {  	v20 =	vcvt.s32.f32 v20;
	v26 =	vcvt.f32.s32 v28;
	v28 =	vld [tilespmem:s29+$0xD000]  }
0x20c: {  	v31 =	vld [tilespmem:s26+$0x7000];
	v15 =	vmul.f32 v15, v1;
	v13 =	vadd.f32 v13, v17;
	v17 =	vmul.f32 v29, v12  }
0x20d: {  	v32 =	vld [tilespmem:s26+$0x7800];
	v0 =	vmul.f32 v0, v1;
	v1 =	vsub.f32 v6, v20;
	v6 =	vcvt.s32.f32 v25  }
0x20e: {  	v33 =	vld [tilespmem:s26+$0x8800];
	v2 =	vmul.f32 v2, v15;
	v26 =	vcvt.s32.f32 v26;
	v13 =	vadd.f32 v17, v13  }
0x20f: {  	s28 =	simm.s32 $0x20;
	v34 =	vld [tilespmem:s26+$0x9000];
	v4 =	vmul.f32 v19, v4;
	v19 =	vsub.f32 v5, v6;
	v6 =	vmul.f32 v16, v7  }
0x210: {  	v7 =	vld [tilespmem:s28+$0x0];
	v14 =	vsub.f32 v14, v26;
	v2 =	vadd.f32 v2, v13;
	v13 =	vmul.f32 v28, v0  }
0x211: {  	v8 =	vmul.f32 v24, v8;
	v9 =	vmul.f32 v9, v3;
	v3 =	vld [tilespmem:s28+$0x800];
	v5 =	vsub.f32 $1.000000000e+00, v1  }
0x212: {  	v10 =	vmul.f32 v10, v22;
	v17 =	vld [tilespmem:s28+$0x1000];
	v16 =	vsub.f32 $1.000000000e+00, v14;
	v2 =	vadd.f32 v13, v2  }
0x213: {  	v4 =	vadd.f32 $0.0e+00, v4;
	v11 =	vmul.f32 v11, v12;
	v24 =	vmul.f32 v21, v0;
	v13 =	vld [tilespmem:s26+$0x9800]  }
0x214: {  	v29 =	vld [tilespmem:s26+$0x8000];
	v12 =	vmul.f32 v18, v15;
	v20 =	vsub.f32 $1.000000000e+00, v19;
	v22 =	vmul.f32 v16, v5;
	[tilespmem:s29+$0xE000] =	vst v2  }
0x215: {  	v0 =	vadd.f32 v4, v6;
	v6 =	vmul.f32 $6.300000000e+01, v7;
	v5 =	vmul.f32 v14, v5;
	v2 =	vld [tilespmem:s26+$0xA000]  }
0x216: {  	v16 =	vmul.f32 v16, v1;
	v15 =	vmul.f32 v20, v22  }
0x217: {  	v0 =	vadd.f32 v0, v8;
	v1 =	vmul.f32 v14, v1;
	v4 =	vmul.f32 $6.300000000e+01, v17;
	v7 =	vld [tilespmem:s26+$0xA800]  }
0x218: {  	v8 =	vmul.f32 v15, v13;
	v13 =	vmul.f32 v22, v19  }
0x219: {  	v17 =	vadd.f32 $5.000000000e-01, v6;
	v6 =	vmul.f32 $6.300000000e+01, v3;
	v0 =	vadd.f32 v0, v9;
	v21 =	vld [tilespmem:s26+$0xB000]  }
0x21a: {  	v22 =	vmul.f32 v20, v5;
	v8 =	vadd.f32 $0.0e+00, v8;
	v2 =	vmul.f32 v13, v2  }
0x21b: {  	v37 =	vmul.f32 v20, v16;
	v38 =	vmul.f32 v16, v19;
	v18 =	vadd.f32 $5.000000000e-01, v4;
	v26 =	vld [tilespmem:s26+$0xB800]  }
0x21c: {  	v3 =	vld [tilespmem:s28+$0x5800];
	v7 =	vmul.f32 v22, v7;
	v2 =	vadd.f32 v8, v2;
	v8 =	vmul.f32 v19, v5  }
0x21d: {  	v62 =	vmul.f32 v19, v1;
	v36 =	vld [tilespmem:s26+$0xC000];
	v25 =	vadd.f32 $5.000000000e-01, v6;
	v28 =	vtrunc.f32 v17  }
0x21e: {  	v4 =	vld [tilespmem:s28+$0x6000];
	v6 =	vtrunc.f32 v18;
	v2 =	vadd.f32 v2, v7;
	v7 =	vmul.f32 v21, v8  }
0x21f: {  	s0 =	simm.s32 $0x30;
	v14 =	vld [tilespmem:s26+$0xC800];
	v0 =	vadd.f32 v0, v10;
	v16 =	vcvt.f32.s32 v28;
	v20 =	vmul.f32 v20, v1  }
0x220: {  	v39 =	vld [tilespmem:s0+$0x0];
	v35 =	vtrunc.f32 v25;
	v10 =	vmul.f32 v26, v37;
	v2 =	vadd.f32 v2, v7  }
0x221: {  	v9 =	vcvt.f32.s32 v6;
	v26 =	vld [tilespmem:s26+$0xD000];
	v21 =	vcvt.f32.s32 v35  }
0x222: {  	v1 =	vld [tilespmem:s28+$0x9000];
	v0 =	vadd.f32 v0, v11;
	v11 =	vmul.f32 v36, v38;
	v10 =	vadd.f32 v2, v10  }
0x223: {  	v6 =	vld [tilespmem:s28+$0x7000];
	v16 =	vcvt.s32.f32 v16;
	v21 =	vcvt.s32.f32 v21  }
0x224: {  	v28 =	vadd.f32 v12, v0;
	v0 =	vld [tilespmem:s28+$0x8800];
	v12 =	vmul.f32 v14, v20;
	v10 =	vadd.f32 v11, v10  }
0x225: {  	v30 =	vmul.f32 v22, v30;
	v9 =	vcvt.s32.f32 v9;
	v22 =	vld [tilespmem:s0+$0x800];
	v14 =	vsub.f32 v25, v21  }
0x226: {  	v25 =	vld [tilespmem:s0+$0x1000];
	v11 =	vsub.f32 v17, v16;
	v10 =	vadd.f32 v12, v10;
	v12 =	vmul.f32 v26, v62  }
0x227: {  	v15 =	vmul.f32 v15, v23;
	v5 =	vld [tilespmem:s28+$0x6800];
	v9 =	vsub.f32 v18, v9;
	v19 =	vsub.f32 $1.000000000e+00, v14  }
0x228: {  	v13 =	vmul.f32 v13, v27;
	v7 =	vld [tilespmem:s28+$0x7800];
	v63 =	vsub.f32 $1.000000000e+00, v11;
	v10 =	vadd.f32 v12, v10  }
0x229: {  	v18 =	vmul.f32 v31, v8;
	v8 =	vmul.f32 v34, v62;
	v21 =	vld [tilespmem:s28+$0x9800];
	v12 =	vadd.f32 $0.0e+00, v15  }
0x22a: {  	v2 =	vld [tilespmem:s28+$0x8000];
	v17 =	vmul.f32 v32, v37;
	v16 =	vsub.f32 $1.000000000e+00, v9;
	v26 =	vmul.f32 v19, v63;
	[tilespmem:s26+$0xE000] =	vst v10  }
0x22b: {  	v27 =	vmul.f32 $6.300000000e+01, v25;
	v15 =	vmul.f32 v29, v38;
	v31 =	vadd.f32 v12, v13;
	v23 =	vld [tilespmem:s28+$0xA000]  }
0x22c: {  	v29 =	vadd.f32 v24, v28;
	v28 =	vmul.f32 $6.300000000e+01, v39;
	v12 =	vmul.f32 v16, v26;
	v10 =	vld [tilespmem:s0+$0x5800]  }
0x22d: {  	s3 =	simm.s32 $0x100;
	v24 =	vmul.f32 v14, v63;
	v13 =	vmul.f32 v33, v20;
	v25 =	vld [tilespmem:s28+$0xA800];
	v20 =	vadd.f32 v31, v30  }
.LBB2_13:
0x22e: {  	p0 =	sne.s32 s3, $0x1FC0;
	v30 =	vld [tilespmem:s0+$0x6000];
	v21 =	vmul.f32 v12, v21;
	v26 =	vmul.f32 v26, v9;
	[tilespmem:s29+$0xD800] =	vst v29;
	s29 =	smov.u32 s26;
	s26 =	smov.u32 s28  }
0x22f: {  	v27 =	vadd.f32 $5.000000000e-01, v27;
	s28 =	smov.u32 s0;
	v28 =	vadd.f32 $5.000000000e-01, v28;
	v22 =	vmul.f32 $6.300000000e+01, v22;
	v29 =	vld [tilespmem:s26+$0xB000]  }
0x230: {  	v32 =	vmul.f32 v16, v24;
	v31 =	vld [tilespmem:s28+$0x6800];
	v21 =	vadd.f32 $0.0e+00, v21;
	v23 =	vmul.f32 v26, v23  }
0x231: {  	v19 =	vmul.f32 v19, v11;
	v33 =	vtrunc.f32 v27;
	v22 =	vadd.f32 $5.000000000e-01, v22;
	v34 =	vld [tilespmem:s26+$0xB800]  }
0x232: {  	v24 =	vmul.f32 v9, v24;
	v35 =	vld [tilespmem:s28+$0x7000];
	v21 =	vadd.f32 v21, v23;
	v23 =	vmul.f32 v32, v25  }
0x233: {  	v18 =	vadd.f32 v20, v18;
	v25 =	vtrunc.f32 v28;
	v36 =	vtrunc.f32 v22;
	v37 =	vld [tilespmem:s26+$0xC000]  }
0x234: {  	v20 =	vld [tilespmem:s28+$0x7800];
	v21 =	vadd.f32 v21, v23;
	v23 =	vmul.f32 v29, v24;
	v29 =	vmul.f32 v16, v19  }
0x235: {  	v11 =	vmul.f32 v14, v11;
	v33 =	vcvt.f32.s32 v33;
	v17 =	vadd.f32 v18, v17;
	v14 =	vld [tilespmem:s26+$0xC800]  }
0x236: {  	v38 =	vld [tilespmem:s28+$0x8000];
	v18 =	vadd.f32 v21, v23;
	v21 =	vmul.f32 v34, v29;
	v23 =	vmul.f32 v19, v9  }
0x237: {  	v15 =	vadd.f32 v17, v15;
	v19 =	vcvt.f32.s32 v25;
	v25 =	vcvt.f32.s32 v36;
	v34 =	vld [tilespmem:s26+$0xD000]  }
0x238: {  	v36 =	vld [tilespmem:s28+$0x8800];
	v17 =	vadd.f32 v18, v21;
	v18 =	vmul.f32 v37, v23;
	v37 =	vmul.f32 v16, v11  }
0x239: {  	v39 =	vadd.f32 v13, v15;
	v16 =	vcvt.s32.f32 v19;
	v19 =	vcvt.s32.f32 v25;
	v25 =	vld [tilespmem:s28+$0x9000]  }
0x23a: {  	v40 =	vmul.f32 v9, v11;
	v13 =	vadd.f32 v18, v17;
	v15 =	vmul.f32 v14, v37  }
0x23b: {  	v12 =	vmul.f32 v12, v3;
	v3 =	vmovc v10;
	v9 =	vcvt.s32.f32 v33;
	v11 =	vsub.f32 v28, v16  }
0x23c: {  	s0 =	sshra.s32 s3, $0x2;
	v14 =	vsub.f32 v22, v19;
	v10 =	vadd.f32 v15, v13;
	v13 =	vmul.f32 v34, v40  }
0x23d: {  	v9 =	vsub.f32 v27, v9;
	v27 =	vmul.f32 v26, v4;
	v4 =	vmovc v30;
	v33 =	vsub.f32 $1.000000000e+00, v11;
	v28 =	vld [tilespmem:s0+$0x1000]  }
0x23e: {  	v32 =	vmul.f32 v32, v5;
	v5 =	vmovc v31;
	v19 =	vsub.f32 $1.000000000e+00, v14;
	v30 =	vld [tilespmem:s0+$0x0];
	v10 =	vadd.f32 v13, v10  }
.Ltmp5:
0x23f: {  	v12 =	vadd.f32 $0.0e+00, v12;
	v18 =	vmul.f32 v6, v24;
	v17 =	vmul.f32 v7, v29;
	v6 =	vmovc v35;
	v7 =	vmovc v20;
	v21 =	vld [tilespmem:s28+$0x9800];
	(pc) =	sbr.rel @p0 .LBB2_13-.Ltmp5, $4  }
0x240: {  	v16 =	vsub.f32 $1.000000000e+00, v9;
	v15 =	vmul.f32 v2, v23;
	v2 =	vmovc v38;
	v26 =	vmul.f32 v19, v33;
	v22 =	vld [tilespmem:s0+$0x800];
	[tilespmem:s26+$0xE000] =	vst v10  }
0x241: {  	v31 =	vmul.f32 v1, v40;
	v20 =	vadd.f32 v12, v27;
	v13 =	vmul.f32 v0, v37;
	v0 =	vmovc v36;
	v23 =	vld [tilespmem:s28+$0xA000]  }
0x242: {  	v29 =	vadd.f32 v8, v39;
	v1 =	vmovc v25;
	v12 =	vmul.f32 v16, v26;
	v27 =	vmul.f32 $6.300000000e+01, v28;
	v10 =	vld [tilespmem:s0+$0x5800]  }
0x243: {  	s3 =	sadd.s32 $0x40, s3;
	v8 =	vmovc v31;
	v20 =	vadd.f32 v20, v32;
	v24 =	vmul.f32 v14, v33;
	v28 =	vmul.f32 $6.300000000e+01, v30;
	v25 =	vld [tilespmem:s28+$0xA800]  }
0x244: {  	v30 =	vld [tilespmem:s0+$0x6000];
	v21 =	vmul.f32 v12, v21;
	v26 =	vmul.f32 v26, v9;
	[tilespmem:s29+$0xD800] =	vst v29  }
0x245: {  	v19 =	vmul.f32 v19, v11;
	v29 =	vld [tilespmem:s28+$0xB000]  }
0x246: {  	v31 =	vmul.f32 v16, v24;
	v21 =	vadd.f32 $0.0e+00, v21;
	v23 =	vmul.f32 v26, v23  }
0x247: {  	v27 =	vadd.f32 $5.000000000e-01, v27;
	v45 =	vmul.f32 v14, v11;
	v22 =	vmul.f32 $6.300000000e+01, v22;
	v33 =	vld [tilespmem:s28+$0xB800]  }
0x248: {  	v24 =	vmul.f32 v9, v24;
	v21 =	vadd.f32 v21, v23;
	v41 =	vmul.f32 v31, v25  }
0x249: {  	v28 =	vadd.f32 $5.000000000e-01, v28;
	v35 =	vld [tilespmem:s28+$0xC000];
	v32 =	vtrunc.f32 v27;
	v44 =	vmul.f32 v16, v19  }
0x24a: {  	v19 =	vmul.f32 v19, v9;
	v21 =	vadd.f32 v21, v41;
	v43 =	vmul.f32 v29, v24  }
0x24b: {  	v46 =	vld [tilespmem:s28+$0xC800];
	v16 =	vmul.f32 v16, v45;
	v9 =	vmul.f32 v9, v45;
	v22 =	vadd.f32 $5.000000000e-01, v22  }
0x24c: {  	v42 =	vtrunc.f32 v28;
	v47 =	vmul.f32 v33, v44;
	v21 =	vadd.f32 v21, v43  }
0x24d: {  	v18 =	vadd.f32 v20, v18;
	v50 =	vld [tilespmem:s28+$0xD000];
	v48 =	vcvt.f32.s32 v42;
	v34 =	vtrunc.f32 v22  }
0x24e: {  	v49 =	vcvt.f32.s32 v34;
	v51 =	vmul.f32 v35, v19;
	v21 =	vadd.f32 v21, v47  }
0x24f: {  	v32 =	vcvt.f32.s32 v32;
	v17 =	vadd.f32 v18, v17;
	v53 =	vcvt.s32.f32 v48  }
0x250: {  	v52 =	vld [tilespmem:s0+$0x6800];
	v14 =	vmul.f32 v46, v16;
	v54 =	vcvt.s32.f32 v49;
	v21 =	vadd.f32 v51, v21  }
0x251: {  	v55 =	vld [tilespmem:s0+$0x7000];
	v15 =	vadd.f32 v17, v15;
	v57 =	vcvt.s32.f32 v32;
	v56 =	vsub.f32 v28, v53  }
0x252: {  	v11 =	vld [tilespmem:s0+$0x7800];
	v59 =	vmul.f32 v50, v9;
	v20 =	vsub.f32 v22, v54;
	v14 =	vadd.f32 v14, v21  }
0x253: {  	v58 =	vld [tilespmem:s0+$0x8000];
	v18 =	vsub.f32 v27, v57;
	v61 =	vsub.f32 $1.000000000e+00, v56  }
0x254: {  	v3 =	vmul.f32 v12, v3;
	v60 =	vld [tilespmem:s0+$0x8800];
	v63 =	vsub.f32 $1.000000000e+00, v20;
	v14 =	vadd.f32 v59, v14  }
0x255: {  	v36 =	vld [tilespmem:s0+$0x9800];
	v4 =	vmul.f32 v26, v4;
	v5 =	vmul.f32 v31, v5  }
0x256: {  	v62 =	vld [tilespmem:s0+$0x9000];
	v13 =	vadd.f32 v13, v15;
	v37 =	vsub.f32 $1.000000000e+00, v18;
	v38 =	vmul.f32 v63, v61;
	[tilespmem:s28+$0xE000] =	vst v14  }
0x257: {  	v6 =	vmul.f32 v6, v24;
	v7 =	vmul.f32 v7, v44;
	v39 =	vld [tilespmem:s0+$0xA000]  }
0x258: {  	v2 =	vmul.f32 v2, v19;
	v8 =	vadd.f32 v8, v13;
	v40 =	vmul.f32 v37, v38  }
0x259: {  	v41 =	vmul.f32 v20, v61;
	v17 =	vmul.f32 v20, v56;
	v42 =	vld [tilespmem:s0+$0xA800]  }
0x25a: {  	v43 =	vmul.f32 v38, v18;
	v21 =	vmul.f32 v40, v36;
	[tilespmem:s26+$0xD800] =	vst v8  }
0x25b: {  	v44 =	vmul.f32 v37, v41;
	v45 =	vmul.f32 v63, v56;
	v8 =	vld [tilespmem:s0+$0xB000]  }
0x25c: {  	v10 =	vmul.f32 v40, v10;
	v21 =	vadd.f32 $0.0e+00, v21;
	v12 =	vmul.f32 v43, v39  }
0x25d: {  	v3 =	vadd.f32 $0.0e+00, v3;
	v13 =	vmul.f32 v18, v41;
	v49 =	vmul.f32 v43, v30;
	v46 =	vld [tilespmem:s0+$0xB800]  }
0x25e: {  	v10 =	vadd.f32 $0.0e+00, v10;
	v47 =	vmul.f32 v44, v42;
	v12 =	vadd.f32 v21, v12  }
0x25f: {  	v3 =	vadd.f32 v3, v4;
	v50 =	vmul.f32 v37, v45;
	v24 =	vmul.f32 v44, v52;
	v48 =	vld [tilespmem:s0+$0xC000]  }
0x260: {  	v51 =	vld [tilespmem:s0+$0xC800];
	v10 =	vadd.f32 v10, v49;
	v8 =	vmul.f32 v8, v13;
	v12 =	vadd.f32 v12, v47  }
0x261: {  	v3 =	vadd.f32 v3, v5;
	v4 =	vmul.f32 v45, v18;
	v53 =	vmul.f32 v55, v13  }
0x262: {  	v10 =	vadd.f32 v10, v24;
	v52 =	vmul.f32 v46, v50;
	v8 =	vadd.f32 v12, v8  }
0x263: {  	v3 =	vadd.f32 v3, v6;
	v55 =	vmul.f32 v37, v17;
	v11 =	vmul.f32 v11, v50;
	v54 =	vld [tilespmem:s0+$0xD000]  }
0x264: {  	v5 =	vmul.f32 v48, v4;
	v6 =	vadd.f32 v10, v53;
	v8 =	vadd.f32 v8, v52  }
0x265: {  	v3 =	vadd.f32 v3, v7;
	v57 =	vmul.f32 v18, v17;
	v56 =	vmul.f32 v51, v55  }
0x266: {  	v4 =	vmul.f32 v58, v4;
	v6 =	vadd.f32 v6, v11;
	v5 =	vadd.f32 v5, v8  }
0x267: {  	v0 =	vmul.f32 v0, v16;
	v2 =	vadd.f32 v3, v2;
	v60 =	vmul.f32 v60, v55  }
0x268: {  	v59 =	vmul.f32 v54, v57;
	v4 =	vadd.f32 v6, v4;
	v58 =	vadd.f32 v56, v5  }
0x269: {  	v1 =	vmul.f32 v1, v9;
	v0 =	vadd.f32 v0, v2  }
0x26a: {  	v62 =	vmul.f32 v62, v57;
	v4 =	vadd.f32 v60, v4;
	v61 =	vadd.f32 v59, v58  }
0x26b: {  	v0 =	vadd.f32 v1, v0  }
0x26c: {  	v63 =	vadd.f32 v62, v4;
	[tilespmem:s0+$0xE000] =	vst v61  }
0x26d: {  	s30 =	rddreg [dreg:$0x5];
	[tilespmem:s28+$0xD800] =	vst v0  }
0x26e: {  	[tilespmem:s0+$0xD800] =	vst v63;
	s0 =	sadd.s32 s25, s30  }
0x26f: {  	[hbm4b:s0+s2] =	stream.linear.scatter [tilespmem:s19], [sflag:$0x2], $0x800, $0x38;
	[tilespmem:$0xE800] =	vst v63  }
0x270: {  	_ =	swait.ge [sflag:s12], $0x800  }
0x271: {  	[sflag:s12] =	ssyncset.done $0x0;
	s31 =	rddreg [dreg:$0x6]  }
0x272: {  	[sflag:s12] =	ssyncadd.s32 $0xFFFFF800;
	s0 =	sadd.s32 s25, s31  }
0x273: {  	[hbm4b:s0+s2] =	stream.linear.scatter [tilespmem:s20], [sflag:$0x2], $0x800, $0x38;
	[tilespmem:$0xE800] =	vst v63  }
0x274: {  	_ =	swait.ge [sflag:s12], $0x800  }
0x275: {  	[sflag:s12] =	ssyncset.done $0x0  }
0x276: {  	s25 =	simm.s32 $0x3;
	[sflag:s12] =	ssyncadd.s32 $0xFFFFF800  }
.LBB2_15:
0x277: {  	s0 =	simm.s32 $0x800  }
0x278: {  	s3 =	sshll.u32 s21, s25;
	v1 =	vld [tilespmem:s0+$0x0]  }
0x279: {  	s3 =	sadd.s32 $0xFFFFFFFF, s3;
	v2 =	vld [tilespmem:s0+$0x800]  }
0x27a: {  	v3 =	vld [tilespmem:s0+$0xFFFFF800];
	s3 =	scvt.s32.f32 s3;
	_ =	sdelay $0x1  }
0x27b: {  	v0 =	vmov s3  }
0x27c: {  	v1 =	vmul.f32 v1, v0  }
0x27d: {  	s26 =	sshll.u32 s25, $0x13;
	s22 =	simm.s32 $0x0;
	s11 =	simm.s32 $0x2000;
	v2 =	vmul.f32 v2, v0  }
0x27e: {  	s30 =	simm.s32 $0x10;
	s31 =	simm.s32 $0x2010;
	s28 =	simm.s32 $0x20;
	v4 =	vmul.f32 v3, v0;
	v5 =	vadd.f32 $5.000000000e-01, v1  }
0x27f: {  	s13 =	simm.s32 $0x820;
	s7 =	simm.s32 $0x2020;
	s8 =	simm.s32 $0x30;
	v3 =	vadd.f32 $5.000000000e-01, v2  }
0x280: {  	s29 =	simm.s32 $0x2020;
	s0 =	simm.s32 $0x820;
	s3 =	simm.s32 $0x810;
	v1 =	vmov s26;
	v2 =	vadd.f32 $5.000000000e-01, v4;
	v4 =	vtrunc.f32 v5  }
.LBB2_16:
0x281: {  	p0 =	sne.s32 s8, $0x7F0;
	s13 =	sadd.s32 $0x10, s13;
	s7 =	sadd.s32 $0x10, s7;
	v4 =	vcvt.f32.s32 v4;
	v3 =	vtrunc.f32 v3  }
0x282: {  	s9 =	smov.u32 s8;
	s8 =	sadd.s32 $0x10, s8;
	v2 =	vtrunc.f32 v2;
	v3 =	vcvt.f32.s32 v3  }
0x283: {  	v2 =	vcvt.f32.s32 v2;
	v4 =	vmul.u32 $0x9E3779B1, v4  }
0x284: {  	v3 =	vmul.u32 $0x30025795, v3  }
0x285: {  	v5 =	vadd.s32 $0x9E3779B1, v4;
	v6 =	vadd.s32 $0x1, v2;
	v7 =	vxor.u32 v2, v4  }
0x286: {  	v8 =	vadd.s32 $0x30025795, v3;
	v2 =	vxor.u32 v2, v5;
	v5 =	vxor.u32 v6, v5  }
0x287: {  	v9 =	vxor.u32 v7, v8;
	v10 =	vxor.u32 v3, v2;
	v11 =	vxor.u32 v8, v5  }
0x288: {  	v9 =	vand.u32 $0x7FFFF, v9;
	v10 =	vand.u32 $0x7FFFF, v10;
	v11 =	vand.u32 $0x7FFFF, v11  }
0x289: {  	v7 =	vxor.u32 v3, v7;
	v9 =	vor.u32 v1, v9;
	v10 =	vor.u32 v1, v10  }
0x28a: {  	v5 =	vxor.u32 v3, v5;
	v7 =	vand.u32 $0x7FFFF, v7;
	[tilespmem:s11+$0x0] =	vst v9;
	v9 =	vor.u32 v1, v11  }
0x28b: {  	v2 =	vxor.u32 v8, v2;
	v5 =	vand.u32 $0x7FFFF, v5;
	v7 =	vor.u32 v1, v7;
	[tilespmem:s11+$0x800] =	vst v10  }
0x28c: {  	s10 =	sand.u32 $0x7F0, s22;
	v4 =	vxor.u32 v6, v4;
	v2 =	vand.u32 $0x7FFFF, v2;
	[tilespmem:s11+$0xFFFFF800] =	vst v7;
	s11 =	smov.u32 s31;
	s31 =	smov.u32 s29  }
0x28d: {  	s22 =	smov.u32 s30;
	s30 =	smov.u32 s28;
	v3 =	vxor.u32 v3, v4;
	v4 =	vxor.u32 v4, v8;
	v5 =	vor.u32 v1, v5;
	s29 =	smov.u32 s7;
	[tilespmem:s10+$0x5000] =	vst v9  }
0x28e: {  	s28 =	smov.u32 s9;
	v3 =	vand.u32 $0x7FFFF, v3;
	v4 =	vand.u32 $0x7FFFF, v4;
	v2 =	vor.u32 v1, v2;
	[tilespmem:s10+$0x4800] =	vst v5  }
0x28f: {  	[tilespmem:s10+$0x3000] =	vst v2;
	v2 =	vor.u32 v1, v3;
	v3 =	vor.u32 v1, v4  }
0x290: {  	[tilespmem:s10+$0x4000] =	vst v3  }
0x291: {  	[tilespmem:s10+$0x3800] =	vst v2  }
0x292: {  	v2 =	vld [tilespmem:s3+$0x0]  }
0x293: {  	v3 =	vld [tilespmem:s3+$0x800]  }
0x294: {  	v4 =	vld [tilespmem:s3+$0xFFFFF800];
	s3 =	smov.u32 s0;
	s0 =	smov.u32 s13;
	_ =	sdelay $0x2  }
.Ltmp6:
0x295: {  	v2 =	vmul.f32 v2, v0;
	(pc) =	sbr.rel @p0 .LBB2_16-.Ltmp6, $4  }
0x296: {  	v3 =	vmul.f32 v3, v0  }
0x297: {  	v4 =	vmul.f32 v4, v0;
	v5 =	vadd.f32 $5.000000000e-01, v2  }
0x298: {  	v3 =	vadd.f32 $5.000000000e-01, v3  }
0x299: {  	v2 =	vadd.f32 $5.000000000e-01, v4;
	v4 =	vtrunc.f32 v5  }
0x29a: {  	v4 =	vcvt.f32.s32 v4;
	v3 =	vtrunc.f32 v3  }
0x29b: {  	v3 =	vcvt.f32.s32 v3  }
0x29c: {  	v2 =	vtrunc.f32 v2;
	v4 =	vmul.u32 $0x9E3779B1, v4  }
0x29d: {  	v2 =	vcvt.f32.s32 v2;
	v3 =	vmul.u32 $0x30025795, v3  }
0x29e: {  	v5 =	vadd.s32 $0x9E3779B1, v4  }
0x29f: {  	v6 =	vadd.s32 $0x1, v2;
	v7 =	vxor.u32 v2, v4;
	v8 =	vadd.s32 $0x30025795, v3  }
0x2a0: {  	v2 =	vxor.u32 v2, v5;
	v5 =	vxor.u32 v6, v5;
	v9 =	vxor.u32 v7, v8  }
0x2a1: {  	v4 =	vxor.u32 v6, v4;
	v10 =	vxor.u32 v3, v2;
	v9 =	vand.u32 $0x7FFFF, v9  }
0x2a2: {  	v7 =	vxor.u32 v3, v7;
	v10 =	vand.u32 $0x7FFFF, v10;
	v9 =	vor.u32 v1, v9  }
0x2a3: {  	v11 =	vxor.u32 v8, v5;
	v7 =	vand.u32 $0x7FFFF, v7;
	v10 =	vor.u32 v1, v10;
	[tilespmem:s11+$0x0] =	vst v9  }
0x2a4: {  	v5 =	vxor.u32 v3, v5;
	v11 =	vand.u32 $0x7FFFF, v11;
	v7 =	vor.u32 v1, v7;
	[tilespmem:s11+$0x800] =	vst v10  }
0x2a5: {  	s7 =	sand.u32 $0x7F0, s22;
	v2 =	vxor.u32 v8, v2;
	v5 =	vand.u32 $0x7FFFF, v5;
	v9 =	vor.u32 v1, v11;
	[tilespmem:s11+$0xFFFFF800] =	vst v7  }
0x2a6: {  	v3 =	vxor.u32 v3, v4;
	v2 =	vand.u32 $0x7FFFF, v2;
	v5 =	vor.u32 v1, v5;
	[tilespmem:s7+$0x5000] =	vst v9  }
0x2a7: {  	v6 =	vxor.u32 v4, v8;
	v3 =	vand.u32 $0x7FFFF, v3;
	v2 =	vor.u32 v1, v2;
	[tilespmem:s7+$0x4800] =	vst v5  }
0x2a8: {  	v4 =	vand.u32 $0x7FFFF, v6;
	v3 =	vor.u32 v1, v3;
	[tilespmem:s7+$0x3000] =	vst v2  }
0x2a9: {  	v2 =	vor.u32 v1, v4;
	[tilespmem:s7+$0x3800] =	vst v3  }
0x2aa: {  	[tilespmem:s7+$0x4000] =	vst v2  }
0x2ab: {  	v2 =	vld [tilespmem:s3+$0x0]  }
0x2ac: {  	v3 =	vld [tilespmem:s3+$0x800]  }
0x2ad: {  	v4 =	vld [tilespmem:s3+$0xFFFFF800];
	_ =	sdelay $0x2  }
0x2ae: {  	v2 =	vmul.f32 v2, v0  }
0x2af: {  	v3 =	vmul.f32 v3, v0  }
0x2b0: {  	v4 =	vmul.f32 v4, v0;
	v2 =	vadd.f32 $5.000000000e-01, v2  }
0x2b1: {  	v3 =	vadd.f32 $5.000000000e-01, v3  }
0x2b2: {  	v4 =	vadd.f32 $5.000000000e-01, v4;
	v2 =	vtrunc.f32 v2  }
0x2b3: {  	v3 =	vtrunc.f32 v3;
	v2 =	vcvt.f32.s32 v2  }
0x2b4: {  	v4 =	vtrunc.f32 v4;
	v3 =	vcvt.f32.s32 v3  }
0x2b5: {  	v4 =	vcvt.f32.s32 v4;
	v2 =	vmul.u32 $0x9E3779B1, v2  }
0x2b6: {  	v3 =	vmul.u32 $0x30025795, v3  }
0x2b7: {  	v6 =	vadd.s32 $0x1, v4;
	v5 =	vadd.s32 $0x9E3779B1, v2  }
0x2b8: {  	v7 =	vxor.u32 v4, v2;
	v8 =	vadd.s32 $0x30025795, v3;
	v2 =	vxor.u32 v6, v2  }
0x2b9: {  	v4 =	vxor.u32 v4, v5;
	v5 =	vxor.u32 v6, v5;
	v9 =	vxor.u32 v7, v8  }
0x2ba: {  	v7 =	vxor.u32 v3, v7;
	v6 =	vxor.u32 v2, v8;
	v9 =	vand.u32 $0x7FFFF, v9  }
0x2bb: {  	v10 =	vxor.u32 v3, v4;
	v7 =	vand.u32 $0x7FFFF, v7;
	v9 =	vor.u32 v1, v9  }
0x2bc: {  	v11 =	vxor.u32 v8, v5;
	v10 =	vand.u32 $0x7FFFF, v10;
	v7 =	vor.u32 v1, v7;
	[tilespmem:s31+$0x0] =	vst v9  }
0x2bd: {  	v5 =	vxor.u32 v3, v5;
	v11 =	vand.u32 $0x7FFFF, v11;
	v10 =	vor.u32 v1, v10;
	[tilespmem:s31+$0xFFFFF800] =	vst v7  }
0x2be: {  	s13 =	sand.u32 $0x7F0, s30;
	v4 =	vxor.u32 v8, v4;
	v5 =	vand.u32 $0x7FFFF, v5;
	v9 =	vor.u32 v1, v11;
	[tilespmem:s31+$0x800] =	vst v10  }
0x2bf: {  	v2 =	vxor.u32 v3, v2;
	v4 =	vand.u32 $0x7FFFF, v4;
	v5 =	vor.u32 v1, v5;
	[tilespmem:s13+$0x5000] =	vst v9  }
0x2c0: {  	v2 =	vand.u32 $0x7FFFF, v2;
	v3 =	vor.u32 v1, v4;
	[tilespmem:s13+$0x4800] =	vst v5  }
0x2c1: {  	v2 =	vor.u32 v1, v2;
	v4 =	vand.u32 $0x7FFFF, v6;
	[tilespmem:s13+$0x3000] =	vst v3  }
0x2c2: {  	v3 =	vor.u32 v1, v4;
	[tilespmem:s13+$0x3800] =	vst v2  }
0x2c3: {  	[tilespmem:s13+$0x4000] =	vst v3  }
0x2c4: {  	v2 =	vld [tilespmem:s0+$0x0]  }
0x2c5: {  	v3 =	vld [tilespmem:s0+$0x800]  }
0x2c6: {  	v4 =	vld [tilespmem:s0+$0xFFFFF800];
	_ =	sdelay $0x3  }
0x2c7: {  	v2 =	vmul.f32 v2, v0  }
0x2c8: {  	v3 =	vmul.f32 v3, v0;
	v4 =	vmul.f32 v4, v0  }
0x2c9: {  	v2 =	vadd.f32 $5.000000000e-01, v2  }
0x2ca: {  	v3 =	vadd.f32 $5.000000000e-01, v3;
	v4 =	vadd.f32 $5.000000000e-01, v4  }
0x2cb: {  	v2 =	vtrunc.f32 v2  }
0x2cc: {  	v3 =	vtrunc.f32 v3;
	v4 =	vtrunc.f32 v4  }
0x2cd: {  	v2 =	vcvt.f32.s32 v2;
	v3 =	vcvt.f32.s32 v3  }
0x2ce: {  	v4 =	vcvt.f32.s32 v4  }
0x2cf: {  	v2 =	vmul.u32 $0x9E3779B1, v2;
	v3 =	vmul.u32 $0x30025795, v3  }
0x2d0: {  	v6 =	vadd.s32 $0x1, v4  }
0x2d1: {  	v5 =	vadd.s32 $0x9E3779B1, v2;
	v7 =	vxor.u32 v4, v2;
	v8 =	vadd.s32 $0x30025795, v3  }
0x2d2: {  	v2 =	vxor.u32 v6, v2;
	v4 =	vxor.u32 v4, v5;
	v9 =	vxor.u32 v7, v8  }
0x2d3: {  	v5 =	vxor.u32 v6, v5;
	v7 =	vxor.u32 v3, v7;
	v9 =	vand.u32 $0x7FFFF, v9  }
0x2d4: {  	v10 =	vxor.u32 v3, v4;
	v7 =	vand.u32 $0x7FFFF, v7;
	v9 =	vor.u32 v1, v9  }
0x2d5: {  	v11 =	vxor.u32 v8, v5;
	v10 =	vand.u32 $0x7FFFF, v10;
	v7 =	vor.u32 v1, v7;
	[tilespmem:s29+$0x0] =	vst v9  }
0x2d6: {  	v5 =	vxor.u32 v3, v5;
	v11 =	vand.u32 $0x7FFFF, v11;
	v10 =	vor.u32 v1, v10;
	[tilespmem:s29+$0xFFFFF800] =	vst v7  }
0x2d7: {  	s22 =	sand.u32 $0x7F0, s28;
	v4 =	vxor.u32 v8, v4;
	v5 =	vand.u32 $0x7FFFF, v5;
	v9 =	vor.u32 v1, v11;
	[tilespmem:s29+$0x800] =	vst v10  }
0x2d8: {  	v6 =	vxor.u32 v2, v8;
	v4 =	vand.u32 $0x7FFFF, v4;
	v5 =	vor.u32 v1, v5;
	[tilespmem:s22+$0x5000] =	vst v9  }
0x2d9: {  	v2 =	vxor.u32 v3, v2;
	v3 =	vor.u32 v1, v4;
	v4 =	vand.u32 $0x7FFFF, v6;
	[tilespmem:s22+$0x4800] =	vst v5  }
0x2da: {  	v2 =	vand.u32 $0x7FFFF, v2;
	[tilespmem:s22+$0x3000] =	vst v3;
	v3 =	vor.u32 v1, v4  }
0x2db: {  	v1 =	vor.u32 v1, v2;
	[tilespmem:s22+$0x4000] =	vst v3  }
0x2dc: {  	[tilespmem:s22+$0x3800] =	vst v1  }
0x2dd: {  	[tilespmem:s16], [sflag:$0x1] =	stream.indirect.gather [hbm4b:s5+s14], $0x1, s15, s14, $0xb8;
	[tilespmem:$0xE800] =	vst v63  }
0x2de: {  	_ = 	snop  }
0x2df: {  	[tilespmem:s17], [sflag:$0x1] =	stream.indirect.gather [hbm4b:s1+s14], $0x1, s15, s14, $0xb8;
	[tilespmem:$0xE800] =	vst v63  }
0x2e0: {  	_ =	swait.ge [sflag:s18], $0x4000  }
0x2e1: {  	[sflag:s18] =	ssyncset.done $0x0  }
0x2e2: {  	[sflag:s18] =	ssyncadd.s32 $0xFFFFC000  }
0x2e3: {  	_ =	swait.ge [sflag:s18], $0x4000  }
0x2e4: {  	[sflag:s18] =	ssyncset.done $0x0  }
0x2e5: {  	s30 =	simm.s32 $0x0;
	[sflag:s18] =	ssyncadd.s32 $0xFFFFC000  }
0x2e6: {  	v1 =	vld [tilespmem:s30+$0x1000]  }
0x2e7: {  	v2 =	vld [tilespmem:s30+$0x0]  }
0x2e8: {  	v3 =	vld [tilespmem:s30+$0x800];
	_ =	sdelay $0x3  }
0x2e9: {  	v1 =	vmul.f32 v1, v0  }
0x2ea: {  	v2 =	vmul.f32 v2, v0;
	v3 =	vmul.f32 v3, v0  }
0x2eb: {  	v1 =	vadd.f32 $5.000000000e-01, v1  }
0x2ec: {  	v2 =	vadd.f32 $5.000000000e-01, v2;
	v3 =	vadd.f32 $5.000000000e-01, v3  }
0x2ed: {  	v4 =	vtrunc.f32 v1  }
0x2ee: {  	v6 =	vtrunc.f32 v2;
	v7 =	vtrunc.f32 v3  }
0x2ef: {  	s28 =	simm.s32 $0x10;
	v5 =	vld [tilespmem:s30+$0x5800];
	v6 =	vcvt.f32.s32 v6;
	v7 =	vcvt.f32.s32 v7  }
0x2f0: {  	v15 =	vld [tilespmem:s28+$0x800];
	v4 =	vcvt.f32.s32 v4  }
0x2f1: {  	v8 =	vld [tilespmem:s30+$0x6000];
	v6 =	vcvt.s32.f32 v6;
	v7 =	vcvt.s32.f32 v7  }
0x2f2: {  	v9 =	vld [tilespmem:s30+$0x6800];
	v4 =	vcvt.s32.f32 v4  }
0x2f3: {  	v10 =	vld [tilespmem:s30+$0x7000];
	v2 =	vsub.f32 v2, v6;
	v3 =	vsub.f32 v3, v7  }
0x2f4: {  	v11 =	vld [tilespmem:s30+$0x7800];
	v1 =	vsub.f32 v1, v4  }
0x2f5: {  	v14 =	vld [tilespmem:s30+$0x9800];
	v15 =	vmul.f32 v15, v0;
	v4 =	vsub.f32 $1.000000000e+00, v2;
	v13 =	vsub.f32 $1.000000000e+00, v3  }
0x2f6: {  	v6 =	vld [tilespmem:s28+$0x1000]  }
0x2f7: {  	v15 =	vadd.f32 $5.000000000e-01, v15;
	v7 =	vld [tilespmem:s28+$0x0];
	v16 =	vsub.f32 $1.000000000e+00, v1;
	v17 =	vmul.f32 v13, v4  }
0x2f8: {  	v18 =	vld [tilespmem:s30+$0xA000]  }
0x2f9: {  	v12 =	vld [tilespmem:s30+$0x8000];
	v29 =	vtrunc.f32 v15;
	v20 =	vmul.f32 v16, v17  }
0x2fa: {  	v21 =	vld [tilespmem:s30+$0xA800];
	v4 =	vmul.f32 v3, v4;
	v13 =	vmul.f32 v13, v2  }
0x2fb: {  	v19 =	vld [tilespmem:s30+$0x8800];
	v17 =	vmul.f32 v17, v1;
	v14 =	vmul.f32 v20, v14  }
0x2fc: {  	v23 =	vld [tilespmem:s30+$0xB000];
	v6 =	vmul.f32 v6, v0;
	v7 =	vmul.f32 v7, v0  }
0x2fd: {  	v22 =	vld [tilespmem:s30+$0x9000];
	v25 =	vmul.f32 v16, v4;
	v18 =	vmul.f32 v17, v18;
	v14 =	vadd.f32 $0.0e+00, v14  }
0x2fe: {  	v27 =	vld [tilespmem:s30+$0xB800];
	v2 =	vmul.f32 v3, v2;
	v7 =	vadd.f32 $5.000000000e-01, v7;
	v6 =	vadd.f32 $5.000000000e-01, v6  }
0x2ff: {  	v24 =	vld [tilespmem:s28+$0x5800];
	v4 =	vmul.f32 v1, v4;
	v14 =	vadd.f32 v14, v18;
	v18 =	vmul.f32 v25, v21  }
0x300: {  	v30 =	vld [tilespmem:s30+$0xC000];
	v26 =	vtrunc.f32 v6;
	v21 =	vtrunc.f32 v7  }
0x301: {  	v28 =	vld [tilespmem:s28+$0x6000];
	v14 =	vadd.f32 v14, v18;
	v18 =	vmul.f32 v23, v4;
	v23 =	vmul.f32 v16, v13  }
0x302: {  	v3 =	vld [tilespmem:s30+$0xC800];
	v26 =	vcvt.f32.s32 v26;
	v21 =	vcvt.f32.s32 v21  }
0x303: {  	v31 =	vld [tilespmem:s28+$0x6800];
	v13 =	vmul.f32 v13, v1;
	v14 =	vadd.f32 v14, v18;
	v18 =	vmul.f32 v27, v23  }
0x304: {  	v21 =	vcvt.s32.f32 v21;
	v27 =	vcvt.f32.s32 v29;
	v29 =	vld [tilespmem:s30+$0xD000]  }
0x305: {  	v32 =	vld [tilespmem:s28+$0x7000];
	v16 =	vmul.f32 v16, v2;
	v14 =	vadd.f32 v14, v18;
	v18 =	vmul.f32 v30, v13  }
0x306: {  	v33 =	vld [tilespmem:s28+$0x7800];
	v1 =	vmul.f32 v1, v2;
	v2 =	vsub.f32 v7, v21;
	v7 =	vcvt.s32.f32 v26  }
0x307: {  	v34 =	vld [tilespmem:s28+$0x8800];
	v3 =	vmul.f32 v3, v16;
	v27 =	vcvt.s32.f32 v27;
	v14 =	vadd.f32 v18, v14  }
0x308: {  	s29 =	simm.s32 $0x20;
	v35 =	vld [tilespmem:s28+$0x9000];
	v5 =	vmul.f32 v20, v5;
	v20 =	vsub.f32 v6, v7;
	v7 =	vmul.f32 v17, v8  }
0x309: {  	v8 =	vld [tilespmem:s29+$0x0];
	v15 =	vsub.f32 v15, v27;
	v3 =	vadd.f32 v3, v14;
	v14 =	vmul.f32 v29, v1  }
0x30a: {  	v9 =	vmul.f32 v25, v9;
	v10 =	vmul.f32 v10, v4;
	v4 =	vld [tilespmem:s29+$0x800];
	v6 =	vsub.f32 $1.000000000e+00, v2  }
0x30b: {  	v11 =	vmul.f32 v11, v23;
	v18 =	vld [tilespmem:s29+$0x1000];
	v17 =	vsub.f32 $1.000000000e+00, v15;
	v3 =	vadd.f32 v14, v3  }
0x30c: {  	v5 =	vadd.f32 $0.0e+00, v5;
	v12 =	vmul.f32 v12, v13;
	v25 =	vmul.f32 v22, v1;
	v14 =	vld [tilespmem:s28+$0x9800]  }
0x30d: {  	v30 =	vld [tilespmem:s28+$0x8000];
	v13 =	vmul.f32 v19, v16;
	v21 =	vsub.f32 $1.000000000e+00, v20;
	v23 =	vmul.f32 v17, v6;
	[tilespmem:s30+$0xE000] =	vst v3  }
0x30e: {  	v1 =	vadd.f32 v5, v7;
	v7 =	vmul.f32 v8, v0;
	v6 =	vmul.f32 v15, v6;
	v3 =	vld [tilespmem:s28+$0xA000]  }
0x30f: {  	v17 =	vmul.f32 v17, v2;
	v16 =	vmul.f32 v21, v23  }
0x310: {  	v1 =	vadd.f32 v1, v9;
	v2 =	vmul.f32 v15, v2;
	v5 =	vmul.f32 v18, v0;
	v8 =	vld [tilespmem:s28+$0xA800]  }
0x311: {  	v9 =	vmul.f32 v16, v14;
	v14 =	vmul.f32 v23, v20  }
0x312: {  	v18 =	vadd.f32 $5.000000000e-01, v7;
	v7 =	vmul.f32 v4, v0;
	v1 =	vadd.f32 v1, v10;
	v22 =	vld [tilespmem:s28+$0xB000]  }
0x313: {  	v23 =	vmul.f32 v21, v6;
	v9 =	vadd.f32 $0.0e+00, v9;
	v3 =	vmul.f32 v14, v3  }
0x314: {  	v38 =	vmul.f32 v21, v17;
	v39 =	vmul.f32 v17, v20;
	v19 =	vadd.f32 $5.000000000e-01, v5;
	v27 =	vld [tilespmem:s28+$0xB800]  }
0x315: {  	v4 =	vld [tilespmem:s29+$0x5800];
	v8 =	vmul.f32 v23, v8;
	v3 =	vadd.f32 v9, v3;
	v9 =	vmul.f32 v20, v6  }
0x316: {  	v61 =	vmul.f32 v20, v2;
	v37 =	vld [tilespmem:s28+$0xC000];
	v26 =	vadd.f32 $5.000000000e-01, v7;
	v29 =	vtrunc.f32 v18  }
0x317: {  	v5 =	vld [tilespmem:s29+$0x6000];
	v7 =	vtrunc.f32 v19;
	v3 =	vadd.f32 v3, v8;
	v8 =	vmul.f32 v22, v9  }
0x318: {  	s31 =	simm.s32 $0x30;
	v15 =	vld [tilespmem:s28+$0xC800];
	v1 =	vadd.f32 v1, v11;
	v17 =	vcvt.f32.s32 v29;
	v21 =	vmul.f32 v21, v2  }
0x319: {  	v40 =	vld [tilespmem:s31+$0x0];
	v36 =	vtrunc.f32 v26;
	v11 =	vmul.f32 v27, v38;
	v3 =	vadd.f32 v3, v8  }
0x31a: {  	v10 =	vcvt.f32.s32 v7;
	v27 =	vld [tilespmem:s28+$0xD000];
	v22 =	vcvt.f32.s32 v36  }
0x31b: {  	v2 =	vld [tilespmem:s29+$0x9000];
	v1 =	vadd.f32 v1, v12;
	v12 =	vmul.f32 v37, v39;
	v11 =	vadd.f32 v3, v11  }
0x31c: {  	v7 =	vld [tilespmem:s29+$0x7000];
	v17 =	vcvt.s32.f32 v17;
	v22 =	vcvt.s32.f32 v22  }
0x31d: {  	v29 =	vadd.f32 v13, v1;
	v1 =	vld [tilespmem:s29+$0x8800];
	v13 =	vmul.f32 v15, v21;
	v11 =	vadd.f32 v12, v11  }
0x31e: {  	v31 =	vmul.f32 v23, v31;
	v10 =	vcvt.s32.f32 v10;
	v23 =	vld [tilespmem:s31+$0x800];
	v15 =	vsub.f32 v26, v22  }
0x31f: {  	v26 =	vld [tilespmem:s31+$0x1000];
	v12 =	vsub.f32 v18, v17;
	v11 =	vadd.f32 v13, v11;
	v13 =	vmul.f32 v27, v61  }
0x320: {  	v16 =	vmul.f32 v16, v24;
	v6 =	vld [tilespmem:s29+$0x6800];
	v10 =	vsub.f32 v19, v10;
	v20 =	vsub.f32 $1.000000000e+00, v15  }
0x321: {  	v14 =	vmul.f32 v14, v28;
	v8 =	vld [tilespmem:s29+$0x7800];
	v62 =	vsub.f32 $1.000000000e+00, v12;
	v11 =	vadd.f32 v13, v11  }
0x322: {  	v19 =	vmul.f32 v32, v9;
	v9 =	vmul.f32 v35, v61;
	v22 =	vld [tilespmem:s29+$0x9800];
	v13 =	vadd.f32 $0.0e+00, v16  }
0x323: {  	v3 =	vld [tilespmem:s29+$0x8000];
	v18 =	vmul.f32 v33, v38;
	v17 =	vsub.f32 $1.000000000e+00, v10;
	v27 =	vmul.f32 v20, v62;
	[tilespmem:s28+$0xE000] =	vst v11  }
0x324: {  	v28 =	vmul.f32 v26, v0;
	v16 =	vmul.f32 v30, v39;
	v63 =	vadd.f32 v13, v14;
	v24 =	vld [tilespmem:s29+$0xA000]  }
0x325: {  	v30 =	vadd.f32 v25, v29;
	v29 =	vmul.f32 v40, v0;
	v13 =	vmul.f32 v17, v27;
	v11 =	vld [tilespmem:s31+$0x5800]  }
0x326: {  	s0 =	simm.s32 $0x100;
	v25 =	vmul.f32 v15, v62;
	v14 =	vmul.f32 v34, v21;
	v26 =	vld [tilespmem:s29+$0xA800];
	v21 =	vadd.f32 v63, v31  }
.LBB2_18:
0x327: {  	p0 =	sne.s32 s0, $0x1FC0;
	v31 =	vld [tilespmem:s31+$0x6000];
	v22 =	vmul.f32 v13, v22;
	v27 =	vmul.f32 v27, v10;
	[tilespmem:s30+$0xD800] =	vst v30;
	s30 =	smov.u32 s28;
	s28 =	smov.u32 s29  }
0x328: {  	v28 =	vadd.f32 $5.000000000e-01, v28;
	s29 =	smov.u32 s31;
	v29 =	vadd.f32 $5.000000000e-01, v29;
	v23 =	vmul.f32 v23, v0;
	v30 =	vld [tilespmem:s28+$0xB000]  }
0x329: {  	v33 =	vmul.f32 v17, v25;
	v32 =	vld [tilespmem:s29+$0x6800];
	v22 =	vadd.f32 $0.0e+00, v22;
	v24 =	vmul.f32 v27, v24  }
0x32a: {  	v20 =	vmul.f32 v20, v12;
	v34 =	vtrunc.f32 v28;
	v23 =	vadd.f32 $5.000000000e-01, v23;
	v35 =	vld [tilespmem:s28+$0xB800]  }
0x32b: {  	v25 =	vmul.f32 v10, v25;
	v36 =	vld [tilespmem:s29+$0x7000];
	v22 =	vadd.f32 v22, v24;
	v24 =	vmul.f32 v33, v26  }
0x32c: {  	v19 =	vadd.f32 v21, v19;
	v26 =	vtrunc.f32 v29;
	v37 =	vtrunc.f32 v23;
	v38 =	vld [tilespmem:s28+$0xC000]  }
0x32d: {  	v21 =	vld [tilespmem:s29+$0x7800];
	v22 =	vadd.f32 v22, v24;
	v24 =	vmul.f32 v30, v25;
	v30 =	vmul.f32 v17, v20  }
0x32e: {  	v12 =	vmul.f32 v15, v12;
	v34 =	vcvt.f32.s32 v34;
	v18 =	vadd.f32 v19, v18;
	v15 =	vld [tilespmem:s28+$0xC800]  }
0x32f: {  	v39 =	vld [tilespmem:s29+$0x8000];
	v19 =	vadd.f32 v22, v24;
	v22 =	vmul.f32 v35, v30;
	v24 =	vmul.f32 v20, v10  }
0x330: {  	v16 =	vadd.f32 v18, v16;
	v20 =	vcvt.f32.s32 v26;
	v26 =	vcvt.f32.s32 v37;
	v35 =	vld [tilespmem:s28+$0xD000]  }
0x331: {  	v37 =	vld [tilespmem:s29+$0x8800];
	v18 =	vadd.f32 v19, v22;
	v19 =	vmul.f32 v38, v24;
	v38 =	vmul.f32 v17, v12  }
0x332: {  	v40 =	vadd.f32 v14, v16;
	v17 =	vcvt.s32.f32 v20;
	v20 =	vcvt.s32.f32 v26;
	v26 =	vld [tilespmem:s29+$0x9000]  }
0x333: {  	v41 =	vmul.f32 v10, v12;
	v14 =	vadd.f32 v19, v18;
	v16 =	vmul.f32 v15, v38  }
0x334: {  	v13 =	vmul.f32 v13, v4;
	v4 =	vmovc v11;
	v10 =	vcvt.s32.f32 v34;
	v12 =	vsub.f32 v29, v17  }
0x335: {  	s31 =	sshra.s32 s0, $0x2;
	v15 =	vsub.f32 v23, v20;
	v11 =	vadd.f32 v16, v14;
	v14 =	vmul.f32 v35, v41  }
0x336: {  	v10 =	vsub.f32 v28, v10;
	v28 =	vmul.f32 v27, v5;
	v5 =	vmovc v31;
	v34 =	vsub.f32 $1.000000000e+00, v12;
	v29 =	vld [tilespmem:s31+$0x1000]  }
0x337: {  	v33 =	vmul.f32 v33, v6;
	v6 =	vmovc v32;
	v20 =	vsub.f32 $1.000000000e+00, v15;
	v31 =	vld [tilespmem:s31+$0x0];
	v11 =	vadd.f32 v14, v11  }
.Ltmp7:
0x338: {  	v13 =	vadd.f32 $0.0e+00, v13;
	v19 =	vmul.f32 v7, v25;
	v18 =	vmul.f32 v8, v30;
	v7 =	vmovc v36;
	v8 =	vmovc v21;
	v22 =	vld [tilespmem:s29+$0x9800];
	(pc) =	sbr.rel @p0 .LBB2_18-.Ltmp7, $4  }
0x339: {  	v17 =	vsub.f32 $1.000000000e+00, v10;
	v16 =	vmul.f32 v3, v24;
	v3 =	vmovc v39;
	v27 =	vmul.f32 v20, v34;
	v23 =	vld [tilespmem:s31+$0x800];
	[tilespmem:s28+$0xE000] =	vst v11  }
0x33a: {  	v32 =	vmul.f32 v2, v41;
	v21 =	vadd.f32 v13, v28;
	v14 =	vmul.f32 v1, v38;
	v1 =	vmovc v37;
	v24 =	vld [tilespmem:s29+$0xA000]  }
0x33b: {  	v30 =	vadd.f32 v9, v40;
	v2 =	vmovc v26;
	v13 =	vmul.f32 v17, v27;
	v28 =	vmul.f32 v29, v0;
	v11 =	vld [tilespmem:s31+$0x5800]  }
0x33c: {  	s0 =	sadd.s32 $0x40, s0;
	v9 =	vmovc v32;
	v21 =	vadd.f32 v21, v33;
	v25 =	vmul.f32 v15, v34;
	v29 =	vmul.f32 v31, v0;
	v26 =	vld [tilespmem:s29+$0xA800]  }
0x33d: {  	v31 =	vld [tilespmem:s31+$0x6000];
	v22 =	vmul.f32 v13, v22;
	v27 =	vmul.f32 v27, v10;
	[tilespmem:s30+$0xD800] =	vst v30  }
0x33e: {  	v20 =	vmul.f32 v20, v12;
	v41 =	vld [tilespmem:s29+$0xB000]  }
0x33f: {  	v30 =	vmul.f32 v17, v25;
	v22 =	vadd.f32 $0.0e+00, v22;
	v24 =	vmul.f32 v27, v24  }
0x340: {  	v40 =	vadd.f32 $5.000000000e-01, v28;
	v46 =	vmul.f32 v15, v12;
	v0 =	vmul.f32 v23, v0;
	v33 =	vld [tilespmem:s29+$0xB800]  }
0x341: {  	v25 =	vmul.f32 v10, v25;
	v22 =	vadd.f32 v22, v24;
	v42 =	vmul.f32 v30, v26  }
0x342: {  	v29 =	vadd.f32 $5.000000000e-01, v29;
	v35 =	vld [tilespmem:s29+$0xC000];
	v32 =	vtrunc.f32 v40;
	v45 =	vmul.f32 v17, v20  }
0x343: {  	v20 =	vmul.f32 v20, v10;
	v22 =	vadd.f32 v22, v42;
	v44 =	vmul.f32 v41, v25  }
0x344: {  	v47 =	vld [tilespmem:s29+$0xC800];
	v17 =	vmul.f32 v17, v46;
	v10 =	vmul.f32 v10, v46;
	v0 =	vadd.f32 $5.000000000e-01, v0  }
0x345: {  	v43 =	vtrunc.f32 v29;
	v48 =	vmul.f32 v33, v45;
	v22 =	vadd.f32 v22, v44  }
0x346: {  	v19 =	vadd.f32 v21, v19;
	v51 =	vld [tilespmem:s29+$0xD000];
	v49 =	vcvt.f32.s32 v43;
	v34 =	vtrunc.f32 v0  }
0x347: {  	v50 =	vcvt.f32.s32 v34;
	v52 =	vmul.f32 v35, v20;
	v22 =	vadd.f32 v22, v48  }
0x348: {  	v32 =	vcvt.f32.s32 v32;
	v18 =	vadd.f32 v19, v18;
	v54 =	vcvt.s32.f32 v49  }
0x349: {  	v53 =	vld [tilespmem:s31+$0x6800];
	v15 =	vmul.f32 v47, v17;
	v55 =	vcvt.s32.f32 v50;
	v22 =	vadd.f32 v52, v22  }
0x34a: {  	v56 =	vld [tilespmem:s31+$0x7000];
	v16 =	vadd.f32 v18, v16;
	v58 =	vcvt.s32.f32 v32;
	v57 =	vsub.f32 v29, v54  }
0x34b: {  	v12 =	vld [tilespmem:s31+$0x7800];
	v60 =	vmul.f32 v51, v10;
	v0 =	vsub.f32 v0, v55;
	v15 =	vadd.f32 v15, v22  }
0x34c: {  	v59 =	vld [tilespmem:s31+$0x8000];
	v19 =	vsub.f32 v40, v58;
	v62 =	vsub.f32 $1.000000000e+00, v57  }
0x34d: {  	v4 =	vmul.f32 v13, v4;
	v61 =	vld [tilespmem:s31+$0x8800];
	v36 =	vsub.f32 $1.000000000e+00, v0;
	v15 =	vadd.f32 v60, v15  }
0x34e: {  	v37 =	vld [tilespmem:s31+$0x9800];
	v5 =	vmul.f32 v27, v5;
	v6 =	vmul.f32 v30, v6  }
0x34f: {  	v63 =	vld [tilespmem:s31+$0x9000];
	v14 =	vadd.f32 v14, v16;
	v38 =	vsub.f32 $1.000000000e+00, v19;
	v39 =	vmul.f32 v36, v62;
	[tilespmem:s29+$0xE000] =	vst v15  }
0x350: {  	v7 =	vmul.f32 v7, v25;
	v8 =	vmul.f32 v8, v45;
	v40 =	vld [tilespmem:s31+$0xA000]  }
0x351: {  	v3 =	vmul.f32 v3, v20;
	v9 =	vadd.f32 v9, v14;
	v41 =	vmul.f32 v38, v39  }
0x352: {  	v42 =	vmul.f32 v0, v62;
	v0 =	vmul.f32 v0, v57;
	v43 =	vld [tilespmem:s31+$0xA800]  }
0x353: {  	v44 =	vmul.f32 v39, v19;
	v21 =	vmul.f32 v41, v37;
	[tilespmem:s28+$0xD800] =	vst v9  }
0x354: {  	v45 =	vmul.f32 v38, v42;
	v46 =	vmul.f32 v36, v57;
	v9 =	vld [tilespmem:s31+$0xB000]  }
0x355: {  	v11 =	vmul.f32 v41, v11;
	v21 =	vadd.f32 $0.0e+00, v21;
	v13 =	vmul.f32 v44, v40  }
0x356: {  	v4 =	vadd.f32 $0.0e+00, v4;
	v14 =	vmul.f32 v19, v42;
	v50 =	vmul.f32 v44, v31;
	v47 =	vld [tilespmem:s31+$0xB800]  }
0x357: {  	v11 =	vadd.f32 $0.0e+00, v11;
	v48 =	vmul.f32 v45, v43;
	v13 =	vadd.f32 v21, v13  }
0x358: {  	v4 =	vadd.f32 v4, v5;
	v51 =	vmul.f32 v38, v46;
	v53 =	vmul.f32 v45, v53;
	v49 =	vld [tilespmem:s31+$0xC000]  }
0x359: {  	v52 =	vld [tilespmem:s31+$0xC800];
	v11 =	vadd.f32 v11, v50;
	v9 =	vmul.f32 v9, v14;
	v13 =	vadd.f32 v13, v48  }
0x35a: {  	v4 =	vadd.f32 v4, v6;
	v5 =	vmul.f32 v46, v19;
	v55 =	vmul.f32 v56, v14  }
0x35b: {  	v11 =	vadd.f32 v11, v53;
	v54 =	vmul.f32 v47, v51;
	v9 =	vadd.f32 v13, v9  }
0x35c: {  	v4 =	vadd.f32 v4, v7;
	v57 =	vmul.f32 v38, v0;
	v12 =	vmul.f32 v12, v51;
	v56 =	vld [tilespmem:s31+$0xD000]  }
0x35d: {  	v6 =	vmul.f32 v49, v5;
	v7 =	vadd.f32 v11, v55;
	v9 =	vadd.f32 v9, v54  }
0x35e: {  	v4 =	vadd.f32 v4, v8;
	v0 =	vmul.f32 v19, v0;
	v58 =	vmul.f32 v52, v57  }
0x35f: {  	v5 =	vmul.f32 v59, v5;
	v7 =	vadd.f32 v7, v12;
	v6 =	vadd.f32 v6, v9  }
0x360: {  	v1 =	vmul.f32 v1, v17;
	v3 =	vadd.f32 v4, v3;
	v61 =	vmul.f32 v61, v57  }
0x361: {  	v60 =	vmul.f32 v56, v0;
	v5 =	vadd.f32 v7, v5;
	v59 =	vadd.f32 v58, v6  }
0x362: {  	v2 =	vmul.f32 v2, v10;
	v1 =	vadd.f32 v1, v3  }
0x363: {  	v0 =	vmul.f32 v63, v0;
	v63 =	vadd.f32 v61, v5;
	v62 =	vadd.f32 v60, v59  }
0x364: {  	v1 =	vadd.f32 v2, v1  }
0x365: {  	s0 =	sadd.s32 s24, s26;
	v0 =	vadd.f32 v0, v63;
	[tilespmem:s31+$0xE000] =	vst v62  }
0x366: {  	s0 =	sshrl.u32 s0, $0x3;
	[tilespmem:s29+$0xD800] =	vst v1  }
0x367: {  	s3 =	sadd.s32 s6, s0;
	[tilespmem:s31+$0xD800] =	vst v0  }
0x368: {  	[hbm4b:s3+s2] =	stream.linear.scatter [tilespmem:s19], [sflag:$0x2], $0x800, $0x38;
	[tilespmem:$0xE800] =	vst v63  }
0x369: {  	s25 =	sadd.s32 $0x1, s25;
	_ =	swait.ge [sflag:s12], $0x800  }
0x36a: {  	p0 =	sne.s32 s25, $0x10;
	s0 =	sor.u32 $0x8000, s0;
	[sflag:s12] =	ssyncset.done $0x0  }
.Ltmp8:
0x36b: {  	s0 =	sadd.s32 s6, s0;
	[sflag:s12] =	ssyncadd.s32 $0xFFFFF800;
	(pc) =	sbr.rel @p0 .LBB2_15-.Ltmp8, $4  }
0x36c: {  	[hbm4b:s0+s2] =	stream.linear.scatter [tilespmem:s20], [sflag:$0x2], $0x800, $0x38;
	[tilespmem:$0xE800] =	vst v63  }
0x36d: {  	_ =	swait.ge [sflag:s12], $0x800  }
0x36e: {  	[sflag:s12] =	ssyncset.done $0x0  }
0x36f: {  	[sflag:s12] =	ssyncadd.s32 $0xFFFFF800  }
0x370: {  	s23 =	sadd.s32 $0x1, s23  }
0x371: {  	p0 =	sne.s32 s23, $0x4  }
.Ltmp9:
0x372: {  	_ = 	snop;
	(pc) =	sbr.rel @p0 .LBB2_2-.Ltmp9, $1  }
0x373: {  	_ =	sdelay $0x3  }
0x374: {  	s3 =	rddreg [dreg:$0x8]  }
0x375: {  	s0 =	rddreg [dreg:$0x7];
	s3 =	sadd.s32 $0x1, s3  }
0x376: {  	p0 =	sne.s32 s3, s0  }
.Ltmp10:
0x377: {  	_ = 	snop;
	(pc) =	sbr.rel @p0 .LBB2_1-.Ltmp10, $1  }
0x378: {  	_ =	sdelay $0x3  }
0x379: {  	_ =	sfence.sel $0x180000  }
0x37a: {  	[bflag:$0x0] =	sbarrier.arrive $0xFFFF  }
0x37b: {  	_ =	strace $0x90000047  }
0x37c: {  	s0 =	stileid.u32;
	[bflag:$0x2] =	sbarrier.arrive $0xFFFF  }
0x37d: {  	p0 =	sne.s32 s0, $0x0;
	s0 =	rddreg [dreg:$0x2]  }
0x37e: {  	s0 =	sadd.s32 @!p0 $0x100000, s0  }
0x37f: {  	[sflag:s0] =	ssyncadd.tile.s32 @!p0 $0x1;
	_ =	shalt  }
.Lfunc_end2:
_tile_overlayer_lowered:
.L_overlay_start_2:
0x380: {  	(tag) =	ssettag $0x2  }
0x381: {  	s0 =	rddreg [dreg:$0x0];
	s2 =	stileid.u32  }
0x382: {  	s1 =	rddreg [dreg:$0x1];
	p0 =	sne.s32 s2, $0x0  }
0x383: {  	s3 =	rddreg [dreg:$0x2];
	[bflag:$0x3] =	sbarrier.arrive $0xFFFF;
	s2 =	simm.s32 @!p0 $0x1C02  }
0x384: {  	[timem:s3], [sflag:s2] =	dma.local @!p0 [hbm:s0], s1  }
0x385: {  	s0 =	simm.s32 @!p0 $0x2  }
0x386: {  	_ =	swait.ge @!p0 [sflag:s0], s1  }
0x387: {  	s1 =	ssub.s32 @!p0 $0x0, s1;
	[sflag:s0] =	ssyncset.done @!p0 $0x0  }
0x388: {  	[sflag:s0] =	ssyncadd.s32 @!p0 s1  }
0x389: {  	[bflag:$0x3] =	sbarrier.arrive $0xFFFF  }
0x38a: {  	_ =	shalt  }

</sc_bundles>
